<compile_context>
chip_gen: v7x
topology: tpu7x:2x2x1
jax: 0.10.2.dev20260603
libtpu: 0.0.44.dev20260713+nightly
codegen_flags: <defaults>
</compile_context>

<pallas_src>
import functools

import jax
import jax.numpy as jnp
from jax import lax
from jax.experimental import pallas as pl
from jax.experimental.pallas import tpu as pltpu
from jax.experimental.pallas import tpu_sc as plsc

_B, _T, _D, _K = 8, 1024, 256, 8192
_NTOK = _B * _T
_TT = 256
_NT = _NTOK // _TT
_CBT = 1024
_NW = 32
_BPW = _NTOK // _NW


_ATT = 1024
_ANT = _NTOK // _ATT


def _argmin_body(scale_ref, z_ref, emb_ref, pw_ref, pb_ref,
                 idx_ref, qcb_ref, cbn_ref):
    i = pl.program_id(0)

    @pl.when(i == 0)
    def _():
        for t in range(_K // _CBT):
            q = lax.dot_general(emb_ref[pl.ds(t * _CBT, _CBT), :],
                                pw_ref[...], (((1,), (1,)), ((), ())),
                                preferred_element_type=jnp.float32)
            q = q + pb_ref[...]
            nrm = jnp.sqrt(jnp.sum(q * q, axis=-1, keepdims=True))
            qcb_ref[pl.ds(t * _CBT, _CBT), :] = q
            cbn_ref[pl.ds(t * _CBT, _CBT), :] = q / jnp.maximum(nrm, 1e-12)

    zt = z_ref[...]
    nrm = jnp.sqrt(jnp.sum(zt * zt, axis=-1, keepdims=True))
    zn = zt / jnp.maximum(nrm, 1e-12)
    s = lax.dot_general(zn, cbn_ref[...],
                        (((1,), (1,)), ((), ())),
                        preferred_element_type=jnp.float32)
    d = s * (-scale_ref[0])
    idx_ref[0, 0, :] = jnp.argmin(d, axis=1).astype(jnp.int32)


def _argmin_distances(z_flat, emb_w, proj_w, proj_b, scale):
    idx3, qcb = pl.pallas_call(
        _argmin_body,
        grid=(_ANT,),
        in_specs=[
            pl.BlockSpec(memory_space=pltpu.SMEM),
            pl.BlockSpec((_ATT, _D), lambda i: (i, 0)),
            pl.BlockSpec((_K, _D), lambda i: (0, 0)),
            pl.BlockSpec((_D, _D), lambda i: (0, 0)),
            pl.BlockSpec((1, _D), lambda i: (0, 0)),
        ],
        out_specs=[
            pl.BlockSpec((1, 1, _ATT), lambda i: (i, 0, 0)),
            pl.BlockSpec((_K, _D), lambda i: (0, 0)),
        ],
        out_shape=[
            jax.ShapeDtypeStruct((_ANT, 1, _ATT), jnp.int32),
            jax.ShapeDtypeStruct((_K, _D), jnp.float32),
        ],
        scratch_shapes=[pltpu.VMEM((_K, _D), jnp.float32)],
    )(scale.reshape(1), z_flat, emb_w, proj_w, proj_b.reshape(1, _D))
    return idx3.reshape(_NTOK), qcb


_ZCH = 64
_NZC = _BPW // _ZCH
_NLV = _D // 16


@functools.cache
def _make_gather_sc():
    @functools.partial(
        pl.kernel,
        mesh=plsc.VectorSubcoreMesh(core_axis_name="c", subcore_axis_name="s"),
        out_type=[
            jax.ShapeDtypeStruct((_NTOK, _D), jnp.float32),
            jax.ShapeDtypeStruct((_NW, 16), jnp.float32),
        ],
        scratch_types=[
            pltpu.VMEM((_BPW,), jnp.int32),
            pltpu.VMEM((_BPW, _D), jnp.float32),
            pltpu.VMEM((2, _ZCH, _D), jnp.float32),
            pltpu.VMEM((16,), jnp.float32),
            pltpu.SemaphoreType.DMA,
            pltpu.SemaphoreType.DMA,
            pltpu.SemaphoreType.DMA,
            pltpu.SemaphoreType.DMA,
            pltpu.SemaphoreType.DMA,
        ],
    )
    def _gather_sc(table_hbm, idx_hbm, z_hbm, out_hbm, loss_hbm,
                   idx_v, rows_v, z_v, part_v,
                   sem_g0, sem_g1, sem_z0, sem_z1, sem_o):
        wid = lax.axis_index("s") * 2 + lax.axis_index("c")
        base = wid * _BPW
        pltpu.sync_copy(idx_hbm.at[pl.ds(base, _BPW)], idx_v)
        g_sems = [sem_g0, sem_g1]
        z_sems = [sem_z0, sem_z1]
        g_cp = [None, None]
        z_cp = [None, None]

        def start_chunk(ch):
            b = ch % 2
            g_cp[b] = pltpu.async_copy(
                table_hbm.at[idx_v.at[pl.ds(ch * _ZCH, _ZCH)]],
                rows_v.at[pl.ds(ch * _ZCH, _ZCH)], g_sems[b])
            z_cp[b] = pltpu.async_copy(
                z_hbm.at[pl.ds(base + ch * _ZCH, _ZCH)],
                z_v.at[b], z_sems[b])

        start_chunk(0)
        out_cps = []
        accs = tuple(jnp.zeros((16,), jnp.float32) for _ in range(_NLV))
        for ch in range(_NZC):
            b = ch % 2
            if ch + 1 < _NZC:
                start_chunk(ch + 1)
            g_cp[b].wait()
            z_cp[b].wait()

            def row_body(r, accs, ch=ch, b=b):
                rr = ch * _ZCH + r
                new = []
                for c in range(_NLV):
                    q = rows_v[rr, pl.ds(c * 16, 16)]
                    zz = z_v[b, r, pl.ds(c * 16, 16)]
                    diff = q - zz
                    rows_v[rr, pl.ds(c * 16, 16)] = zz + diff
                    new.append(accs[c] + diff * diff)
                return tuple(new)

            accs = lax.fori_loop(0, _ZCH, row_body, accs)
            out_cps.append(pltpu.async_copy(
                rows_v.at[pl.ds(ch * _ZCH, _ZCH)],
                out_hbm.at[pl.ds(base + ch * _ZCH, _ZCH)], sem_o))

        part = accs[0]
        for c in range(1, _NLV):
            part = part + accs[c]
        part_v[...] = part
        pltpu.sync_copy(part_v, loss_hbm.at[wid])
        for cp in out_cps:
            cp.wait()

    return _gather_sc


def _gather_st_loss(qcb, idx, z_flat):
    return _make_gather_sc()(qcb, idx, z_flat)


def kernel(z, emb_w, proj_w, proj_b, scale):
    z_flat = z.reshape(_NTOK, _D)
    idx, qcb = _argmin_distances(z_flat, emb_w, proj_w, proj_b, scale)
    out, lparts = _gather_st_loss(qcb, idx, z_flat)
    vq_loss = jnp.sum(lparts) * jnp.float32(1.25 / (_NTOK * _D))
    return (out.reshape(_B, _T, _D), vq_loss, idx.reshape(_B, _T))

# --- scband reference (transcript-rebuilt; emitter-appended) ---
"""Pipeline reference for scband-sim-vq-41077067219309 (READ-ONLY COPY).

The authoritative reference and input builder live on the scoring server;
editing this copy changes nothing except your own understanding.
"""

import jax, jax.numpy as jnp
import numpy as np

B, T, D, K = 8, 1024, 256, 8192


def _l2norm(x):
    return x / jnp.maximum(jnp.linalg.norm(x, axis=-1, keepdims=True), 1e-12)


def setup_inputs(seed: int = 0) -> dict:
    key = jax.random.key(seed)
    k1, k2, k3, k4 = jax.random.split(key, 4)
    z = jax.random.normal(k1, (B, T, D), dtype=jnp.float32)
    # frozen codebook, init normal(0, D**-0.5)
    emb_w = jax.random.normal(k2, (K, D), dtype=jnp.float32) * (D ** -0.5)
    # nn.Linear default init: uniform(-1/sqrt(in), 1/sqrt(in))
    bound = 1.0 / np.sqrt(D)
    proj_w = jax.random.uniform(k3, (D, D), minval=-bound, maxval=bound, dtype=jnp.float32)
    proj_b = jax.random.uniform(k4, (D,), minval=-bound, maxval=bound, dtype=jnp.float32)
    scale = jnp.float32(10.0)
    return {"z": z, "emb_w": emb_w, "proj_w": proj_w, "proj_b": proj_b, "scale": scale}


def reference(z, emb_w, proj_w, proj_b, scale):
    input_shape = z.shape
    z_flat = z.reshape(-1, D)
    # learnable projection applied to frozen codebook (torch Linear: x @ W.T + b)
    quant_codebook = emb_w @ proj_w.T + proj_b
    # l2-normalized cosine distances with learnable scale
    z_norm = _l2norm(z_flat)
    cb_norm = _l2norm(quant_codebook)
    distances = -(z_norm @ cb_norm.T) * scale
    encoding_indices = jnp.argmin(distances, axis=1)
    quantized = jnp.take(quant_codebook, encoding_indices, axis=0).reshape(z.shape)
    commitment_loss = jnp.mean((jax.lax.stop_gradient(quantized) - z) ** 2)
    codebook_loss = jnp.mean((quantized - jax.lax.stop_gradient(z)) ** 2)
    # legacy=True: vq_loss = commitment + beta * codebook
    vq_loss = commitment_loss + 0.25 * codebook_loss
    # straight-through estimator
    quantized = z + jax.lax.stop_gradient(quantized - z)
    encoding_indices = encoding_indices.reshape(input_shape[0], input_shape[1])
    return quantized, vq_loss, encoding_indices

if __name__ == "__main__":
    import jax
    _d = setup_inputs()
    print(jax.jit(kernel)(*tuple(_d.values())))

</pallas_src>

<mosaic_0001>
#map = affine_map<(d0, d1) -> (0, 0)>
#map1 = affine_map<(d0, d1) -> (0)>
module attributes {stable_mosaic.version = 14 : i64} {
  func.func @_gather_sc(%arg0: i32, %arg1: i32, %arg2: memref<8192x256xf32, #tpu.memory_space<hbm>>, %arg3: memref<8192xi32, #tpu.memory_space<hbm>>, %arg4: memref<8192x256xf32, #tpu.memory_space<hbm>>, %arg5: memref<8192x256xf32, #tpu.memory_space<hbm>>, %arg6: memref<32x16xf32, #tpu.memory_space<hbm>>, %arg7: memref<256xi32, #tpu.memory_space<vmem>>, %arg8: memref<256x256xf32, #tpu.memory_space<vmem>>, %arg9: memref<2x64x256xf32, #tpu.memory_space<vmem>>, %arg10: memref<16xf32, #tpu.memory_space<vmem>>, %arg11: memref<!tpu.dma_semaphore, #tpu.memory_space<semaphore_mem>>, %arg12: memref<!tpu.dma_semaphore, #tpu.memory_space<semaphore_mem>>, %arg13: memref<!tpu.dma_semaphore, #tpu.memory_space<semaphore_mem>>, %arg14: memref<!tpu.dma_semaphore, #tpu.memory_space<semaphore_mem>>, %arg15: memref<!tpu.dma_semaphore, #tpu.memory_space<semaphore_mem>>) attributes {dimension_semantics = [#tpu.dimension_semantics<core_parallel>, #tpu.dimension_semantics<subcore_parallel>], iteration_bounds = array<i64: 2, 16>, scalar_prefetch = 0 : i64, scratch_operands = 9 : i64, tpu.core_type = #tpu.core_type<sc_vector_subcore>, window_params = [{transform_indices = #map}, {transform_indices = #map1}, {transform_indices = #map}, {transform_indices = #map}, {transform_indices = #map}]} {
    %mul3A = arith.constant 2 : i32
    %mul3A_0 = arith.muli %arg1, %mul3A : i32
    %add3A = arith.addi %mul3A_0, %arg0 : i32
    %mul3A_1 = arith.constant 256 : i32
    %mul3A_2 = arith.muli %add3A, %mul3A_1 : i32
    "tpu.region"() ({
      %run_scoped3A = tpu.sem_alloc : memref<!tpu.dma_semaphore, #tpu.memory_space<semaphore_mem>>
      %dma_start3A_337 = tpu.memref_slice %arg3[%mul3A_2] : memref<8192xi32, #tpu.memory_space<hbm>> -> memref<256xi32, #tpu.memory_space<hbm>>
      %dma_start3A_338 = tpu.memref_slice %arg3[%mul3A_2] : memref<8192xi32, #tpu.memory_space<hbm>> -> memref<256xi32, #tpu.memory_space<hbm>>
      tpu.enqueue_dma source(%dma_start3A_338 : memref<256xi32, #tpu.memory_space<hbm>>) target(%arg7 : memref<256xi32, #tpu.memory_space<vmem>>) target_semaphore(%run_scoped3A : memref<!tpu.dma_semaphore, #tpu.memory_space<semaphore_mem>>)
      %dma_wait3A_339 = tpu.memref_slice %arg3[%mul3A_2] : memref<8192xi32, #tpu.memory_space<hbm>> -> memref<256xi32, #tpu.memory_space<hbm>>
      %dma_wait3A_340 = tpu.memref_slice %arg3[%mul3A_2] : memref<8192xi32, #tpu.memory_space<hbm>> -> memref<256xi32, #tpu.memory_space<hbm>>
      tpu.wait_dma2 semaphore(%run_scoped3A : memref<!tpu.dma_semaphore, #tpu.memory_space<semaphore_mem>>) src(%dma_wait3A_340 : memref<256xi32, #tpu.memory_space<hbm>>) dst(%arg7 : memref<256xi32, #tpu.memory_space<vmem>>)
      tpu.yield
    }) : () -> ()
    %dma_start3A = arith.constant 0 : i32
    %dma_start3A_3 = arith.constant 0 : i32
    %dma_start3A_4 = tpu.memref_slice %arg8[%dma_start3A, %dma_start3A_3] : memref<256x256xf32, #tpu.memory_space<vmem>> -> memref<64x256xf32, #tpu.memory_space<vmem>>
    %dma_start3A_5 = arith.constant 0 : i32
    %dma_start3A_6 = tpu.memref_slice %arg7[%dma_start3A_5] : memref<256xi32, #tpu.memory_space<vmem>> -> memref<64xi32, #tpu.memory_space<vmem>>
    %dma_start3A_7 = arith.constant 0 : i32
    %dma_start3A_8 = arith.constant 0 : i32
    %dma_start3A_9 = tpu.memref_slice %arg2[%dma_start3A_7, %dma_start3A_8] : memref<8192x256xf32, #tpu.memory_space<hbm>> -> memref<8192x256xf32, #tpu.memory_space<hbm>>
    tpu.enqueue_indirect_dma source(%dma_start3A_9 : memref<8192x256xf32, #tpu.memory_space<hbm>>) target(%dma_start3A_4 : memref<64x256xf32, #tpu.memory_space<vmem>>) offsets(%dma_start3A_6 : memref<64xi32, #tpu.memory_space<vmem>>) semaphore(%arg11 : memref<!tpu.dma_semaphore, #tpu.memory_space<semaphore_mem>>)
    %add3A_10 = arith.constant 0 : i32
    %add3A_11 = arith.addi %mul3A_2, %add3A_10 : i32
    %dma_start3A_12 = arith.constant 0 : i32
    %dma_start3A_13 = arith.constant 0 : i32
    %dma_start3A_14 = arith.constant 0 : i32
    %dma_start3A_15 = tpu.memref_slice %arg9[%dma_start3A_12, %dma_start3A_13, %dma_start3A_14] : memref<2x64x256xf32, #tpu.memory_space<vmem>> -> memref<1x64x256xf32, #tpu.memory_space<vmem>>
    %dma_start3A_16 = tpu.memref_squeeze %dma_start3A_15 : memref<1x64x256xf32, #tpu.memory_space<vmem>> -> memref<64x256xf32, #tpu.memory_space<vmem>>
    %dma_start3A_17 = arith.constant 0 : i32
    %dma_start3A_18 = tpu.memref_slice %arg4[%add3A_11, %dma_start3A_17] : memref<8192x256xf32, #tpu.memory_space<hbm>> -> memref<64x256xf32, #tpu.memory_space<hbm>>
    %dma_start3A_19 = arith.constant 0 : i32
    %dma_start3A_20 = arith.constant 0 : i32
    %dma_start3A_21 = tpu.memref_slice %arg9[%dma_start3A_12, %dma_start3A_19, %dma_start3A_20] : memref<2x64x256xf32, #tpu.memory_space<vmem>> -> memref<1x64x256xf32, #tpu.memory_space<vmem>>
    %dma_start3A_22 = tpu.memref_squeeze %dma_start3A_21 : memref<1x64x256xf32, #tpu.memory_space<vmem>> -> memref<64x256xf32, #tpu.memory_space<vmem>>
    %dma_start3A_23 = arith.constant 0 : i32
    %dma_start3A_24 = tpu.memref_slice %arg4[%add3A_11, %dma_start3A_23] : memref<8192x256xf32, #tpu.memory_space<hbm>> -> memref<64x256xf32, #tpu.memory_space<hbm>>
    tpu.enqueue_dma source(%dma_start3A_24 : memref<64x256xf32, #tpu.memory_space<hbm>>) target(%dma_start3A_22 : memref<64x256xf32, #tpu.memory_space<vmem>>) target_semaphore(%arg13 : memref<!tpu.dma_semaphore, #tpu.memory_space<semaphore_mem>>)
    %broadcast_in_dim3A = arith.constant 0.000000e+00 : f32
    %broadcast_in_dim3A_25 = vector.broadcast %broadcast_in_dim3A : f32 to vector<16xf32>
    %broadcast_in_dim3A_26 = arith.constant 0.000000e+00 : f32
    %broadcast_in_dim3A_27 = vector.broadcast %broadcast_in_dim3A_26 : f32 to vector<16xf32>
    %broadcast_in_dim3A_28 = arith.constant 0.000000e+00 : f32
    %broadcast_in_dim3A_29 = vector.broadcast %broadcast_in_dim3A_28 : f32 to vector<16xf32>
    %broadcast_in_dim3A_30 = arith.constant 0.000000e+00 : f32
    %broadcast_in_dim3A_31 = vector.broadcast %broadcast_in_dim3A_30 : f32 to vector<16xf32>
    %broadcast_in_dim3A_32 = arith.constant 0.000000e+00 : f32
    %broadcast_in_dim3A_33 = vector.broadcast %broadcast_in_dim3A_32 : f32 to vector<16xf32>
    %broadcast_in_dim3A_34 = arith.constant 0.000000e+00 : f32
    %broadcast_in_dim3A_35 = vector.broadcast %broadcast_in_dim3A_34 : f32 to vector<16xf32>
    %broadcast_in_dim3A_36 = arith.constant 0.000000e+00 : f32
    %broadcast_in_dim3A_37 = vector.broadcast %broadcast_in_dim3A_36 : f32 to vector<16xf32>
    %broadcast_in_dim3A_38 = arith.constant 0.000000e+00 : f32
    %broadcast_in_dim3A_39 = vector.broadcast %broadcast_in_dim3A_38 : f32 to vector<16xf32>
    %broadcast_in_dim3A_40 = arith.constant 0.000000e+00 : f32
    %broadcast_in_dim3A_41 = vector.broadcast %broadcast_in_dim3A_40 : f32 to vector<16xf32>
    %broadcast_in_dim3A_42 = arith.constant 0.000000e+00 : f32
    %broadcast_in_dim3A_43 = vector.broadcast %broadcast_in_dim3A_42 : f32 to vector<16xf32>
    %broadcast_in_dim3A_44 = arith.constant 0.000000e+00 : f32
    %broadcast_in_dim3A_45 = vector.broadcast %broadcast_in_dim3A_44 : f32 to vector<16xf32>
    %broadcast_in_dim3A_46 = arith.constant 0.000000e+00 : f32
    %broadcast_in_dim3A_47 = vector.broadcast %broadcast_in_dim3A_46 : f32 to vector<16xf32>
    %broadcast_in_dim3A_48 = arith.constant 0.000000e+00 : f32
    %broadcast_in_dim3A_49 = vector.broadcast %broadcast_in_dim3A_48 : f32 to vector<16xf32>
    %broadcast_in_dim3A_50 = arith.constant 0.000000e+00 : f32
    %broadcast_in_dim3A_51 = vector.broadcast %broadcast_in_dim3A_50 : f32 to vector<16xf32>
    %broadcast_in_dim3A_52 = arith.constant 0.000000e+00 : f32
    %broadcast_in_dim3A_53 = vector.broadcast %broadcast_in_dim3A_52 : f32 to vector<16xf32>
    %broadcast_in_dim3A_54 = arith.constant 0.000000e+00 : f32
    %broadcast_in_dim3A_55 = vector.broadcast %broadcast_in_dim3A_54 : f32 to vector<16xf32>
    %dma_start3A_56 = arith.constant 64 : i32
    %dma_start3A_57 = arith.constant 0 : i32
    %dma_start3A_58 = tpu.memref_slice %arg8[%dma_start3A_56, %dma_start3A_57] : memref<256x256xf32, #tpu.memory_space<vmem>> -> memref<64x256xf32, #tpu.memory_space<vmem>>
    %dma_start3A_59 = arith.constant 64 : i32
    %dma_start3A_60 = tpu.memref_slice %arg7[%dma_start3A_59] : memref<256xi32, #tpu.memory_space<vmem>> -> memref<64xi32, #tpu.memory_space<vmem>>
    %dma_start3A_61 = arith.constant 0 : i32
    %dma_start3A_62 = arith.constant 0 : i32
    %dma_start3A_63 = tpu.memref_slice %arg2[%dma_start3A_61, %dma_start3A_62] : memref<8192x256xf32, #tpu.memory_space<hbm>> -> memref<8192x256xf32, #tpu.memory_space<hbm>>
    tpu.enqueue_indirect_dma source(%dma_start3A_63 : memref<8192x256xf32, #tpu.memory_space<hbm>>) target(%dma_start3A_58 : memref<64x256xf32, #tpu.memory_space<vmem>>) offsets(%dma_start3A_60 : memref<64xi32, #tpu.memory_space<vmem>>) semaphore(%arg12 : memref<!tpu.dma_semaphore, #tpu.memory_space<semaphore_mem>>)
    %add3A_64 = arith.constant 64 : i32
    %add3A_65 = arith.addi %mul3A_2, %add3A_64 : i32
    %dma_start3A_66 = arith.constant 1 : i32
    %dma_start3A_67 = arith.constant 0 : i32
    %dma_start3A_68 = arith.constant 0 : i32
    %dma_start3A_69 = tpu.memref_slice %arg9[%dma_start3A_66, %dma_start3A_67, %dma_start3A_68] : memref<2x64x256xf32, #tpu.memory_space<vmem>> -> memref<1x64x256xf32, #tpu.memory_space<vmem>>
    %dma_start3A_70 = tpu.memref_squeeze %dma_start3A_69 : memref<1x64x256xf32, #tpu.memory_space<vmem>> -> memref<64x256xf32, #tpu.memory_space<vmem>>
    %dma_start3A_71 = arith.constant 0 : i32
    %dma_start3A_72 = tpu.memref_slice %arg4[%add3A_65, %dma_start3A_71] : memref<8192x256xf32, #tpu.memory_space<hbm>> -> memref<64x256xf32, #tpu.memory_space<hbm>>
    %dma_start3A_73 = arith.constant 0 : i32
    %dma_start3A_74 = arith.constant 0 : i32
    %dma_start3A_75 = tpu.memref_slice %arg9[%dma_start3A_66, %dma_start3A_73, %dma_start3A_74] : memref<2x64x256xf32, #tpu.memory_space<vmem>> -> memref<1x64x256xf32, #tpu.memory_space<vmem>>
    %dma_start3A_76 = tpu.memref_squeeze %dma_start3A_75 : memref<1x64x256xf32, #tpu.memory_space<vmem>> -> memref<64x256xf32, #tpu.memory_space<vmem>>
    %dma_start3A_77 = arith.constant 0 : i32
    %dma_start3A_78 = tpu.memref_slice %arg4[%add3A_65, %dma_start3A_77] : memref<8192x256xf32, #tpu.memory_space<hbm>> -> memref<64x256xf32, #tpu.memory_space<hbm>>
    tpu.enqueue_dma source(%dma_start3A_78 : memref<64x256xf32, #tpu.memory_space<hbm>>) target(%dma_start3A_76 : memref<64x256xf32, #tpu.memory_space<vmem>>) target_semaphore(%arg14 : memref<!tpu.dma_semaphore, #tpu.memory_space<semaphore_mem>>)
    %dma_wait3A = arith.constant 0 : i32
    %dma_wait3A_79 = arith.constant 0 : i32
    %dma_wait3A_80 = tpu.memref_slice %arg8[%dma_wait3A, %dma_wait3A_79] : memref<256x256xf32, #tpu.memory_space<vmem>> -> memref<64x256xf32, #tpu.memory_space<vmem>>
    %dma_wait3A_81 = arith.constant 0 : i32
    %dma_wait3A_82 = tpu.memref_slice %arg7[%dma_wait3A_81] : memref<256xi32, #tpu.memory_space<vmem>> -> memref<64xi32, #tpu.memory_space<vmem>>
    %dma_wait3A_83 = arith.constant 0 : i32
    %dma_wait3A_84 = arith.constant 0 : i32
    %dma_wait3A_85 = tpu.memref_slice %arg2[%dma_wait3A_83, %dma_wait3A_84] : memref<8192x256xf32, #tpu.memory_space<hbm>> -> memref<8192x256xf32, #tpu.memory_space<hbm>>
    tpu.wait_indirect_dma semaphore(%arg11 : memref<!tpu.dma_semaphore, #tpu.memory_space<semaphore_mem>>) src(%dma_wait3A_85 : memref<8192x256xf32, #tpu.memory_space<hbm>>) dst(%dma_wait3A_80 : memref<64x256xf32, #tpu.memory_space<vmem>>)
    %dma_wait3A_86 = arith.constant 0 : i32
    %dma_wait3A_87 = arith.constant 0 : i32
    %dma_wait3A_88 = arith.constant 0 : i32
    %dma_wait3A_89 = tpu.memref_slice %arg9[%dma_wait3A_86, %dma_wait3A_87, %dma_wait3A_88] : memref<2x64x256xf32, #tpu.memory_space<vmem>> -> memref<1x64x256xf32, #tpu.memory_space<vmem>>
    %dma_wait3A_90 = tpu.memref_squeeze %dma_wait3A_89 : memref<1x64x256xf32, #tpu.memory_space<vmem>> -> memref<64x256xf32, #tpu.memory_space<vmem>>
    %dma_wait3A_91 = arith.constant 0 : i32
    %dma_wait3A_92 = tpu.memref_slice %arg4[%add3A_11, %dma_wait3A_91] : memref<8192x256xf32, #tpu.memory_space<hbm>> -> memref<64x256xf32, #tpu.memory_space<hbm>>
    %dma_wait3A_93 = arith.constant 0 : i32
    %dma_wait3A_94 = arith.constant 0 : i32
    %dma_wait3A_95 = tpu.memref_slice %arg9[%dma_wait3A_86, %dma_wait3A_93, %dma_wait3A_94] : memref<2x64x256xf32, #tpu.memory_space<vmem>> -> memref<1x64x256xf32, #tpu.memory_space<vmem>>
    %dma_wait3A_96 = tpu.memref_squeeze %dma_wait3A_95 : memref<1x64x256xf32, #tpu.memory_space<vmem>> -> memref<64x256xf32, #tpu.memory_space<vmem>>
    %dma_wait3A_97 = arith.constant 0 : i32
    %dma_wait3A_98 = tpu.memref_slice %arg4[%add3A_11, %dma_wait3A_97] : memref<8192x256xf32, #tpu.memory_space<hbm>> -> memref<64x256xf32, #tpu.memory_space<hbm>>
    tpu.wait_dma2 semaphore(%arg13 : memref<!tpu.dma_semaphore, #tpu.memory_space<semaphore_mem>>) src(%dma_wait3A_98 : memref<64x256xf32, #tpu.memory_space<hbm>>) dst(%dma_wait3A_96 : memref<64x256xf32, #tpu.memory_space<vmem>>)
    %scan3A = arith.constant 0 : i32
    %scan3A_99 = arith.constant 64 : i32
    %scan3A_100 = arith.addi %scan3A, %scan3A_99 : i32
    %scan3A_101 = arith.constant 1 : i32
    %scan3A_102:16 = scf.for %scan3A_337 = %scan3A to %scan3A_100 step %scan3A_101 iter_args(%scan3A_338 = %broadcast_in_dim3A_25, %scan3A_339 = %broadcast_in_dim3A_27, %scan3A_340 = %broadcast_in_dim3A_29, %scan3A_341 = %broadcast_in_dim3A_31, %scan3A_342 = %broadcast_in_dim3A_33, %scan3A_343 = %broadcast_in_dim3A_35, %scan3A_344 = %broadcast_in_dim3A_37, %scan3A_345 = %broadcast_in_dim3A_39, %scan3A_346 = %broadcast_in_dim3A_41, %scan3A_347 = %broadcast_in_dim3A_43, %scan3A_348 = %broadcast_in_dim3A_45, %scan3A_349 = %broadcast_in_dim3A_47, %scan3A_350 = %broadcast_in_dim3A_49, %scan3A_351 = %broadcast_in_dim3A_51, %scan3A_352 = %broadcast_in_dim3A_53, %scan3A_353 = %broadcast_in_dim3A_55) -> (vector<16xf32>, vector<16xf32>, vector<16xf32>, vector<16xf32>, vector<16xf32>, vector<16xf32>, vector<16xf32>, vector<16xf32>, vector<16xf32>, vector<16xf32>, vector<16xf32>, vector<16xf32>, vector<16xf32>, vector<16xf32>, vector<16xf32>, vector<16xf32>)  : i32 {
      %add3A_354 = arith.constant 0 : i32
      %add3A_355 = arith.addi %add3A_354, %scan3A_337 : i32
      %get3A = arith.index_cast %add3A_355 : i32 to index
      %get3A_356 = arith.constant 0 : index
      %get3A_357 = tpu.vector_load %arg8[%get3A, %get3A_356] {strides = array<i32>} : memref<256x256xf32, #tpu.memory_space<vmem>>, vector<1x16xf32>,
      %get3A_358 = vector.shape_cast %get3A_357 : vector<1x16xf32> to vector<16xf32>
      %get3A_359 = arith.constant 0 : i32
      %get3A_360 = arith.index_cast %get3A_359 : i32 to index
      %get3A_361 = arith.index_cast %scan3A_337 : i32 to index
      %get3A_362 = arith.constant 0 : index
      %get3A_363 = tpu.vector_load %arg9[%get3A_360, %get3A_361, %get3A_362] {strides = array<i32>} : memref<2x64x256xf32, #tpu.memory_space<vmem>>, vector<1x1x16xf32>,
      %get3A_364 = vector.shape_cast %get3A_363 : vector<1x1x16xf32> to vector<16xf32>
      %sub3A = arith.subf %get3A_358, %get3A_364 : vector<16xf32>
      %add3A_365 = arith.addf %get3A_364, %sub3A : vector<16xf32>
      %swap3A_366 = arith.index_cast %add3A_355 : i32 to index
      %swap3A_367 = arith.constant 0 : index
      %swap3A_368 = tpu.vector_load %arg8[%swap3A_366, %swap3A_367] {strides = array<i32>} : memref<256x256xf32, #tpu.memory_space<vmem>>, vector<1x16xf32>,
      %swap3A_369 = vector.shape_cast %swap3A_368 : vector<1x16xf32> to vector<16xf32>
      %swap3A_370 = vector.shape_cast %add3A_365 : vector<16xf32> to vector<1x16xf32>
      tpu.vector_store %arg8[%swap3A_366, %swap3A_367], %swap3A_370 {strides = array<i32>} : memref<256x256xf32, #tpu.memory_space<vmem>>, vector<1x16xf32>,
      %mul3A_371 = arith.mulf %sub3A, %sub3A : vector<16xf32>
      %add3A_372 = arith.addf %scan3A_338, %mul3A_371 : vector<16xf32>
      %get3A_373 = arith.index_cast %add3A_355 : i32 to index
      %get3A_374 = arith.constant 16 : index
      %get3A_375 = tpu.vector_load %arg8[%get3A_373, %get3A_374] {strides = array<i32>} : memref<256x256xf32, #tpu.memory_space<vmem>>, vector<1x16xf32>,
      %get3A_376 = vector.shape_cast %get3A_375 : vector<1x16xf32> to vector<16xf32>
      %get3A_377 = arith.constant 0 : i32
      %get3A_378 = arith.index_cast %get3A_377 : i32 to index
      %get3A_379 = arith.index_cast %scan3A_337 : i32 to index
      %get3A_380 = arith.constant 16 : index
      %get3A_381 = tpu.vector_load %arg9[%get3A_378, %get3A_379, %get3A_380] {strides = array<i32>} : memref<2x64x256xf32, #tpu.memory_space<vmem>>, vector<1x1x16xf32>,
      %get3A_382 = vector.shape_cast %get3A_381 : vector<1x1x16xf32> to vector<16xf32>
      %sub3A_383 = arith.subf %get3A_376, %get3A_382 : vector<16xf32>
      %add3A_384 = arith.addf %get3A_382, %sub3A_383 : vector<16xf32>
      %swap3A_385 = arith.index_cast %add3A_355 : i32 to index
      %swap3A_386 = arith.constant 16 : index
      %swap3A_387 = tpu.vector_load %arg8[%swap3A_385, %swap3A_386] {strides = array<i32>} : memref<256x256xf32, #tpu.memory_space<vmem>>, vector<1x16xf32>,
      %swap3A_388 = vector.shape_cast %swap3A_387 : vector<1x16xf32> to vector<16xf32>
      %swap3A_389 = vector.shape_cast %add3A_384 : vector<16xf32> to vector<1x16xf32>
      tpu.vector_store %arg8[%swap3A_385, %swap3A_386], %swap3A_389 {strides = array<i32>} : memref<256x256xf32, #tpu.memory_space<vmem>>, vector<1x16xf32>,
      %mul3A_390 = arith.mulf %sub3A_383, %sub3A_383 : vector<16xf32>
      %add3A_391 = arith.addf %scan3A_339, %mul3A_390 : vector<16xf32>
      %get3A_392 = arith.index_cast %add3A_355 : i32 to index
      %get3A_393 = arith.constant 32 : index
      %get3A_394 = tpu.vector_load %arg8[%get3A_392, %get3A_393] {strides = array<i32>} : memref<256x256xf32, #tpu.memory_space<vmem>>, vector<1x16xf32>,
      %get3A_395 = vector.shape_cast %get3A_394 : vector<1x16xf32> to vector<16xf32>
      %get3A_396 = arith.constant 0 : i32
      %get3A_397 = arith.index_cast %get3A_396 : i32 to index
      %get3A_398 = arith.index_cast %scan3A_337 : i32 to index
      %get3A_399 = arith.constant 32 : index
      %get3A_400 = tpu.vector_load %arg9[%get3A_397, %get3A_398, %get3A_399] {strides = array<i32>} : memref<2x64x256xf32, #tpu.memory_space<vmem>>, vector<1x1x16xf32>,
      %get3A_401 = vector.shape_cast %get3A_400 : vector<1x1x16xf32> to vector<16xf32>
      %sub3A_402 = arith.subf %get3A_395, %get3A_401 : vector<16xf32>
      %add3A_403 = arith.addf %get3A_401, %sub3A_402 : vector<16xf32>
      %swap3A_404 = arith.index_cast %add3A_355 : i32 to index
      %swap3A_405 = arith.constant 32 : index
      %swap3A_406 = tpu.vector_load %arg8[%swap3A_404, %swap3A_405] {strides = array<i32>} : memref<256x256xf32, #tpu.memory_space<vmem>>, vector<1x16xf32>,
      %swap3A_407 = vector.shape_cast %swap3A_406 : vector<1x16xf32> to vector<16xf32>
      %swap3A_408 = vector.shape_cast %add3A_403 : vector<16xf32> to vector<1x16xf32>
      tpu.vector_store %arg8[%swap3A_404, %swap3A_405], %swap3A_408 {strides = array<i32>} : memref<256x256xf32, #tpu.memory_space<vmem>>, vector<1x16xf32>,
      %mul3A_409 = arith.mulf %sub3A_402, %sub3A_402 : vector<16xf32>
      %add3A_410 = arith.addf %scan3A_340, %mul3A_409 : vector<16xf32>
      %get3A_411 = arith.index_cast %add3A_355 : i32 to index
      %get3A_412 = arith.constant 48 : index
      %get3A_413 = tpu.vector_load %arg8[%get3A_411, %get3A_412] {strides = array<i32>} : memref<256x256xf32, #tpu.memory_space<vmem>>, vector<1x16xf32>,
      %get3A_414 = vector.shape_cast %get3A_413 : vector<1x16xf32> to vector<16xf32>
      %get3A_415 = arith.constant 0 : i32
      %get3A_416 = arith.index_cast %get3A_415 : i32 to index
      %get3A_417 = arith.index_cast %scan3A_337 : i32 to index
      %get3A_418 = arith.constant 48 : index
      %get3A_419 = tpu.vector_load %arg9[%get3A_416, %get3A_417, %get3A_418] {strides = array<i32>} : memref<2x64x256xf32, #tpu.memory_space<vmem>>, vector<1x1x16xf32>,
      %get3A_420 = vector.shape_cast %get3A_419 : vector<1x1x16xf32> to vector<16xf32>
      %sub3A_421 = arith.subf %get3A_414, %get3A_420 : vector<16xf32>
      %add3A_422 = arith.addf %get3A_420, %sub3A_421 : vector<16xf32>
      %swap3A_423 = arith.index_cast %add3A_355 : i32 to index
      %swap3A_424 = arith.constant 48 : index
      %swap3A_425 = tpu.vector_load %arg8[%swap3A_423, %swap3A_424] {strides = array<i32>} : memref<256x256xf32, #tpu.memory_space<vmem>>, vector<1x16xf32>,
      %swap3A_426 = vector.shape_cast %swap3A_425 : vector<1x16xf32> to vector<16xf32>
      %swap3A_427 = vector.shape_cast %add3A_422 : vector<16xf32> to vector<1x16xf32>
      tpu.vector_store %arg8[%swap3A_423, %swap3A_424], %swap3A_427 {strides = array<i32>} : memref<256x256xf32, #tpu.memory_space<vmem>>, vector<1x16xf32>,
      %mul3A_428 = arith.mulf %sub3A_421, %sub3A_421 : vector<16xf32>
      %add3A_429 = arith.addf %scan3A_341, %mul3A_428 : vector<16xf32>
      %get3A_430 = arith.index_cast %add3A_355 : i32 to index
      %get3A_431 = arith.constant 64 : index
      %get3A_432 = tpu.vector_load %arg8[%get3A_430, %get3A_431] {strides = array<i32>} : memref<256x256xf32, #tpu.memory_space<vmem>>, vector<1x16xf32>,
      %get3A_433 = vector.shape_cast %get3A_432 : vector<1x16xf32> to vector<16xf32>
      %get3A_434 = arith.constant 0 : i32
      %get3A_435 = arith.index_cast %get3A_434 : i32 to index
      %get3A_436 = arith.index_cast %scan3A_337 : i32 to index
      %get3A_437 = arith.constant 64 : index
      %get3A_438 = tpu.vector_load %arg9[%get3A_435, %get3A_436, %get3A_437] {strides = array<i32>} : memref<2x64x256xf32, #tpu.memory_space<vmem>>, vector<1x1x16xf32>,
      %get3A_439 = vector.shape_cast %get3A_438 : vector<1x1x16xf32> to vector<16xf32>
      %sub3A_440 = arith.subf %get3A_433, %get3A_439 : vector<16xf32>
      %add3A_441 = arith.addf %get3A_439, %sub3A_440 : vector<16xf32>
      %swap3A_442 = arith.index_cast %add3A_355 : i32 to index
      %swap3A_443 = arith.constant 64 : index
      %swap3A_444 = tpu.vector_load %arg8[%swap3A_442, %swap3A_443] {strides = array<i32>} : memref<256x256xf32, #tpu.memory_space<vmem>>, vector<1x16xf32>,
      %swap3A_445 = vector.shape_cast %swap3A_444 : vector<1x16xf32> to vector<16xf32>
      %swap3A_446 = vector.shape_cast %add3A_441 : vector<16xf32> to vector<1x16xf32>
      tpu.vector_store %arg8[%swap3A_442, %swap3A_443], %swap3A_446 {strides = array<i32>} : memref<256x256xf32, #tpu.memory_space<vmem>>, vector<1x16xf32>,
      %mul3A_447 = arith.mulf %sub3A_440, %sub3A_440 : vector<16xf32>
      %add3A_448 = arith.addf %scan3A_342, %mul3A_447 : vector<16xf32>
      %get3A_449 = arith.index_cast %add3A_355 : i32 to index
      %get3A_450 = arith.constant 80 : index
      %get3A_451 = tpu.vector_load %arg8[%get3A_449, %get3A_450] {strides = array<i32>} : memref<256x256xf32, #tpu.memory_space<vmem>>, vector<1x16xf32>,
      %get3A_452 = vector.shape_cast %get3A_451 : vector<1x16xf32> to vector<16xf32>
      %get3A_453 = arith.constant 0 : i32
      %get3A_454 = arith.index_cast %get3A_453 : i32 to index
      %get3A_455 = arith.index_cast %scan3A_337 : i32 to index
      %get3A_456 = arith.constant 80 : index
      %get3A_457 = tpu.vector_load %arg9[%get3A_454, %get3A_455, %get3A_456] {strides = array<i32>} : memref<2x64x256xf32, #tpu.memory_space<vmem>>, vector<1x1x16xf32>,
      %get3A_458 = vector.shape_cast %get3A_457 : vector<1x1x16xf32> to vector<16xf32>
      %sub3A_459 = arith.subf %get3A_452, %get3A_458 : vector<16xf32>
      %add3A_460 = arith.addf %get3A_458, %sub3A_459 : vector<16xf32>
      %swap3A_461 = arith.index_cast %add3A_355 : i32 to index
      %swap3A_462 = arith.constant 80 : index
      %swap3A_463 = tpu.vector_load %arg8[%swap3A_461, %swap3A_462] {strides = array<i32>} : memref<256x256xf32, #tpu.memory_space<vmem>>, vector<1x16xf32>,
      %swap3A_464 = vector.shape_cast %swap3A_463 : vector<1x16xf32> to vector<16xf32>
      %swap3A_465 = vector.shape_cast %add3A_460 : vector<16xf32> to vector<1x16xf32>
      tpu.vector_store %arg8[%swap3A_461, %swap3A_462], %swap3A_465 {strides = array<i32>} : memref<256x256xf32, #tpu.memory_space<vmem>>, vector<1x16xf32>,
      %mul3A_466 = arith.mulf %sub3A_459, %sub3A_459 : vector<16xf32>
      %add3A_467 = arith.addf %scan3A_343, %mul3A_466 : vector<16xf32>
      %get3A_468 = arith.index_cast %add3A_355 : i32 to index
      %get3A_469 = arith.constant 96 : index
      %get3A_470 = tpu.vector_load %arg8[%get3A_468, %get3A_469] {strides = array<i32>} : memref<256x256xf32, #tpu.memory_space<vmem>>, vector<1x16xf32>,
      %get3A_471 = vector.shape_cast %get3A_470 : vector<1x16xf32> to vector<16xf32>
      %get3A_472 = arith.constant 0 : i32
      %get3A_473 = arith.index_cast %get3A_472 : i32 to index
      %get3A_474 = arith.index_cast %scan3A_337 : i32 to index
      %get3A_475 = arith.constant 96 : index
      %get3A_476 = tpu.vector_load %arg9[%get3A_473, %get3A_474, %get3A_475] {strides = array<i32>} : memref<2x64x256xf32, #tpu.memory_space<vmem>>, vector<1x1x16xf32>,
      %get3A_477 = vector.shape_cast %get3A_476 : vector<1x1x16xf32> to vector<16xf32>
      %sub3A_478 = arith.subf %get3A_471, %get3A_477 : vector<16xf32>
      %add3A_479 = arith.addf %get3A_477, %sub3A_478 : vector<16xf32>
      %swap3A_480 = arith.index_cast %add3A_355 : i32 to index
      %swap3A_481 = arith.constant 96 : index
      %swap3A_482 = tpu.vector_load %arg8[%swap3A_480, %swap3A_481] {strides = array<i32>} : memref<256x256xf32, #tpu.memory_space<vmem>>, vector<1x16xf32>,
      %swap3A_483 = vector.shape_cast %swap3A_482 : vector<1x16xf32> to vector<16xf32>
      %swap3A_484 = vector.shape_cast %add3A_479 : vector<16xf32> to vector<1x16xf32>
      tpu.vector_store %arg8[%swap3A_480, %swap3A_481], %swap3A_484 {strides = array<i32>} : memref<256x256xf32, #tpu.memory_space<vmem>>, vector<1x16xf32>,
      %mul3A_485 = arith.mulf %sub3A_478, %sub3A_478 : vector<16xf32>
      %add3A_486 = arith.addf %scan3A_344, %mul3A_485 : vector<16xf32>
      %get3A_487 = arith.index_cast %add3A_355 : i32 to index
      %get3A_488 = arith.constant 112 : index
      %get3A_489 = tpu.vector_load %arg8[%get3A_487, %get3A_488] {strides = array<i32>} : memref<256x256xf32, #tpu.memory_space<vmem>>, vector<1x16xf32>,
      %get3A_490 = vector.shape_cast %get3A_489 : vector<1x16xf32> to vector<16xf32>
      %get3A_491 = arith.constant 0 : i32
      %get3A_492 = arith.index_cast %get3A_491 : i32 to index
      %get3A_493 = arith.index_cast %scan3A_337 : i32 to index
      %get3A_494 = arith.constant 112 : index
      %get3A_495 = tpu.vector_load %arg9[%get3A_492, %get3A_493, %get3A_494] {strides = array<i32>} : memref<2x64x256xf32, #tpu.memory_space<vmem>>, vector<1x1x16xf32>,
      %get3A_496 = vector.shape_cast %get3A_495 : vector<1x1x16xf32> to vector<16xf32>
      %sub3A_497 = arith.subf %get3A_490, %get3A_496 : vector<16xf32>
      %add3A_498 = arith.addf %get3A_496, %sub3A_497 : vector<16xf32>
      %swap3A_499 = arith.index_cast %add3A_355 : i32 to index
      %swap3A_500 = arith.constant 112 : index
      %swap3A_501 = tpu.vector_load %arg8[%swap3A_499, %swap3A_500] {strides = array<i32>} : memref<256x256xf32, #tpu.memory_space<vmem>>, vector<1x16xf32>,
      %swap3A_502 = vector.shape_cast %swap3A_501 : vector<1x16xf32> to vector<16xf32>
      %swap3A_503 = vector.shape_cast %add3A_498 : vector<16xf32> to vector<1x16xf32>
      tpu.vector_store %arg8[%swap3A_499, %swap3A_500], %swap3A_503 {strides = array<i32>} : memref<256x256xf32, #tpu.memory_space<vmem>>, vector<1x16xf32>,
      %mul3A_504 = arith.mulf %sub3A_497, %sub3A_497 : vector<16xf32>
      %add3A_505 = arith.addf %scan3A_345, %mul3A_504 : vector<16xf32>
      %get3A_506 = arith.index_cast %add3A_355 : i32 to index
      %get3A_507 = arith.constant 128 : index
      %get3A_508 = tpu.vector_load %arg8[%get3A_506, %get3A_507] {strides = array<i32>} : memref<256x256xf32, #tpu.memory_space<vmem>>, vector<1x16xf32>,
      %get3A_509 = vector.shape_cast %get3A_508 : vector<1x16xf32> to vector<16xf32>
      %get3A_510 = arith.constant 0 : i32
      %get3A_511 = arith.index_cast %get3A_510 : i32 to index
      %get3A_512 = arith.index_cast %scan3A_337 : i32 to index
      %get3A_513 = arith.constant 128 : index
      %get3A_514 = tpu.vector_load %arg9[%get3A_511, %get3A_512, %get3A_513] {strides = array<i32>} : memref<2x64x256xf32, #tpu.memory_space<vmem>>, vector<1x1x16xf32>,
      %get3A_515 = vector.shape_cast %get3A_514 : vector<1x1x16xf32> to vector<16xf32>
      %sub3A_516 = arith.subf %get3A_509, %get3A_515 : vector<16xf32>
      %add3A_517 = arith.addf %get3A_515, %sub3A_516 : vector<16xf32>
      %swap3A_518 = arith.index_cast %add3A_355 : i32 to index
      %swap3A_519 = arith.constant 128 : index
      %swap3A_520 = tpu.vector_load %arg8[%swap3A_518, %swap3A_519] {strides = array<i32>} : memref<256x256xf32, #tpu.memory_space<vmem>>, vector<1x16xf32>,
      %swap3A_521 = vector.shape_cast %swap3A_520 : vector<1x16xf32> to vector<16xf32>
      %swap3A_522 = vector.shape_cast %add3A_517 : vector<16xf32> to vector<1x16xf32>
      tpu.vector_store %arg8[%swap3A_518, %swap3A_519], %swap3A_522 {strides = array<i32>} : memref<256x256xf32, #tpu.memory_space<vmem>>, vector<1x16xf32>,
      %mul3A_523 = arith.mulf %sub3A_516, %sub3A_516 : vector<16xf32>
      %add3A_524 = arith.addf %scan3A_346, %mul3A_523 : vector<16xf32>
      %get3A_525 = arith.index_cast %add3A_355 : i32 to index
      %get3A_526 = arith.constant 144 : index
      %get3A_527 = tpu.vector_load %arg8[%get3A_525, %get3A_526] {strides = array<i32>} : memref<256x256xf32, #tpu.memory_space<vmem>>, vector<1x16xf32>,
      %get3A_528 = vector.shape_cast %get3A_527 : vector<1x16xf32> to vector<16xf32>
      %get3A_529 = arith.constant 0 : i32
      %get3A_530 = arith.index_cast %get3A_529 : i32 to index
      %get3A_531 = arith.index_cast %scan3A_337 : i32 to index
      %get3A_532 = arith.constant 144 : index
      %get3A_533 = tpu.vector_load %arg9[%get3A_530, %get3A_531, %get3A_532] {strides = array<i32>} : memref<2x64x256xf32, #tpu.memory_space<vmem>>, vector<1x1x16xf32>,
      %get3A_534 = vector.shape_cast %get3A_533 : vector<1x1x16xf32> to vector<16xf32>
      %sub3A_535 = arith.subf %get3A_528, %get3A_534 : vector<16xf32>
      %add3A_536 = arith.addf %get3A_534, %sub3A_535 : vector<16xf32>
      %swap3A_537 = arith.index_cast %add3A_355 : i32 to index
      %swap3A_538 = arith.constant 144 : index
      %swap3A_539 = tpu.vector_load %arg8[%swap3A_537, %swap3A_538] {strides = array<i32>} : memref<256x256xf32, #tpu.memory_space<vmem>>, vector<1x16xf32>,
      %swap3A_540 = vector.shape_cast %swap3A_539 : vector<1x16xf32> to vector<16xf32>
      %swap3A_541 = vector.shape_cast %add3A_536 : vector<16xf32> to vector<1x16xf32>
      tpu.vector_store %arg8[%swap3A_537, %swap3A_538], %swap3A_541 {strides = array<i32>} : memref<256x256xf32, #tpu.memory_space<vmem>>, vector<1x16xf32>,
      %mul3A_542 = arith.mulf %sub3A_535, %sub3A_535 : vector<16xf32>
      %add3A_543 = arith.addf %scan3A_347, %mul3A_542 : vector<16xf32>
      %get3A_544 = arith.index_cast %add3A_355 : i32 to index
      %get3A_545 = arith.constant 160 : index
      %get3A_546 = tpu.vector_load %arg8[%get3A_544, %get3A_545] {strides = array<i32>} : memref<256x256xf32, #tpu.memory_space<vmem>>, vector<1x16xf32>,
      %get3A_547 = vector.shape_cast %get3A_546 : vector<1x16xf32> to vector<16xf32>
      %get3A_548 = arith.constant 0 : i32
      %get3A_549 = arith.index_cast %get3A_548 : i32 to index
      %get3A_550 = arith.index_cast %scan3A_337 : i32 to index
      %get3A_551 = arith.constant 160 : index
      %get3A_552 = tpu.vector_load %arg9[%get3A_549, %get3A_550, %get3A_551] {strides = array<i32>} : memref<2x64x256xf32, #tpu.memory_space<vmem>>, vector<1x1x16xf32>,
      %get3A_553 = vector.shape_cast %get3A_552 : vector<1x1x16xf32> to vector<16xf32>
      %sub3A_554 = arith.subf %get3A_547, %get3A_553 : vector<16xf32>
      %add3A_555 = arith.addf %get3A_553, %sub3A_554 : vector<16xf32>
      %swap3A_556 = arith.index_cast %add3A_355 : i32 to index
      %swap3A_557 = arith.constant 160 : index
      %swap3A_558 = tpu.vector_load %arg8[%swap3A_556, %swap3A_557] {strides = array<i32>} : memref<256x256xf32, #tpu.memory_space<vmem>>, vector<1x16xf32>,
      %swap3A_559 = vector.shape_cast %swap3A_558 : vector<1x16xf32> to vector<16xf32>
      %swap3A_560 = vector.shape_cast %add3A_555 : vector<16xf32> to vector<1x16xf32>
      tpu.vector_store %arg8[%swap3A_556, %swap3A_557], %swap3A_560 {strides = array<i32>} : memref<256x256xf32, #tpu.memory_space<vmem>>, vector<1x16xf32>,
      %mul3A_561 = arith.mulf %sub3A_554, %sub3A_554 : vector<16xf32>
      %add3A_562 = arith.addf %scan3A_348, %mul3A_561 : vector<16xf32>
      %get3A_563 = arith.index_cast %add3A_355 : i32 to index
      %get3A_564 = arith.constant 176 : index
      %get3A_565 = tpu.vector_load %arg8[%get3A_563, %get3A_564] {strides = array<i32>} : memref<256x256xf32, #tpu.memory_space<vmem>>, vector<1x16xf32>,
      %get3A_566 = vector.shape_cast %get3A_565 : vector<1x16xf32> to vector<16xf32>
      %get3A_567 = arith.constant 0 : i32
      %get3A_568 = arith.index_cast %get3A_567 : i32 to index
      %get3A_569 = arith.index_cast %scan3A_337 : i32 to index
      %get3A_570 = arith.constant 176 : index
      %get3A_571 = tpu.vector_load %arg9[%get3A_568, %get3A_569, %get3A_570] {strides = array<i32>} : memref<2x64x256xf32, #tpu.memory_space<vmem>>, vector<1x1x16xf32>,
      %get3A_572 = vector.shape_cast %get3A_571 : vector<1x1x16xf32> to vector<16xf32>
      %sub3A_573 = arith.subf %get3A_566, %get3A_572 : vector<16xf32>
      %add3A_574 = arith.addf %get3A_572, %sub3A_573 : vector<16xf32>
      %swap3A_575 = arith.index_cast %add3A_355 : i32 to index
      %swap3A_576 = arith.constant 176 : index
      %swap3A_577 = tpu.vector_load %arg8[%swap3A_575, %swap3A_576] {strides = array<i32>} : memref<256x256xf32, #tpu.memory_space<vmem>>, vector<1x16xf32>,
      %swap3A_578 = vector.shape_cast %swap3A_577 : vector<1x16xf32> to vector<16xf32>
      %swap3A_579 = vector.shape_cast %add3A_574 : vector<16xf32> to vector<1x16xf32>
      tpu.vector_store %arg8[%swap3A_575, %swap3A_576], %swap3A_579 {strides = array<i32>} : memref<256x256xf32, #tpu.memory_space<vmem>>, vector<1x16xf32>,
      %mul3A_580 = arith.mulf %sub3A_573, %sub3A_573 : vector<16xf32>
      %add3A_581 = arith.addf %scan3A_349, %mul3A_580 : vector<16xf32>
      %get3A_582 = arith.index_cast %add3A_355 : i32 to index
      %get3A_583 = arith.constant 192 : index
      %get3A_584 = tpu.vector_load %arg8[%get3A_582, %get3A_583] {strides = array<i32>} : memref<256x256xf32, #tpu.memory_space<vmem>>, vector<1x16xf32>,
      %get3A_585 = vector.shape_cast %get3A_584 : vector<1x16xf32> to vector<16xf32>
      %get3A_586 = arith.constant 0 : i32
      %get3A_587 = arith.index_cast %get3A_586 : i32 to index
      %get3A_588 = arith.index_cast %scan3A_337 : i32 to index
      %get3A_589 = arith.constant 192 : index
      %get3A_590 = tpu.vector_load %arg9[%get3A_587, %get3A_588, %get3A_589] {strides = array<i32>} : memref<2x64x256xf32, #tpu.memory_space<vmem>>, vector<1x1x16xf32>,
      %get3A_591 = vector.shape_cast %get3A_590 : vector<1x1x16xf32> to vector<16xf32>
      %sub3A_592 = arith.subf %get3A_585, %get3A_591 : vector<16xf32>
      %add3A_593 = arith.addf %get3A_591, %sub3A_592 : vector<16xf32>
      %swap3A_594 = arith.index_cast %add3A_355 : i32 to index
      %swap3A_595 = arith.constant 192 : index
      %swap3A_596 = tpu.vector_load %arg8[%swap3A_594, %swap3A_595] {strides = array<i32>} : memref<256x256xf32, #tpu.memory_space<vmem>>, vector<1x16xf32>,
      %swap3A_597 = vector.shape_cast %swap3A_596 : vector<1x16xf32> to vector<16xf32>
      %swap3A_598 = vector.shape_cast %add3A_593 : vector<16xf32> to vector<1x16xf32>
      tpu.vector_store %arg8[%swap3A_594, %swap3A_595], %swap3A_598 {strides = array<i32>} : memref<256x256xf32, #tpu.memory_space<vmem>>, vector<1x16xf32>,
      %mul3A_599 = arith.mulf %sub3A_592, %sub3A_592 : vector<16xf32>
      %add3A_600 = arith.addf %scan3A_350, %mul3A_599 : vector<16xf32>
      %get3A_601 = arith.index_cast %add3A_355 : i32 to index
      %get3A_602 = arith.constant 208 : index
      %get3A_603 = tpu.vector_load %arg8[%get3A_601, %get3A_602] {strides = array<i32>} : memref<256x256xf32, #tpu.memory_space<vmem>>, vector<1x16xf32>,
      %get3A_604 = vector.shape_cast %get3A_603 : vector<1x16xf32> to vector<16xf32>
      %get3A_605 = arith.constant 0 : i32
      %get3A_606 = arith.index_cast %get3A_605 : i32 to index
      %get3A_607 = arith.index_cast %scan3A_337 : i32 to index
      %get3A_608 = arith.constant 208 : index
      %get3A_609 = tpu.vector_load %arg9[%get3A_606, %get3A_607, %get3A_608] {strides = array<i32>} : memref<2x64x256xf32, #tpu.memory_space<vmem>>, vector<1x1x16xf32>,
      %get3A_610 = vector.shape_cast %get3A_609 : vector<1x1x16xf32> to vector<16xf32>
      %sub3A_611 = arith.subf %get3A_604, %get3A_610 : vector<16xf32>
      %add3A_612 = arith.addf %get3A_610, %sub3A_611 : vector<16xf32>
      %swap3A_613 = arith.index_cast %add3A_355 : i32 to index
      %swap3A_614 = arith.constant 208 : index
      %swap3A_615 = tpu.vector_load %arg8[%swap3A_613, %swap3A_614] {strides = array<i32>} : memref<256x256xf32, #tpu.memory_space<vmem>>, vector<1x16xf32>,
      %swap3A_616 = vector.shape_cast %swap3A_615 : vector<1x16xf32> to vector<16xf32>
      %swap3A_617 = vector.shape_cast %add3A_612 : vector<16xf32> to vector<1x16xf32>
      tpu.vector_store %arg8[%swap3A_613, %swap3A_614], %swap3A_617 {strides = array<i32>} : memref<256x256xf32, #tpu.memory_space<vmem>>, vector<1x16xf32>,
      %mul3A_618 = arith.mulf %sub3A_611, %sub3A_611 : vector<16xf32>
      %add3A_619 = arith.addf %scan3A_351, %mul3A_618 : vector<16xf32>
      %get3A_620 = arith.index_cast %add3A_355 : i32 to index
      %get3A_621 = arith.constant 224 : index
      %get3A_622 = tpu.vector_load %arg8[%get3A_620, %get3A_621] {strides = array<i32>} : memref<256x256xf32, #tpu.memory_space<vmem>>, vector<1x16xf32>,
      %get3A_623 = vector.shape_cast %get3A_622 : vector<1x16xf32> to vector<16xf32>
      %get3A_624 = arith.constant 0 : i32
      %get3A_625 = arith.index_cast %get3A_624 : i32 to index
      %get3A_626 = arith.index_cast %scan3A_337 : i32 to index
      %get3A_627 = arith.constant 224 : index
      %get3A_628 = tpu.vector_load %arg9[%get3A_625, %get3A_626, %get3A_627] {strides = array<i32>} : memref<2x64x256xf32, #tpu.memory_space<vmem>>, vector<1x1x16xf32>,
      %get3A_629 = vector.shape_cast %get3A_628 : vector<1x1x16xf32> to vector<16xf32>
      %sub3A_630 = arith.subf %get3A_623, %get3A_629 : vector<16xf32>
      %add3A_631 = arith.addf %get3A_629, %sub3A_630 : vector<16xf32>
      %swap3A_632 = arith.index_cast %add3A_355 : i32 to index
      %swap3A_633 = arith.constant 224 : index
      %swap3A_634 = tpu.vector_load %arg8[%swap3A_632, %swap3A_633] {strides = array<i32>} : memref<256x256xf32, #tpu.memory_space<vmem>>, vector<1x16xf32>,
      %swap3A_635 = vector.shape_cast %swap3A_634 : vector<1x16xf32> to vector<16xf32>
      %swap3A_636 = vector.shape_cast %add3A_631 : vector<16xf32> to vector<1x16xf32>
      tpu.vector_store %arg8[%swap3A_632, %swap3A_633], %swap3A_636 {strides = array<i32>} : memref<256x256xf32, #tpu.memory_space<vmem>>, vector<1x16xf32>,
      %mul3A_637 = arith.mulf %sub3A_630, %sub3A_630 : vector<16xf32>
      %add3A_638 = arith.addf %scan3A_352, %mul3A_637 : vector<16xf32>
      %get3A_639 = arith.index_cast %add3A_355 : i32 to index
      %get3A_640 = arith.constant 240 : index
      %get3A_641 = tpu.vector_load %arg8[%get3A_639, %get3A_640] {strides = array<i32>} : memref<256x256xf32, #tpu.memory_space<vmem>>, vector<1x16xf32>,
      %get3A_642 = vector.shape_cast %get3A_641 : vector<1x16xf32> to vector<16xf32>
      %get3A_643 = arith.constant 0 : i32
      %get3A_644 = arith.index_cast %get3A_643 : i32 to index
      %get3A_645 = arith.index_cast %scan3A_337 : i32 to index
      %get3A_646 = arith.constant 240 : index
      %get3A_647 = tpu.vector_load %arg9[%get3A_644, %get3A_645, %get3A_646] {strides = array<i32>} : memref<2x64x256xf32, #tpu.memory_space<vmem>>, vector<1x1x16xf32>,
      %get3A_648 = vector.shape_cast %get3A_647 : vector<1x1x16xf32> to vector<16xf32>
      %sub3A_649 = arith.subf %get3A_642, %get3A_648 : vector<16xf32>
      %add3A_650 = arith.addf %get3A_648, %sub3A_649 : vector<16xf32>
      %swap3A_651 = arith.index_cast %add3A_355 : i32 to index
      %swap3A_652 = arith.constant 240 : index
      %swap3A_653 = tpu.vector_load %arg8[%swap3A_651, %swap3A_652] {strides = array<i32>} : memref<256x256xf32, #tpu.memory_space<vmem>>, vector<1x16xf32>,
      %swap3A_654 = vector.shape_cast %swap3A_653 : vector<1x16xf32> to vector<16xf32>
      %swap3A_655 = vector.shape_cast %add3A_650 : vector<16xf32> to vector<1x16xf32>
      tpu.vector_store %arg8[%swap3A_651, %swap3A_652], %swap3A_655 {strides = array<i32>} : memref<256x256xf32, #tpu.memory_space<vmem>>, vector<1x16xf32>,
      %mul3A_656 = arith.mulf %sub3A_649, %sub3A_649 : vector<16xf32>
      %add3A_657 = arith.addf %scan3A_353, %mul3A_656 : vector<16xf32>
      scf.yield %add3A_372, %add3A_391, %add3A_410, %add3A_429, %add3A_448, %add3A_467, %add3A_486, %add3A_505, %add3A_524, %add3A_543, %add3A_562, %add3A_581, %add3A_600, %add3A_619, %add3A_638, %add3A_657 : vector<16xf32>, vector<16xf32>, vector<16xf32>, vector<16xf32>, vector<16xf32>, vector<16xf32>, vector<16xf32>, vector<16xf32>, vector<16xf32>, vector<16xf32>, vector<16xf32>, vector<16xf32>, vector<16xf32>, vector<16xf32>, vector<16xf32>, vector<16xf32>
    }
    %scan3A_103 = arith.constant 64 : i32
    %add3A_104 = arith.constant 0 : i32
    %add3A_105 = arith.addi %mul3A_2, %add3A_104 : i32
    %dma_start3A_106 = arith.constant 0 : i32
    %dma_start3A_107 = arith.constant 0 : i32
    %dma_start3A_108 = tpu.memref_slice %arg8[%dma_start3A_106, %dma_start3A_107] : memref<256x256xf32, #tpu.memory_space<vmem>> -> memref<64x256xf32, #tpu.memory_space<vmem>>
    %dma_start3A_109 = arith.constant 0 : i32
    %dma_start3A_110 = tpu.memref_slice %arg5[%add3A_105, %dma_start3A_109] : memref<8192x256xf32, #tpu.memory_space<hbm>> -> memref<64x256xf32, #tpu.memory_space<hbm>>
    %dma_start3A_111 = arith.constant 0 : i32
    %dma_start3A_112 = tpu.memref_slice %arg5[%add3A_105, %dma_start3A_111] : memref<8192x256xf32, #tpu.memory_space<hbm>> -> memref<64x256xf32, #tpu.memory_space<hbm>>
    %dma_start3A_113 = arith.constant 0 : i32
    %dma_start3A_114 = arith.constant 0 : i32
    %dma_start3A_115 = tpu.memref_slice %arg8[%dma_start3A_113, %dma_start3A_114] : memref<256x256xf32, #tpu.memory_space<vmem>> -> memref<64x256xf32, #tpu.memory_space<vmem>>
    tpu.enqueue_dma source(%dma_start3A_115 : memref<64x256xf32, #tpu.memory_space<vmem>>) target(%dma_start3A_112 : memref<64x256xf32, #tpu.memory_space<hbm>>) target_semaphore(%arg15 : memref<!tpu.dma_semaphore, #tpu.memory_space<semaphore_mem>>)
    %dma_start3A_116 = arith.constant 128 : i32
    %dma_start3A_117 = arith.constant 0 : i32
    %dma_start3A_118 = tpu.memref_slice %arg8[%dma_start3A_116, %dma_start3A_117] : memref<256x256xf32, #tpu.memory_space<vmem>> -> memref<64x256xf32, #tpu.memory_space<vmem>>
    %dma_start3A_119 = arith.constant 128 : i32
    %dma_start3A_120 = tpu.memref_slice %arg7[%dma_start3A_119] : memref<256xi32, #tpu.memory_space<vmem>> -> memref<64xi32, #tpu.memory_space<vmem>>
    %dma_start3A_121 = arith.constant 0 : i32
    %dma_start3A_122 = arith.constant 0 : i32
    %dma_start3A_123 = tpu.memref_slice %arg2[%dma_start3A_121, %dma_start3A_122] : memref<8192x256xf32, #tpu.memory_space<hbm>> -> memref<8192x256xf32, #tpu.memory_space<hbm>>
    tpu.enqueue_indirect_dma source(%dma_start3A_123 : memref<8192x256xf32, #tpu.memory_space<hbm>>) target(%dma_start3A_118 : memref<64x256xf32, #tpu.memory_space<vmem>>) offsets(%dma_start3A_120 : memref<64xi32, #tpu.memory_space<vmem>>) semaphore(%arg11 : memref<!tpu.dma_semaphore, #tpu.memory_space<semaphore_mem>>)
    %add3A_124 = arith.constant 128 : i32
    %add3A_125 = arith.addi %mul3A_2, %add3A_124 : i32
    %dma_start3A_126 = arith.constant 0 : i32
    %dma_start3A_127 = arith.constant 0 : i32
    %dma_start3A_128 = arith.constant 0 : i32
    %dma_start3A_129 = tpu.memref_slice %arg9[%dma_start3A_126, %dma_start3A_127, %dma_start3A_128] : memref<2x64x256xf32, #tpu.memory_space<vmem>> -> memref<1x64x256xf32, #tpu.memory_space<vmem>>
    %dma_start3A_130 = tpu.memref_squeeze %dma_start3A_129 : memref<1x64x256xf32, #tpu.memory_space<vmem>> -> memref<64x256xf32, #tpu.memory_space<vmem>>
    %dma_start3A_131 = arith.constant 0 : i32
    %dma_start3A_132 = tpu.memref_slice %arg4[%add3A_125, %dma_start3A_131] : memref<8192x256xf32, #tpu.memory_space<hbm>> -> memref<64x256xf32, #tpu.memory_space<hbm>>
    %dma_start3A_133 = arith.constant 0 : i32
    %dma_start3A_134 = arith.constant 0 : i32
    %dma_start3A_135 = tpu.memref_slice %arg9[%dma_start3A_126, %dma_start3A_133, %dma_start3A_134] : memref<2x64x256xf32, #tpu.memory_space<vmem>> -> memref<1x64x256xf32, #tpu.memory_space<vmem>>
    %dma_start3A_136 = tpu.memref_squeeze %dma_start3A_135 : memref<1x64x256xf32, #tpu.memory_space<vmem>> -> memref<64x256xf32, #tpu.memory_space<vmem>>
    %dma_start3A_137 = arith.constant 0 : i32
    %dma_start3A_138 = tpu.memref_slice %arg4[%add3A_125, %dma_start3A_137] : memref<8192x256xf32, #tpu.memory_space<hbm>> -> memref<64x256xf32, #tpu.memory_space<hbm>>
    tpu.enqueue_dma source(%dma_start3A_138 : memref<64x256xf32, #tpu.memory_space<hbm>>) target(%dma_start3A_136 : memref<64x256xf32, #tpu.memory_space<vmem>>) target_semaphore(%arg13 : memref<!tpu.dma_semaphore, #tpu.memory_space<semaphore_mem>>)
    %dma_wait3A_139 = arith.constant 64 : i32
    %dma_wait3A_140 = arith.constant 0 : i32
    %dma_wait3A_141 = tpu.memref_slice %arg8[%dma_wait3A_139, %dma_wait3A_140] : memref<256x256xf32, #tpu.memory_space<vmem>> -> memref<64x256xf32, #tpu.memory_space<vmem>>
    %dma_wait3A_142 = arith.constant 64 : i32
    %dma_wait3A_143 = tpu.memref_slice %arg7[%dma_wait3A_142] : memref<256xi32, #tpu.memory_space<vmem>> -> memref<64xi32, #tpu.memory_space<vmem>>
    %dma_wait3A_144 = arith.constant 0 : i32
    %dma_wait3A_145 = arith.constant 0 : i32
    %dma_wait3A_146 = tpu.memref_slice %arg2[%dma_wait3A_144, %dma_wait3A_145] : memref<8192x256xf32, #tpu.memory_space<hbm>> -> memref<8192x256xf32, #tpu.memory_space<hbm>>
    tpu.wait_indirect_dma semaphore(%arg12 : memref<!tpu.dma_semaphore, #tpu.memory_space<semaphore_mem>>) src(%dma_wait3A_146 : memref<8192x256xf32, #tpu.memory_space<hbm>>) dst(%dma_wait3A_141 : memref<64x256xf32, #tpu.memory_space<vmem>>)
    %dma_wait3A_147 = arith.constant 1 : i32
    %dma_wait3A_148 = arith.constant 0 : i32
    %dma_wait3A_149 = arith.constant 0 : i32
    %dma_wait3A_150 = tpu.memref_slice %arg9[%dma_wait3A_147, %dma_wait3A_148, %dma_wait3A_149] : memref<2x64x256xf32, #tpu.memory_space<vmem>> -> memref<1x64x256xf32, #tpu.memory_space<vmem>>
    %dma_wait3A_151 = tpu.memref_squeeze %dma_wait3A_150 : memref<1x64x256xf32, #tpu.memory_space<vmem>> -> memref<64x256xf32, #tpu.memory_space<vmem>>
    %dma_wait3A_152 = arith.constant 0 : i32
    %dma_wait3A_153 = tpu.memref_slice %arg4[%add3A_65, %dma_wait3A_152] : memref<8192x256xf32, #tpu.memory_space<hbm>> -> memref<64x256xf32, #tpu.memory_space<hbm>>
    %dma_wait3A_154 = arith.constant 0 : i32
    %dma_wait3A_155 = arith.constant 0 : i32
    %dma_wait3A_156 = tpu.memref_slice %arg9[%dma_wait3A_147, %dma_wait3A_154, %dma_wait3A_155] : memref<2x64x256xf32, #tpu.memory_space<vmem>> -> memref<1x64x256xf32, #tpu.memory_space<vmem>>
    %dma_wait3A_157 = tpu.memref_squeeze %dma_wait3A_156 : memref<1x64x256xf32, #tpu.memory_space<vmem>> -> memref<64x256xf32, #tpu.memory_space<vmem>>
    %dma_wait3A_158 = arith.constant 0 : i32
    %dma_wait3A_159 = tpu.memref_slice %arg4[%add3A_65, %dma_wait3A_158] : memref<8192x256xf32, #tpu.memory_space<hbm>> -> memref<64x256xf32, #tpu.memory_space<hbm>>
    tpu.wait_dma2 semaphore(%arg14 : memref<!tpu.dma_semaphore, #tpu.memory_space<semaphore_mem>>) src(%dma_wait3A_159 : memref<64x256xf32, #tpu.memory_space<hbm>>) dst(%dma_wait3A_157 : memref<64x256xf32, #tpu.memory_space<vmem>>)
    %scan3A_160 = arith.constant 0 : i32
    %scan3A_161 = arith.constant 64 : i32
    %scan3A_162 = arith.addi %scan3A_160, %scan3A_161 : i32
    %scan3A_163 = arith.constant 1 : i32
    %scan3A_164:16 = scf.for %scan3A_337 = %scan3A_160 to %scan3A_162 step %scan3A_163 iter_args(%scan3A_338 = %scan3A_102#0, %scan3A_339 = %scan3A_102#1, %scan3A_340 = %scan3A_102#2, %scan3A_341 = %scan3A_102#3, %scan3A_342 = %scan3A_102#4, %scan3A_343 = %scan3A_102#5, %scan3A_344 = %scan3A_102#6, %scan3A_345 = %scan3A_102#7, %scan3A_346 = %scan3A_102#8, %scan3A_347 = %scan3A_102#9, %scan3A_348 = %scan3A_102#10, %scan3A_349 = %scan3A_102#11, %scan3A_350 = %scan3A_102#12, %scan3A_351 = %scan3A_102#13, %scan3A_352 = %scan3A_102#14, %scan3A_353 = %scan3A_102#15) -> (vector<16xf32>, vector<16xf32>, vector<16xf32>, vector<16xf32>, vector<16xf32>, vector<16xf32>, vector<16xf32>, vector<16xf32>, vector<16xf32>, vector<16xf32>, vector<16xf32>, vector<16xf32>, vector<16xf32>, vector<16xf32>, vector<16xf32>, vector<16xf32>)  : i32 {
      %add3A_354 = arith.constant 64 : i32
      %add3A_355 = arith.addi %add3A_354, %scan3A_337 : i32
      %get3A = arith.index_cast %add3A_355 : i32 to index
      %get3A_356 = arith.constant 0 : index
      %get3A_357 = tpu.vector_load %arg8[%get3A, %get3A_356] {strides = array<i32>} : memref<256x256xf32, #tpu.memory_space<vmem>>, vector<1x16xf32>,
      %get3A_358 = vector.shape_cast %get3A_357 : vector<1x16xf32> to vector<16xf32>
      %get3A_359 = arith.constant 1 : i32
      %get3A_360 = arith.index_cast %get3A_359 : i32 to index
      %get3A_361 = arith.index_cast %scan3A_337 : i32 to index
      %get3A_362 = arith.constant 0 : index
      %get3A_363 = tpu.vector_load %arg9[%get3A_360, %get3A_361, %get3A_362] {strides = array<i32>} : memref<2x64x256xf32, #tpu.memory_space<vmem>>, vector<1x1x16xf32>,
      %get3A_364 = vector.shape_cast %get3A_363 : vector<1x1x16xf32> to vector<16xf32>
      %sub3A = arith.subf %get3A_358, %get3A_364 : vector<16xf32>
      %add3A_365 = arith.addf %get3A_364, %sub3A : vector<16xf32>
      %swap3A_366 = arith.index_cast %add3A_355 : i32 to index
      %swap3A_367 = arith.constant 0 : index
      %swap3A_368 = tpu.vector_load %arg8[%swap3A_366, %swap3A_367] {strides = array<i32>} : memref<256x256xf32, #tpu.memory_space<vmem>>, vector<1x16xf32>,
      %swap3A_369 = vector.shape_cast %swap3A_368 : vector<1x16xf32> to vector<16xf32>
      %swap3A_370 = vector.shape_cast %add3A_365 : vector<16xf32> to vector<1x16xf32>
      tpu.vector_store %arg8[%swap3A_366, %swap3A_367], %swap3A_370 {strides = array<i32>} : memref<256x256xf32, #tpu.memory_space<vmem>>, vector<1x16xf32>,
      %mul3A_371 = arith.mulf %sub3A, %sub3A : vector<16xf32>
      %add3A_372 = arith.addf %scan3A_338, %mul3A_371 : vector<16xf32>
      %get3A_373 = arith.index_cast %add3A_355 : i32 to index
      %get3A_374 = arith.constant 16 : index
      %get3A_375 = tpu.vector_load %arg8[%get3A_373, %get3A_374] {strides = array<i32>} : memref<256x256xf32, #tpu.memory_space<vmem>>, vector<1x16xf32>,
      %get3A_376 = vector.shape_cast %get3A_375 : vector<1x16xf32> to vector<16xf32>
      %get3A_377 = arith.constant 1 : i32
      %get3A_378 = arith.index_cast %get3A_377 : i32 to index
      %get3A_379 = arith.index_cast %scan3A_337 : i32 to index
      %get3A_380 = arith.constant 16 : index
      %get3A_381 = tpu.vector_load %arg9[%get3A_378, %get3A_379, %get3A_380] {strides = array<i32>} : memref<2x64x256xf32, #tpu.memory_space<vmem>>, vector<1x1x16xf32>,
      %get3A_382 = vector.shape_cast %get3A_381 : vector<1x1x16xf32> to vector<16xf32>
      %sub3A_383 = arith.subf %get3A_376, %get3A_382 : vector<16xf32>
      %add3A_384 = arith.addf %get3A_382, %sub3A_383 : vector<16xf32>
      %swap3A_385 = arith.index_cast %add3A_355 : i32 to index
      %swap3A_386 = arith.constant 16 : index
      %swap3A_387 = tpu.vector_load %arg8[%swap3A_385, %swap3A_386] {strides = array<i32>} : memref<256x256xf32, #tpu.memory_space<vmem>>, vector<1x16xf32>,
      %swap3A_388 = vector.shape_cast %swap3A_387 : vector<1x16xf32> to vector<16xf32>
      %swap3A_389 = vector.shape_cast %add3A_384 : vector<16xf32> to vector<1x16xf32>
      tpu.vector_store %arg8[%swap3A_385, %swap3A_386], %swap3A_389 {strides = array<i32>} : memref<256x256xf32, #tpu.memory_space<vmem>>, vector<1x16xf32>,
      %mul3A_390 = arith.mulf %sub3A_383, %sub3A_383 : vector<16xf32>
      %add3A_391 = arith.addf %scan3A_339, %mul3A_390 : vector<16xf32>
      %get3A_392 = arith.index_cast %add3A_355 : i32 to index
      %get3A_393 = arith.constant 32 : index
      %get3A_394 = tpu.vector_load %arg8[%get3A_392, %get3A_393] {strides = array<i32>} : memref<256x256xf32, #tpu.memory_space<vmem>>, vector<1x16xf32>,
      %get3A_395 = vector.shape_cast %get3A_394 : vector<1x16xf32> to vector<16xf32>
      %get3A_396 = arith.constant 1 : i32
      %get3A_397 = arith.index_cast %get3A_396 : i32 to index
      %get3A_398 = arith.index_cast %scan3A_337 : i32 to index
      %get3A_399 = arith.constant 32 : index
      %get3A_400 = tpu.vector_load %arg9[%get3A_397, %get3A_398, %get3A_399] {strides = array<i32>} : memref<2x64x256xf32, #tpu.memory_space<vmem>>, vector<1x1x16xf32>,
      %get3A_401 = vector.shape_cast %get3A_400 : vector<1x1x16xf32> to vector<16xf32>
      %sub3A_402 = arith.subf %get3A_395, %get3A_401 : vector<16xf32>
      %add3A_403 = arith.addf %get3A_401, %sub3A_402 : vector<16xf32>
      %swap3A_404 = arith.index_cast %add3A_355 : i32 to index
      %swap3A_405 = arith.constant 32 : index
      %swap3A_406 = tpu.vector_load %arg8[%swap3A_404, %swap3A_405] {strides = array<i32>} : memref<256x256xf32, #tpu.memory_space<vmem>>, vector<1x16xf32>,
      %swap3A_407 = vector.shape_cast %swap3A_406 : vector<1x16xf32> to vector<16xf32>
      %swap3A_408 = vector.shape_cast %add3A_403 : vector<16xf32> to vector<1x16xf32>
      tpu.vector_store %arg8[%swap3A_404, %swap3A_405], %swap3A_408 {strides = array<i32>} : memref<256x256xf32, #tpu.memory_space<vmem>>, vector<1x16xf32>,
      %mul3A_409 = arith.mulf %sub3A_402, %sub3A_402 : vector<16xf32>
      %add3A_410 = arith.addf %scan3A_340, %mul3A_409 : vector<16xf32>
      %get3A_411 = arith.index_cast %add3A_355 : i32 to index
      %get3A_412 = arith.constant 48 : index
      %get3A_413 = tpu.vector_load %arg8[%get3A_411, %get3A_412] {strides = array<i32>} : memref<256x256xf32, #tpu.memory_space<vmem>>, vector<1x16xf32>,
      %get3A_414 = vector.shape_cast %get3A_413 : vector<1x16xf32> to vector<16xf32>
      %get3A_415 = arith.constant 1 : i32
      %get3A_416 = arith.index_cast %get3A_415 : i32 to index
      %get3A_417 = arith.index_cast %scan3A_337 : i32 to index
      %get3A_418 = arith.constant 48 : index
      %get3A_419 = tpu.vector_load %arg9[%get3A_416, %get3A_417, %get3A_418] {strides = array<i32>} : memref<2x64x256xf32, #tpu.memory_space<vmem>>, vector<1x1x16xf32>,
      %get3A_420 = vector.shape_cast %get3A_419 : vector<1x1x16xf32> to vector<16xf32>
      %sub3A_421 = arith.subf %get3A_414, %get3A_420 : vector<16xf32>
      %add3A_422 = arith.addf %get3A_420, %sub3A_421 : vector<16xf32>
      %swap3A_423 = arith.index_cast %add3A_355 : i32 to index
      %swap3A_424 = arith.constant 48 : index
      %swap3A_425 = tpu.vector_load %arg8[%swap3A_423, %swap3A_424] {strides = array<i32>} : memref<256x256xf32, #tpu.memory_space<vmem>>, vector<1x16xf32>,
      %swap3A_426 = vector.shape_cast %swap3A_425 : vector<1x16xf32> to vector<16xf32>
      %swap3A_427 = vector.shape_cast %add3A_422 : vector<16xf32> to vector<1x16xf32>
      tpu.vector_store %arg8[%swap3A_423, %swap3A_424], %swap3A_427 {strides = array<i32>} : memref<256x256xf32, #tpu.memory_space<vmem>>, vector<1x16xf32>,
      %mul3A_428 = arith.mulf %sub3A_421, %sub3A_421 : vector<16xf32>
      %add3A_429 = arith.addf %scan3A_341, %mul3A_428 : vector<16xf32>
      %get3A_430 = arith.index_cast %add3A_355 : i32 to index
      %get3A_431 = arith.constant 64 : index
      %get3A_432 = tpu.vector_load %arg8[%get3A_430, %get3A_431] {strides = array<i32>} : memref<256x256xf32, #tpu.memory_space<vmem>>, vector<1x16xf32>,
      %get3A_433 = vector.shape_cast %get3A_432 : vector<1x16xf32> to vector<16xf32>
      %get3A_434 = arith.constant 1 : i32
      %get3A_435 = arith.index_cast %get3A_434 : i32 to index
      %get3A_436 = arith.index_cast %scan3A_337 : i32 to index
      %get3A_437 = arith.constant 64 : index
      %get3A_438 = tpu.vector_load %arg9[%get3A_435, %get3A_436, %get3A_437] {strides = array<i32>} : memref<2x64x256xf32, #tpu.memory_space<vmem>>, vector<1x1x16xf32>,
      %get3A_439 = vector.shape_cast %get3A_438 : vector<1x1x16xf32> to vector<16xf32>
      %sub3A_440 = arith.subf %get3A_433, %get3A_439 : vector<16xf32>
      %add3A_441 = arith.addf %get3A_439, %sub3A_440 : vector<16xf32>
      %swap3A_442 = arith.index_cast %add3A_355 : i32 to index
      %swap3A_443 = arith.constant 64 : index
      %swap3A_444 = tpu.vector_load %arg8[%swap3A_442, %swap3A_443] {strides = array<i32>} : memref<256x256xf32, #tpu.memory_space<vmem>>, vector<1x16xf32>,
      %swap3A_445 = vector.shape_cast %swap3A_444 : vector<1x16xf32> to vector<16xf32>
      %swap3A_446 = vector.shape_cast %add3A_441 : vector<16xf32> to vector<1x16xf32>
      tpu.vector_store %arg8[%swap3A_442, %swap3A_443], %swap3A_446 {strides = array<i32>} : memref<256x256xf32, #tpu.memory_space<vmem>>, vector<1x16xf32>,
      %mul3A_447 = arith.mulf %sub3A_440, %sub3A_440 : vector<16xf32>
      %add3A_448 = arith.addf %scan3A_342, %mul3A_447 : vector<16xf32>
      %get3A_449 = arith.index_cast %add3A_355 : i32 to index
      %get3A_450 = arith.constant 80 : index
      %get3A_451 = tpu.vector_load %arg8[%get3A_449, %get3A_450] {strides = array<i32>} : memref<256x256xf32, #tpu.memory_space<vmem>>, vector<1x16xf32>,
      %get3A_452 = vector.shape_cast %get3A_451 : vector<1x16xf32> to vector<16xf32>
      %get3A_453 = arith.constant 1 : i32
      %get3A_454 = arith.index_cast %get3A_453 : i32 to index
      %get3A_455 = arith.index_cast %scan3A_337 : i32 to index
      %get3A_456 = arith.constant 80 : index
      %get3A_457 = tpu.vector_load %arg9[%get3A_454, %get3A_455, %get3A_456] {strides = array<i32>} : memref<2x64x256xf32, #tpu.memory_space<vmem>>, vector<1x1x16xf32>,
      %get3A_458 = vector.shape_cast %get3A_457 : vector<1x1x16xf32> to vector<16xf32>
      %sub3A_459 = arith.subf %get3A_452, %get3A_458 : vector<16xf32>
      %add3A_460 = arith.addf %get3A_458, %sub3A_459 : vector<16xf32>
      %swap3A_461 = arith.index_cast %add3A_355 : i32 to index
      %swap3A_462 = arith.constant 80 : index
      %swap3A_463 = tpu.vector_load %arg8[%swap3A_461, %swap3A_462] {strides = array<i32>} : memref<256x256xf32, #tpu.memory_space<vmem>>, vector<1x16xf32>,
      %swap3A_464 = vector.shape_cast %swap3A_463 : vector<1x16xf32> to vector<16xf32>
      %swap3A_465 = vector.shape_cast %add3A_460 : vector<16xf32> to vector<1x16xf32>
      tpu.vector_store %arg8[%swap3A_461, %swap3A_462], %swap3A_465 {strides = array<i32>} : memref<256x256xf32, #tpu.memory_space<vmem>>, vector<1x16xf32>,
      %mul3A_466 = arith.mulf %sub3A_459, %sub3A_459 : vector<16xf32>
      %add3A_467 = arith.addf %scan3A_343, %mul3A_466 : vector<16xf32>
      %get3A_468 = arith.index_cast %add3A_355 : i32 to index
      %get3A_469 = arith.constant 96 : index
      %get3A_470 = tpu.vector_load %arg8[%get3A_468, %get3A_469] {strides = array<i32>} : memref<256x256xf32, #tpu.memory_space<vmem>>, vector<1x16xf32>,
      %get3A_471 = vector.shape_cast %get3A_470 : vector<1x16xf32> to vector<16xf32>
      %get3A_472 = arith.constant 1 : i32
      %get3A_473 = arith.index_cast %get3A_472 : i32 to index
      %get3A_474 = arith.index_cast %scan3A_337 : i32 to index
      %get3A_475 = arith.constant 96 : index
      %get3A_476 = tpu.vector_load %arg9[%get3A_473, %get3A_474, %get3A_475] {strides = array<i32>} : memref<2x64x256xf32, #tpu.memory_space<vmem>>, vector<1x1x16xf32>,
      %get3A_477 = vector.shape_cast %get3A_476 : vector<1x1x16xf32> to vector<16xf32>
      %sub3A_478 = arith.subf %get3A_471, %get3A_477 : vector<16xf32>
      %add3A_479 = arith.addf %get3A_477, %sub3A_478 : vector<16xf32>
      %swap3A_480 = arith.index_cast %add3A_355 : i32 to index
      %swap3A_481 = arith.constant 96 : index
      %swap3A_482 = tpu.vector_load %arg8[%swap3A_480, %swap3A_481] {strides = array<i32>} : memref<256x256xf32, #tpu.memory_space<vmem>>, vector<1x16xf32>,
      %swap3A_483 = vector.shape_cast %swap3A_482 : vector<1x16xf32> to vector<16xf32>
      %swap3A_484 = vector.shape_cast %add3A_479 : vector<16xf32> to vector<1x16xf32>
      tpu.vector_store %arg8[%swap3A_480, %swap3A_481], %swap3A_484 {strides = array<i32>} : memref<256x256xf32, #tpu.memory_space<vmem>>, vector<1x16xf32>,
      %mul3A_485 = arith.mulf %sub3A_478, %sub3A_478 : vector<16xf32>
      %add3A_486 = arith.addf %scan3A_344, %mul3A_485 : vector<16xf32>
      %get3A_487 = arith.index_cast %add3A_355 : i32 to index
      %get3A_488 = arith.constant 112 : index
      %get3A_489 = tpu.vector_load %arg8[%get3A_487, %get3A_488] {strides = array<i32>} : memref<256x256xf32, #tpu.memory_space<vmem>>, vector<1x16xf32>,
      %get3A_490 = vector.shape_cast %get3A_489 : vector<1x16xf32> to vector<16xf32>
      %get3A_491 = arith.constant 1 : i32
      %get3A_492 = arith.index_cast %get3A_491 : i32 to index
      %get3A_493 = arith.index_cast %scan3A_337 : i32 to index
      %get3A_494 = arith.constant 112 : index
      %get3A_495 = tpu.vector_load %arg9[%get3A_492, %get3A_493, %get3A_494] {strides = array<i32>} : memref<2x64x256xf32, #tpu.memory_space<vmem>>, vector<1x1x16xf32>,
      %get3A_496 = vector.shape_cast %get3A_495 : vector<1x1x16xf32> to vector<16xf32>
      %sub3A_497 = arith.subf %get3A_490, %get3A_496 : vector<16xf32>
      %add3A_498 = arith.addf %get3A_496, %sub3A_497 : vector<16xf32>
      %swap3A_499 = arith.index_cast %add3A_355 : i32 to index
      %swap3A_500 = arith.constant 112 : index
      %swap3A_501 = tpu.vector_load %arg8[%swap3A_499, %swap3A_500] {strides = array<i32>} : memref<256x256xf32, #tpu.memory_space<vmem>>, vector<1x16xf32>,
      %swap3A_502 = vector.shape_cast %swap3A_501 : vector<1x16xf32> to vector<16xf32>
      %swap3A_503 = vector.shape_cast %add3A_498 : vector<16xf32> to vector<1x16xf32>
      tpu.vector_store %arg8[%swap3A_499, %swap3A_500], %swap3A_503 {strides = array<i32>} : memref<256x256xf32, #tpu.memory_space<vmem>>, vector<1x16xf32>,
      %mul3A_504 = arith.mulf %sub3A_497, %sub3A_497 : vector<16xf32>
      %add3A_505 = arith.addf %scan3A_345, %mul3A_504 : vector<16xf32>
      %get3A_506 = arith.index_cast %add3A_355 : i32 to index
      %get3A_507 = arith.constant 128 : index
      %get3A_508 = tpu.vector_load %arg8[%get3A_506, %get3A_507] {strides = array<i32>} : memref<256x256xf32, #tpu.memory_space<vmem>>, vector<1x16xf32>,
      %get3A_509 = vector.shape_cast %get3A_508 : vector<1x16xf32> to vector<16xf32>
      %get3A_510 = arith.constant 1 : i32
      %get3A_511 = arith.index_cast %get3A_510 : i32 to index
      %get3A_512 = arith.index_cast %scan3A_337 : i32 to index
      %get3A_513 = arith.constant 128 : index
      %get3A_514 = tpu.vector_load %arg9[%get3A_511, %get3A_512, %get3A_513] {strides = array<i32>} : memref<2x64x256xf32, #tpu.memory_space<vmem>>, vector<1x1x16xf32>,
      %get3A_515 = vector.shape_cast %get3A_514 : vector<1x1x16xf32> to vector<16xf32>
      %sub3A_516 = arith.subf %get3A_509, %get3A_515 : vector<16xf32>
      %add3A_517 = arith.addf %get3A_515, %sub3A_516 : vector<16xf32>
      %swap3A_518 = arith.index_cast %add3A_355 : i32 to index
      %swap3A_519 = arith.constant 128 : index
      %swap3A_520 = tpu.vector_load %arg8[%swap3A_518, %swap3A_519] {strides = array<i32>} : memref<256x256xf32, #tpu.memory_space<vmem>>, vector<1x16xf32>,
      %swap3A_521 = vector.shape_cast %swap3A_520 : vector<1x16xf32> to vector<16xf32>
      %swap3A_522 = vector.shape_cast %add3A_517 : vector<16xf32> to vector<1x16xf32>
      tpu.vector_store %arg8[%swap3A_518, %swap3A_519], %swap3A_522 {strides = array<i32>} : memref<256x256xf32, #tpu.memory_space<vmem>>, vector<1x16xf32>,
      %mul3A_523 = arith.mulf %sub3A_516, %sub3A_516 : vector<16xf32>
      %add3A_524 = arith.addf %scan3A_346, %mul3A_523 : vector<16xf32>
      %get3A_525 = arith.index_cast %add3A_355 : i32 to index
      %get3A_526 = arith.constant 144 : index
      %get3A_527 = tpu.vector_load %arg8[%get3A_525, %get3A_526] {strides = array<i32>} : memref<256x256xf32, #tpu.memory_space<vmem>>, vector<1x16xf32>,
      %get3A_528 = vector.shape_cast %get3A_527 : vector<1x16xf32> to vector<16xf32>
      %get3A_529 = arith.constant 1 : i32
      %get3A_530 = arith.index_cast %get3A_529 : i32 to index
      %get3A_531 = arith.index_cast %scan3A_337 : i32 to index
      %get3A_532 = arith.constant 144 : index
      %get3A_533 = tpu.vector_load %arg9[%get3A_530, %get3A_531, %get3A_532] {strides = array<i32>} : memref<2x64x256xf32, #tpu.memory_space<vmem>>, vector<1x1x16xf32>,
      %get3A_534 = vector.shape_cast %get3A_533 : vector<1x1x16xf32> to vector<16xf32>
      %sub3A_535 = arith.subf %get3A_528, %get3A_534 : vector<16xf32>
      %add3A_536 = arith.addf %get3A_534, %sub3A_535 : vector<16xf32>
      %swap3A_537 = arith.index_cast %add3A_355 : i32 to index
      %swap3A_538 = arith.constant 144 : index
      %swap3A_539 = tpu.vector_load %arg8[%swap3A_537, %swap3A_538] {strides = array<i32>} : memref<256x256xf32, #tpu.memory_space<vmem>>, vector<1x16xf32>,
      %swap3A_540 = vector.shape_cast %swap3A_539 : vector<1x16xf32> to vector<16xf32>
      %swap3A_541 = vector.shape_cast %add3A_536 : vector<16xf32> to vector<1x16xf32>
      tpu.vector_store %arg8[%swap3A_537, %swap3A_538], %swap3A_541 {strides = array<i32>} : memref<256x256xf32, #tpu.memory_space<vmem>>, vector<1x16xf32>,
      %mul3A_542 = arith.mulf %sub3A_535, %sub3A_535 : vector<16xf32>
      %add3A_543 = arith.addf %scan3A_347, %mul3A_542 : vector<16xf32>
      %get3A_544 = arith.index_cast %add3A_355 : i32 to index
      %get3A_545 = arith.constant 160 : index
      %get3A_546 = tpu.vector_load %arg8[%get3A_544, %get3A_545] {strides = array<i32>} : memref<256x256xf32, #tpu.memory_space<vmem>>, vector<1x16xf32>,
      %get3A_547 = vector.shape_cast %get3A_546 : vector<1x16xf32> to vector<16xf32>
      %get3A_548 = arith.constant 1 : i32
      %get3A_549 = arith.index_cast %get3A_548 : i32 to index
      %get3A_550 = arith.index_cast %scan3A_337 : i32 to index
      %get3A_551 = arith.constant 160 : index
      %get3A_552 = tpu.vector_load %arg9[%get3A_549, %get3A_550, %get3A_551] {strides = array<i32>} : memref<2x64x256xf32, #tpu.memory_space<vmem>>, vector<1x1x16xf32>,
      %get3A_553 = vector.shape_cast %get3A_552 : vector<1x1x16xf32> to vector<16xf32>
      %sub3A_554 = arith.subf %get3A_547, %get3A_553 : vector<16xf32>
      %add3A_555 = arith.addf %get3A_553, %sub3A_554 : vector<16xf32>
      %swap3A_556 = arith.index_cast %add3A_355 : i32 to index
      %swap3A_557 = arith.constant 160 : index
      %swap3A_558 = tpu.vector_load %arg8[%swap3A_556, %swap3A_557] {strides = array<i32>} : memref<256x256xf32, #tpu.memory_space<vmem>>, vector<1x16xf32>,
      %swap3A_559 = vector.shape_cast %swap3A_558 : vector<1x16xf32> to vector<16xf32>
      %swap3A_560 = vector.shape_cast %add3A_555 : vector<16xf32> to vector<1x16xf32>
      tpu.vector_store %arg8[%swap3A_556, %swap3A_557], %swap3A_560 {strides = array<i32>} : memref<256x256xf32, #tpu.memory_space<vmem>>, vector<1x16xf32>,
      %mul3A_561 = arith.mulf %sub3A_554, %sub3A_554 : vector<16xf32>
      %add3A_562 = arith.addf %scan3A_348, %mul3A_561 : vector<16xf32>
      %get3A_563 = arith.index_cast %add3A_355 : i32 to index
      %get3A_564 = arith.constant 176 : index
      %get3A_565 = tpu.vector_load %arg8[%get3A_563, %get3A_564] {strides = array<i32>} : memref<256x256xf32, #tpu.memory_space<vmem>>, vector<1x16xf32>,
      %get3A_566 = vector.shape_cast %get3A_565 : vector<1x16xf32> to vector<16xf32>
      %get3A_567 = arith.constant 1 : i32
      %get3A_568 = arith.index_cast %get3A_567 : i32 to index
      %get3A_569 = arith.index_cast %scan3A_337 : i32 to index
      %get3A_570 = arith.constant 176 : index
      %get3A_571 = tpu.vector_load %arg9[%get3A_568, %get3A_569, %get3A_570] {strides = array<i32>} : memref<2x64x256xf32, #tpu.memory_space<vmem>>, vector<1x1x16xf32>,
      %get3A_572 = vector.shape_cast %get3A_571 : vector<1x1x16xf32> to vector<16xf32>
      %sub3A_573 = arith.subf %get3A_566, %get3A_572 : vector<16xf32>
      %add3A_574 = arith.addf %get3A_572, %sub3A_573 : vector<16xf32>
      %swap3A_575 = arith.index_cast %add3A_355 : i32 to index
      %swap3A_576 = arith.constant 176 : index
      %swap3A_577 = tpu.vector_load %arg8[%swap3A_575, %swap3A_576] {strides = array<i32>} : memref<256x256xf32, #tpu.memory_space<vmem>>, vector<1x16xf32>,
      %swap3A_578 = vector.shape_cast %swap3A_577 : vector<1x16xf32> to vector<16xf32>
      %swap3A_579 = vector.shape_cast %add3A_574 : vector<16xf32> to vector<1x16xf32>
      tpu.vector_store %arg8[%swap3A_575, %swap3A_576], %swap3A_579 {strides = array<i32>} : memref<256x256xf32, #tpu.memory_space<vmem>>, vector<1x16xf32>,
      %mul3A_580 = arith.mulf %sub3A_573, %sub3A_573 : vector<16xf32>
      %add3A_581 = arith.addf %scan3A_349, %mul3A_580 : vector<16xf32>
      %get3A_582 = arith.index_cast %add3A_355 : i32 to index
      %get3A_583 = arith.constant 192 : index
      %get3A_584 = tpu.vector_load %arg8[%get3A_582, %get3A_583] {strides = array<i32>} : memref<256x256xf32, #tpu.memory_space<vmem>>, vector<1x16xf32>,
      %get3A_585 = vector.shape_cast %get3A_584 : vector<1x16xf32> to vector<16xf32>
      %get3A_586 = arith.constant 1 : i32
      %get3A_587 = arith.index_cast %get3A_586 : i32 to index
      %get3A_588 = arith.index_cast %scan3A_337 : i32 to index
      %get3A_589 = arith.constant 192 : index
      %get3A_590 = tpu.vector_load %arg9[%get3A_587, %get3A_588, %get3A_589] {strides = array<i32>} : memref<2x64x256xf32, #tpu.memory_space<vmem>>, vector<1x1x16xf32>,
      %get3A_591 = vector.shape_cast %get3A_590 : vector<1x1x16xf32> to vector<16xf32>
      %sub3A_592 = arith.subf %get3A_585, %get3A_591 : vector<16xf32>
      %add3A_593 = arith.addf %get3A_591, %sub3A_592 : vector<16xf32>
      %swap3A_594 = arith.index_cast %add3A_355 : i32 to index
      %swap3A_595 = arith.constant 192 : index
      %swap3A_596 = tpu.vector_load %arg8[%swap3A_594, %swap3A_595] {strides = array<i32>} : memref<256x256xf32, #tpu.memory_space<vmem>>, vector<1x16xf32>,
      %swap3A_597 = vector.shape_cast %swap3A_596 : vector<1x16xf32> to vector<16xf32>
      %swap3A_598 = vector.shape_cast %add3A_593 : vector<16xf32> to vector<1x16xf32>
      tpu.vector_store %arg8[%swap3A_594, %swap3A_595], %swap3A_598 {strides = array<i32>} : memref<256x256xf32, #tpu.memory_space<vmem>>, vector<1x16xf32>,
      %mul3A_599 = arith.mulf %sub3A_592, %sub3A_592 : vector<16xf32>
      %add3A_600 = arith.addf %scan3A_350, %mul3A_599 : vector<16xf32>
      %get3A_601 = arith.index_cast %add3A_355 : i32 to index
      %get3A_602 = arith.constant 208 : index
      %get3A_603 = tpu.vector_load %arg8[%get3A_601, %get3A_602] {strides = array<i32>} : memref<256x256xf32, #tpu.memory_space<vmem>>, vector<1x16xf32>,
      %get3A_604 = vector.shape_cast %get3A_603 : vector<1x16xf32> to vector<16xf32>
      %get3A_605 = arith.constant 1 : i32
      %get3A_606 = arith.index_cast %get3A_605 : i32 to index
      %get3A_607 = arith.index_cast %scan3A_337 : i32 to index
      %get3A_608 = arith.constant 208 : index
      %get3A_609 = tpu.vector_load %arg9[%get3A_606, %get3A_607, %get3A_608] {strides = array<i32>} : memref<2x64x256xf32, #tpu.memory_space<vmem>>, vector<1x1x16xf32>,
      %get3A_610 = vector.shape_cast %get3A_609 : vector<1x1x16xf32> to vector<16xf32>
      %sub3A_611 = arith.subf %get3A_604, %get3A_610 : vector<16xf32>
      %add3A_612 = arith.addf %get3A_610, %sub3A_611 : vector<16xf32>
      %swap3A_613 = arith.index_cast %add3A_355 : i32 to index
      %swap3A_614 = arith.constant 208 : index
      %swap3A_615 = tpu.vector_load %arg8[%swap3A_613, %swap3A_614] {strides = array<i32>} : memref<256x256xf32, #tpu.memory_space<vmem>>, vector<1x16xf32>,
      %swap3A_616 = vector.shape_cast %swap3A_615 : vector<1x16xf32> to vector<16xf32>
      %swap3A_617 = vector.shape_cast %add3A_612 : vector<16xf32> to vector<1x16xf32>
      tpu.vector_store %arg8[%swap3A_613, %swap3A_614], %swap3A_617 {strides = array<i32>} : memref<256x256xf32, #tpu.memory_space<vmem>>, vector<1x16xf32>,
      %mul3A_618 = arith.mulf %sub3A_611, %sub3A_611 : vector<16xf32>
      %add3A_619 = arith.addf %scan3A_351, %mul3A_618 : vector<16xf32>
      %get3A_620 = arith.index_cast %add3A_355 : i32 to index
      %get3A_621 = arith.constant 224 : index
      %get3A_622 = tpu.vector_load %arg8[%get3A_620, %get3A_621] {strides = array<i32>} : memref<256x256xf32, #tpu.memory_space<vmem>>, vector<1x16xf32>,
      %get3A_623 = vector.shape_cast %get3A_622 : vector<1x16xf32> to vector<16xf32>
      %get3A_624 = arith.constant 1 : i32
      %get3A_625 = arith.index_cast %get3A_624 : i32 to index
      %get3A_626 = arith.index_cast %scan3A_337 : i32 to index
      %get3A_627 = arith.constant 224 : index
      %get3A_628 = tpu.vector_load %arg9[%get3A_625, %get3A_626, %get3A_627] {strides = array<i32>} : memref<2x64x256xf32, #tpu.memory_space<vmem>>, vector<1x1x16xf32>,
      %get3A_629 = vector.shape_cast %get3A_628 : vector<1x1x16xf32> to vector<16xf32>
      %sub3A_630 = arith.subf %get3A_623, %get3A_629 : vector<16xf32>
      %add3A_631 = arith.addf %get3A_629, %sub3A_630 : vector<16xf32>
      %swap3A_632 = arith.index_cast %add3A_355 : i32 to index
      %swap3A_633 = arith.constant 224 : index
      %swap3A_634 = tpu.vector_load %arg8[%swap3A_632, %swap3A_633] {strides = array<i32>} : memref<256x256xf32, #tpu.memory_space<vmem>>, vector<1x16xf32>,
      %swap3A_635 = vector.shape_cast %swap3A_634 : vector<1x16xf32> to vector<16xf32>
      %swap3A_636 = vector.shape_cast %add3A_631 : vector<16xf32> to vector<1x16xf32>
      tpu.vector_store %arg8[%swap3A_632, %swap3A_633], %swap3A_636 {strides = array<i32>} : memref<256x256xf32, #tpu.memory_space<vmem>>, vector<1x16xf32>,
      %mul3A_637 = arith.mulf %sub3A_630, %sub3A_630 : vector<16xf32>
      %add3A_638 = arith.addf %scan3A_352, %mul3A_637 : vector<16xf32>
      %get3A_639 = arith.index_cast %add3A_355 : i32 to index
      %get3A_640 = arith.constant 240 : index
      %get3A_641 = tpu.vector_load %arg8[%get3A_639, %get3A_640] {strides = array<i32>} : memref<256x256xf32, #tpu.memory_space<vmem>>, vector<1x16xf32>,
      %get3A_642 = vector.shape_cast %get3A_641 : vector<1x16xf32> to vector<16xf32>
      %get3A_643 = arith.constant 1 : i32
      %get3A_644 = arith.index_cast %get3A_643 : i32 to index
      %get3A_645 = arith.index_cast %scan3A_337 : i32 to index
      %get3A_646 = arith.constant 240 : index
      %get3A_647 = tpu.vector_load %arg9[%get3A_644, %get3A_645, %get3A_646] {strides = array<i32>} : memref<2x64x256xf32, #tpu.memory_space<vmem>>, vector<1x1x16xf32>,
      %get3A_648 = vector.shape_cast %get3A_647 : vector<1x1x16xf32> to vector<16xf32>
      %sub3A_649 = arith.subf %get3A_642, %get3A_648 : vector<16xf32>
      %add3A_650 = arith.addf %get3A_648, %sub3A_649 : vector<16xf32>
      %swap3A_651 = arith.index_cast %add3A_355 : i32 to index
      %swap3A_652 = arith.constant 240 : index
      %swap3A_653 = tpu.vector_load %arg8[%swap3A_651, %swap3A_652] {strides = array<i32>} : memref<256x256xf32, #tpu.memory_space<vmem>>, vector<1x16xf32>,
      %swap3A_654 = vector.shape_cast %swap3A_653 : vector<1x16xf32> to vector<16xf32>
      %swap3A_655 = vector.shape_cast %add3A_650 : vector<16xf32> to vector<1x16xf32>
      tpu.vector_store %arg8[%swap3A_651, %swap3A_652], %swap3A_655 {strides = array<i32>} : memref<256x256xf32, #tpu.memory_space<vmem>>, vector<1x16xf32>,
      %mul3A_656 = arith.mulf %sub3A_649, %sub3A_649 : vector<16xf32>
      %add3A_657 = arith.addf %scan3A_353, %mul3A_656 : vector<16xf32>
      scf.yield %add3A_372, %add3A_391, %add3A_410, %add3A_429, %add3A_448, %add3A_467, %add3A_486, %add3A_505, %add3A_524, %add3A_543, %add3A_562, %add3A_581, %add3A_600, %add3A_619, %add3A_638, %add3A_657 : vector<16xf32>, vector<16xf32>, vector<16xf32>, vector<16xf32>, vector<16xf32>, vector<16xf32>, vector<16xf32>, vector<16xf32>, vector<16xf32>, vector<16xf32>, vector<16xf32>, vector<16xf32>, vector<16xf32>, vector<16xf32>, vector<16xf32>, vector<16xf32>
    }
    %scan3A_165 = arith.constant 64 : i32
    %add3A_166 = arith.constant 64 : i32
    %add3A_167 = arith.addi %mul3A_2, %add3A_166 : i32
    %dma_start3A_168 = arith.constant 64 : i32
    %dma_start3A_169 = arith.constant 0 : i32
    %dma_start3A_170 = tpu.memref_slice %arg8[%dma_start3A_168, %dma_start3A_169] : memref<256x256xf32, #tpu.memory_space<vmem>> -> memref<64x256xf32, #tpu.memory_space<vmem>>
    %dma_start3A_171 = arith.constant 0 : i32
    %dma_start3A_172 = tpu.memref_slice %arg5[%add3A_167, %dma_start3A_171] : memref<8192x256xf32, #tpu.memory_space<hbm>> -> memref<64x256xf32, #tpu.memory_space<hbm>>
    %dma_start3A_173 = arith.constant 0 : i32
    %dma_start3A_174 = tpu.memref_slice %arg5[%add3A_167, %dma_start3A_173] : memref<8192x256xf32, #tpu.memory_space<hbm>> -> memref<64x256xf32, #tpu.memory_space<hbm>>
    %dma_start3A_175 = arith.constant 64 : i32
    %dma_start3A_176 = arith.constant 0 : i32
    %dma_start3A_177 = tpu.memref_slice %arg8[%dma_start3A_175, %dma_start3A_176] : memref<256x256xf32, #tpu.memory_space<vmem>> -> memref<64x256xf32, #tpu.memory_space<vmem>>
    tpu.enqueue_dma source(%dma_start3A_177 : memref<64x256xf32, #tpu.memory_space<vmem>>) target(%dma_start3A_174 : memref<64x256xf32, #tpu.memory_space<hbm>>) target_semaphore(%arg15 : memref<!tpu.dma_semaphore, #tpu.memory_space<semaphore_mem>>)
    %dma_start3A_178 = arith.constant 192 : i32
    %dma_start3A_179 = arith.constant 0 : i32
    %dma_start3A_180 = tpu.memref_slice %arg8[%dma_start3A_178, %dma_start3A_179] : memref<256x256xf32, #tpu.memory_space<vmem>> -> memref<64x256xf32, #tpu.memory_space<vmem>>
    %dma_start3A_181 = arith.constant 192 : i32
    %dma_start3A_182 = tpu.memref_slice %arg7[%dma_start3A_181] : memref<256xi32, #tpu.memory_space<vmem>> -> memref<64xi32, #tpu.memory_space<vmem>>
    %dma_start3A_183 = arith.constant 0 : i32
    %dma_start3A_184 = arith.constant 0 : i32
    %dma_start3A_185 = tpu.memref_slice %arg2[%dma_start3A_183, %dma_start3A_184] : memref<8192x256xf32, #tpu.memory_space<hbm>> -> memref<8192x256xf32, #tpu.memory_space<hbm>>
    tpu.enqueue_indirect_dma source(%dma_start3A_185 : memref<8192x256xf32, #tpu.memory_space<hbm>>) target(%dma_start3A_180 : memref<64x256xf32, #tpu.memory_space<vmem>>) offsets(%dma_start3A_182 : memref<64xi32, #tpu.memory_space<vmem>>) semaphore(%arg12 : memref<!tpu.dma_semaphore, #tpu.memory_space<semaphore_mem>>)
    %add3A_186 = arith.constant 192 : i32
    %add3A_187 = arith.addi %mul3A_2, %add3A_186 : i32
    %dma_start3A_188 = arith.constant 1 : i32
    %dma_start3A_189 = arith.constant 0 : i32
    %dma_start3A_190 = arith.constant 0 : i32
    %dma_start3A_191 = tpu.memref_slice %arg9[%dma_start3A_188, %dma_start3A_189, %dma_start3A_190] : memref<2x64x256xf32, #tpu.memory_space<vmem>> -> memref<1x64x256xf32, #tpu.memory_space<vmem>>
    %dma_start3A_192 = tpu.memref_squeeze %dma_start3A_191 : memref<1x64x256xf32, #tpu.memory_space<vmem>> -> memref<64x256xf32, #tpu.memory_space<vmem>>
    %dma_start3A_193 = arith.constant 0 : i32
    %dma_start3A_194 = tpu.memref_slice %arg4[%add3A_187, %dma_start3A_193] : memref<8192x256xf32, #tpu.memory_space<hbm>> -> memref<64x256xf32, #tpu.memory_space<hbm>>
    %dma_start3A_195 = arith.constant 0 : i32
    %dma_start3A_196 = arith.constant 0 : i32
    %dma_start3A_197 = tpu.memref_slice %arg9[%dma_start3A_188, %dma_start3A_195, %dma_start3A_196] : memref<2x64x256xf32, #tpu.memory_space<vmem>> -> memref<1x64x256xf32, #tpu.memory_space<vmem>>
    %dma_start3A_198 = tpu.memref_squeeze %dma_start3A_197 : memref<1x64x256xf32, #tpu.memory_space<vmem>> -> memref<64x256xf32, #tpu.memory_space<vmem>>
    %dma_start3A_199 = arith.constant 0 : i32
    %dma_start3A_200 = tpu.memref_slice %arg4[%add3A_187, %dma_start3A_199] : memref<8192x256xf32, #tpu.memory_space<hbm>> -> memref<64x256xf32, #tpu.memory_space<hbm>>
    tpu.enqueue_dma source(%dma_start3A_200 : memref<64x256xf32, #tpu.memory_space<hbm>>) target(%dma_start3A_198 : memref<64x256xf32, #tpu.memory_space<vmem>>) target_semaphore(%arg14 : memref<!tpu.dma_semaphore, #tpu.memory_space<semaphore_mem>>)
    %dma_wait3A_201 = arith.constant 128 : i32
    %dma_wait3A_202 = arith.constant 0 : i32
    %dma_wait3A_203 = tpu.memref_slice %arg8[%dma_wait3A_201, %dma_wait3A_202] : memref<256x256xf32, #tpu.memory_space<vmem>> -> memref<64x256xf32, #tpu.memory_space<vmem>>
    %dma_wait3A_204 = arith.constant 128 : i32
    %dma_wait3A_205 = tpu.memref_slice %arg7[%dma_wait3A_204] : memref<256xi32, #tpu.memory_space<vmem>> -> memref<64xi32, #tpu.memory_space<vmem>>
    %dma_wait3A_206 = arith.constant 0 : i32
    %dma_wait3A_207 = arith.constant 0 : i32
    %dma_wait3A_208 = tpu.memref_slice %arg2[%dma_wait3A_206, %dma_wait3A_207] : memref<8192x256xf32, #tpu.memory_space<hbm>> -> memref<8192x256xf32, #tpu.memory_space<hbm>>
    tpu.wait_indirect_dma semaphore(%arg11 : memref<!tpu.dma_semaphore, #tpu.memory_space<semaphore_mem>>) src(%dma_wait3A_208 : memref<8192x256xf32, #tpu.memory_space<hbm>>) dst(%dma_wait3A_203 : memref<64x256xf32, #tpu.memory_space<vmem>>)
    %dma_wait3A_209 = arith.constant 0 : i32
    %dma_wait3A_210 = arith.constant 0 : i32
    %dma_wait3A_211 = arith.constant 0 : i32
    %dma_wait3A_212 = tpu.memref_slice %arg9[%dma_wait3A_209, %dma_wait3A_210, %dma_wait3A_211] : memref<2x64x256xf32, #tpu.memory_space<vmem>> -> memref<1x64x256xf32, #tpu.memory_space<vmem>>
    %dma_wait3A_213 = tpu.memref_squeeze %dma_wait3A_212 : memref<1x64x256xf32, #tpu.memory_space<vmem>> -> memref<64x256xf32, #tpu.memory_space<vmem>>
    %dma_wait3A_214 = arith.constant 0 : i32
    %dma_wait3A_215 = tpu.memref_slice %arg4[%add3A_125, %dma_wait3A_214] : memref<8192x256xf32, #tpu.memory_space<hbm>> -> memref<64x256xf32, #tpu.memory_space<hbm>>
    %dma_wait3A_216 = arith.constant 0 : i32
    %dma_wait3A_217 = arith.constant 0 : i32
    %dma_wait3A_218 = tpu.memref_slice %arg9[%dma_wait3A_209, %dma_wait3A_216, %dma_wait3A_217] : memref<2x64x256xf32, #tpu.memory_space<vmem>> -> memref<1x64x256xf32, #tpu.memory_space<vmem>>
    %dma_wait3A_219 = tpu.memref_squeeze %dma_wait3A_218 : memref<1x64x256xf32, #tpu.memory_space<vmem>> -> memref<64x256xf32, #tpu.memory_space<vmem>>
    %dma_wait3A_220 = arith.constant 0 : i32
    %dma_wait3A_221 = tpu.memref_slice %arg4[%add3A_125, %dma_wait3A_220] : memref<8192x256xf32, #tpu.memory_space<hbm>> -> memref<64x256xf32, #tpu.memory_space<hbm>>
    tpu.wait_dma2 semaphore(%arg13 : memref<!tpu.dma_semaphore, #tpu.memory_space<semaphore_mem>>) src(%dma_wait3A_221 : memref<64x256xf32, #tpu.memory_space<hbm>>) dst(%dma_wait3A_219 : memref<64x256xf32, #tpu.memory_space<vmem>>)
    %scan3A_222 = arith.constant 0 : i32
    %scan3A_223 = arith.constant 64 : i32
    %scan3A_224 = arith.addi %scan3A_222, %scan3A_223 : i32
    %scan3A_225 = arith.constant 1 : i32
    %scan3A_226:16 = scf.for %scan3A_337 = %scan3A_222 to %scan3A_224 step %scan3A_225 iter_args(%scan3A_338 = %scan3A_164#0, %scan3A_339 = %scan3A_164#1, %scan3A_340 = %scan3A_164#2, %scan3A_341 = %scan3A_164#3, %scan3A_342 = %scan3A_164#4, %scan3A_343 = %scan3A_164#5, %scan3A_344 = %scan3A_164#6, %scan3A_345 = %scan3A_164#7, %scan3A_346 = %scan3A_164#8, %scan3A_347 = %scan3A_164#9, %scan3A_348 = %scan3A_164#10, %scan3A_349 = %scan3A_164#11, %scan3A_350 = %scan3A_164#12, %scan3A_351 = %scan3A_164#13, %scan3A_352 = %scan3A_164#14, %scan3A_353 = %scan3A_164#15) -> (vector<16xf32>, vector<16xf32>, vector<16xf32>, vector<16xf32>, vector<16xf32>, vector<16xf32>, vector<16xf32>, vector<16xf32>, vector<16xf32>, vector<16xf32>, vector<16xf32>, vector<16xf32>, vector<16xf32>, vector<16xf32>, vector<16xf32>, vector<16xf32>)  : i32 {
      %add3A_354 = arith.constant 128 : i32
      %add3A_355 = arith.addi %add3A_354, %scan3A_337 : i32
      %get3A = arith.index_cast %add3A_355 : i32 to index
      %get3A_356 = arith.constant 0 : index
      %get3A_357 = tpu.vector_load %arg8[%get3A, %get3A_356] {strides = array<i32>} : memref<256x256xf32, #tpu.memory_space<vmem>>, vector<1x16xf32>,
      %get3A_358 = vector.shape_cast %get3A_357 : vector<1x16xf32> to vector<16xf32>
      %get3A_359 = arith.constant 0 : i32
      %get3A_360 = arith.index_cast %get3A_359 : i32 to index
      %get3A_361 = arith.index_cast %scan3A_337 : i32 to index
      %get3A_362 = arith.constant 0 : index
      %get3A_363 = tpu.vector_load %arg9[%get3A_360, %get3A_361, %get3A_362] {strides = array<i32>} : memref<2x64x256xf32, #tpu.memory_space<vmem>>, vector<1x1x16xf32>,
      %get3A_364 = vector.shape_cast %get3A_363 : vector<1x1x16xf32> to vector<16xf32>
      %sub3A = arith.subf %get3A_358, %get3A_364 : vector<16xf32>
      %add3A_365 = arith.addf %get3A_364, %sub3A : vector<16xf32>
      %swap3A_366 = arith.index_cast %add3A_355 : i32 to index
      %swap3A_367 = arith.constant 0 : index
      %swap3A_368 = tpu.vector_load %arg8[%swap3A_366, %swap3A_367] {strides = array<i32>} : memref<256x256xf32, #tpu.memory_space<vmem>>, vector<1x16xf32>,
      %swap3A_369 = vector.shape_cast %swap3A_368 : vector<1x16xf32> to vector<16xf32>
      %swap3A_370 = vector.shape_cast %add3A_365 : vector<16xf32> to vector<1x16xf32>
      tpu.vector_store %arg8[%swap3A_366, %swap3A_367], %swap3A_370 {strides = array<i32>} : memref<256x256xf32, #tpu.memory_space<vmem>>, vector<1x16xf32>,
      %mul3A_371 = arith.mulf %sub3A, %sub3A : vector<16xf32>
      %add3A_372 = arith.addf %scan3A_338, %mul3A_371 : vector<16xf32>
      %get3A_373 = arith.index_cast %add3A_355 : i32 to index
      %get3A_374 = arith.constant 16 : index
      %get3A_375 = tpu.vector_load %arg8[%get3A_373, %get3A_374] {strides = array<i32>} : memref<256x256xf32, #tpu.memory_space<vmem>>, vector<1x16xf32>,
      %get3A_376 = vector.shape_cast %get3A_375 : vector<1x16xf32> to vector<16xf32>
      %get3A_377 = arith.constant 0 : i32
      %get3A_378 = arith.index_cast %get3A_377 : i32 to index
      %get3A_379 = arith.index_cast %scan3A_337 : i32 to index
      %get3A_380 = arith.constant 16 : index
      %get3A_381 = tpu.vector_load %arg9[%get3A_378, %get3A_379, %get3A_380] {strides = array<i32>} : memref<2x64x256xf32, #tpu.memory_space<vmem>>, vector<1x1x16xf32>,
      %get3A_382 = vector.shape_cast %get3A_381 : vector<1x1x16xf32> to vector<16xf32>
      %sub3A_383 = arith.subf %get3A_376, %get3A_382 : vector<16xf32>
      %add3A_384 = arith.addf %get3A_382, %sub3A_383 : vector<16xf32>
      %swap3A_385 = arith.index_cast %add3A_355 : i32 to index
      %swap3A_386 = arith.constant 16 : index
      %swap3A_387 = tpu.vector_load %arg8[%swap3A_385, %swap3A_386] {strides = array<i32>} : memref<256x256xf32, #tpu.memory_space<vmem>>, vector<1x16xf32>,
      %swap3A_388 = vector.shape_cast %swap3A_387 : vector<1x16xf32> to vector<16xf32>
      %swap3A_389 = vector.shape_cast %add3A_384 : vector<16xf32> to vector<1x16xf32>
      tpu.vector_store %arg8[%swap3A_385, %swap3A_386], %swap3A_389 {strides = array<i32>} : memref<256x256xf32, #tpu.memory_space<vmem>>, vector<1x16xf32>,
      %mul3A_390 = arith.mulf %sub3A_383, %sub3A_383 : vector<16xf32>
      %add3A_391 = arith.addf %scan3A_339, %mul3A_390 : vector<16xf32>
      %get3A_392 = arith.index_cast %add3A_355 : i32 to index
      %get3A_393 = arith.constant 32 : index
      %get3A_394 = tpu.vector_load %arg8[%get3A_392, %get3A_393] {strides = array<i32>} : memref<256x256xf32, #tpu.memory_space<vmem>>, vector<1x16xf32>,
      %get3A_395 = vector.shape_cast %get3A_394 : vector<1x16xf32> to vector<16xf32>
      %get3A_396 = arith.constant 0 : i32
      %get3A_397 = arith.index_cast %get3A_396 : i32 to index
      %get3A_398 = arith.index_cast %scan3A_337 : i32 to index
      %get3A_399 = arith.constant 32 : index
      %get3A_400 = tpu.vector_load %arg9[%get3A_397, %get3A_398, %get3A_399] {strides = array<i32>} : memref<2x64x256xf32, #tpu.memory_space<vmem>>, vector<1x1x16xf32>,
      %get3A_401 = vector.shape_cast %get3A_400 : vector<1x1x16xf32> to vector<16xf32>
      %sub3A_402 = arith.subf %get3A_395, %get3A_401 : vector<16xf32>
      %add3A_403 = arith.addf %get3A_401, %sub3A_402 : vector<16xf32>
      %swap3A_404 = arith.index_cast %add3A_355 : i32 to index
      %swap3A_405 = arith.constant 32 : index
      %swap3A_406 = tpu.vector_load %arg8[%swap3A_404, %swap3A_405] {strides = array<i32>} : memref<256x256xf32, #tpu.memory_space<vmem>>, vector<1x16xf32>,
      %swap3A_407 = vector.shape_cast %swap3A_406 : vector<1x16xf32> to vector<16xf32>
      %swap3A_408 = vector.shape_cast %add3A_403 : vector<16xf32> to vector<1x16xf32>
      tpu.vector_store %arg8[%swap3A_404, %swap3A_405], %swap3A_408 {strides = array<i32>} : memref<256x256xf32, #tpu.memory_space<vmem>>, vector<1x16xf32>,
      %mul3A_409 = arith.mulf %sub3A_402, %sub3A_402 : vector<16xf32>
      %add3A_410 = arith.addf %scan3A_340, %mul3A_409 : vector<16xf32>
      %get3A_411 = arith.index_cast %add3A_355 : i32 to index
      %get3A_412 = arith.constant 48 : index
      %get3A_413 = tpu.vector_load %arg8[%get3A_411, %get3A_412] {strides = array<i32>} : memref<256x256xf32, #tpu.memory_space<vmem>>, vector<1x16xf32>,
      %get3A_414 = vector.shape_cast %get3A_413 : vector<1x16xf32> to vector<16xf32>
      %get3A_415 = arith.constant 0 : i32
      %get3A_416 = arith.index_cast %get3A_415 : i32 to index
      %get3A_417 = arith.index_cast %scan3A_337 : i32 to index
      %get3A_418 = arith.constant 48 : index
      %get3A_419 = tpu.vector_load %arg9[%get3A_416, %get3A_417, %get3A_418] {strides = array<i32>} : memref<2x64x256xf32, #tpu.memory_space<vmem>>, vector<1x1x16xf32>,
      %get3A_420 = vector.shape_cast %get3A_419 : vector<1x1x16xf32> to vector<16xf32>
      %sub3A_421 = arith.subf %get3A_414, %get3A_420 : vector<16xf32>
      %add3A_422 = arith.addf %get3A_420, %sub3A_421 : vector<16xf32>
      %swap3A_423 = arith.index_cast %add3A_355 : i32 to index
      %swap3A_424 = arith.constant 48 : index
      %swap3A_425 = tpu.vector_load %arg8[%swap3A_423, %swap3A_424] {strides = array<i32>} : memref<256x256xf32, #tpu.memory_space<vmem>>, vector<1x16xf32>,
      %swap3A_426 = vector.shape_cast %swap3A_425 : vector<1x16xf32> to vector<16xf32>
      %swap3A_427 = vector.shape_cast %add3A_422 : vector<16xf32> to vector<1x16xf32>
      tpu.vector_store %arg8[%swap3A_423, %swap3A_424], %swap3A_427 {strides = array<i32>} : memref<256x256xf32, #tpu.memory_space<vmem>>, vector<1x16xf32>,
      %mul3A_428 = arith.mulf %sub3A_421, %sub3A_421 : vector<16xf32>
      %add3A_429 = arith.addf %scan3A_341, %mul3A_428 : vector<16xf32>
      %get3A_430 = arith.index_cast %add3A_355 : i32 to index
      %get3A_431 = arith.constant 64 : index
      %get3A_432 = tpu.vector_load %arg8[%get3A_430, %get3A_431] {strides = array<i32>} : memref<256x256xf32, #tpu.memory_space<vmem>>, vector<1x16xf32>,
      %get3A_433 = vector.shape_cast %get3A_432 : vector<1x16xf32> to vector<16xf32>
      %get3A_434 = arith.constant 0 : i32
      %get3A_435 = arith.index_cast %get3A_434 : i32 to index
      %get3A_436 = arith.index_cast %scan3A_337 : i32 to index
      %get3A_437 = arith.constant 64 : index
      %get3A_438 = tpu.vector_load %arg9[%get3A_435, %get3A_436, %get3A_437] {strides = array<i32>} : memref<2x64x256xf32, #tpu.memory_space<vmem>>, vector<1x1x16xf32>,
      %get3A_439 = vector.shape_cast %get3A_438 : vector<1x1x16xf32> to vector<16xf32>
      %sub3A_440 = arith.subf %get3A_433, %get3A_439 : vector<16xf32>
      %add3A_441 = arith.addf %get3A_439, %sub3A_440 : vector<16xf32>
      %swap3A_442 = arith.index_cast %add3A_355 : i32 to index
      %swap3A_443 = arith.constant 64 : index
      %swap3A_444 = tpu.vector_load %arg8[%swap3A_442, %swap3A_443] {strides = array<i32>} : memref<256x256xf32, #tpu.memory_space<vmem>>, vector<1x16xf32>,
      %swap3A_445 = vector.shape_cast %swap3A_444 : vector<1x16xf32> to vector<16xf32>
      %swap3A_446 = vector.shape_cast %add3A_441 : vector<16xf32> to vector<1x16xf32>
      tpu.vector_store %arg8[%swap3A_442, %swap3A_443], %swap3A_446 {strides = array<i32>} : memref<256x256xf32, #tpu.memory_space<vmem>>, vector<1x16xf32>,
      %mul3A_447 = arith.mulf %sub3A_440, %sub3A_440 : vector<16xf32>
      %add3A_448 = arith.addf %scan3A_342, %mul3A_447 : vector<16xf32>
      %get3A_449 = arith.index_cast %add3A_355 : i32 to index
      %get3A_450 = arith.constant 80 : index
      %get3A_451 = tpu.vector_load %arg8[%get3A_449, %get3A_450] {strides = array<i32>} : memref<256x256xf32, #tpu.memory_space<vmem>>, vector<1x16xf32>,
      %get3A_452 = vector.shape_cast %get3A_451 : vector<1x16xf32> to vector<16xf32>
      %get3A_453 = arith.constant 0 : i32
      %get3A_454 = arith.index_cast %get3A_453 : i32 to index
      %get3A_455 = arith.index_cast %scan3A_337 : i32 to index
      %get3A_456 = arith.constant 80 : index
      %get3A_457 = tpu.vector_load %arg9[%get3A_454, %get3A_455, %get3A_456] {strides = array<i32>} : memref<2x64x256xf32, #tpu.memory_space<vmem>>, vector<1x1x16xf32>,
      %get3A_458 = vector.shape_cast %get3A_457 : vector<1x1x16xf32> to vector<16xf32>
      %sub3A_459 = arith.subf %get3A_452, %get3A_458 : vector<16xf32>
      %add3A_460 = arith.addf %get3A_458, %sub3A_459 : vector<16xf32>
      %swap3A_461 = arith.index_cast %add3A_355 : i32 to index
      %swap3A_462 = arith.constant 80 : index
      %swap3A_463 = tpu.vector_load %arg8[%swap3A_461, %swap3A_462] {strides = array<i32>} : memref<256x256xf32, #tpu.memory_space<vmem>>, vector<1x16xf32>,
      %swap3A_464 = vector.shape_cast %swap3A_463 : vector<1x16xf32> to vector<16xf32>
      %swap3A_465 = vector.shape_cast %add3A_460 : vector<16xf32> to vector<1x16xf32>
      tpu.vector_store %arg8[%swap3A_461, %swap3A_462], %swap3A_465 {strides = array<i32>} : memref<256x256xf32, #tpu.memory_space<vmem>>, vector<1x16xf32>,
      %mul3A_466 = arith.mulf %sub3A_459, %sub3A_459 : vector<16xf32>
      %add3A_467 = arith.addf %scan3A_343, %mul3A_466 : vector<16xf32>
      %get3A_468 = arith.index_cast %add3A_355 : i32 to index
      %get3A_469 = arith.constant 96 : index
      %get3A_470 = tpu.vector_load %arg8[%get3A_468, %get3A_469] {strides = array<i32>} : memref<256x256xf32, #tpu.memory_space<vmem>>, vector<1x16xf32>,
      %get3A_471 = vector.shape_cast %get3A_470 : vector<1x16xf32> to vector<16xf32>
      %get3A_472 = arith.constant 0 : i32
      %get3A_473 = arith.index_cast %get3A_472 : i32 to index
      %get3A_474 = arith.index_cast %scan3A_337 : i32 to index
      %get3A_475 = arith.constant 96 : index
      %get3A_476 = tpu.vector_load %arg9[%get3A_473, %get3A_474, %get3A_475] {strides = array<i32>} : memref<2x64x256xf32, #tpu.memory_space<vmem>>, vector<1x1x16xf32>,
      %get3A_477 = vector.shape_cast %get3A_476 : vector<1x1x16xf32> to vector<16xf32>
      %sub3A_478 = arith.subf %get3A_471, %get3A_477 : vector<16xf32>
      %add3A_479 = arith.addf %get3A_477, %sub3A_478 : vector<16xf32>
      %swap3A_480 = arith.index_cast %add3A_355 : i32 to index
      %swap3A_481 = arith.constant 96 : index
      %swap3A_482 = tpu.vector_load %arg8[%swap3A_480, %swap3A_481] {strides = array<i32>} : memref<256x256xf32, #tpu.memory_space<vmem>>, vector<1x16xf32>,
      %swap3A_483 = vector.shape_cast %swap3A_482 : vector<1x16xf32> to vector<16xf32>
      %swap3A_484 = vector.shape_cast %add3A_479 : vector<16xf32> to vector<1x16xf32>
      tpu.vector_store %arg8[%swap3A_480, %swap3A_481], %swap3A_484 {strides = array<i32>} : memref<256x256xf32, #tpu.memory_space<vmem>>, vector<1x16xf32>,
      %mul3A_485 = arith.mulf %sub3A_478, %sub3A_478 : vector<16xf32>
      %add3A_486 = arith.addf %scan3A_344, %mul3A_485 : vector<16xf32>
      %get3A_487 = arith.index_cast %add3A_355 : i32 to index
      %get3A_488 = arith.constant 112 : index
      %get3A_489 = tpu.vector_load %arg8[%get3A_487, %get3A_488] {strides = array<i32>} : memref<256x256xf32, #tpu.memory_space<vmem>>, vector<1x16xf32>,
      %get3A_490 = vector.shape_cast %get3A_489 : vector<1x16xf32> to vector<16xf32>
      %get3A_491 = arith.constant 0 : i32
      %get3A_492 = arith.index_cast %get3A_491 : i32 to index
      %get3A_493 = arith.index_cast %scan3A_337 : i32 to index
      %get3A_494 = arith.constant 112 : index
      %get3A_495 = tpu.vector_load %arg9[%get3A_492, %get3A_493, %get3A_494] {strides = array<i32>} : memref<2x64x256xf32, #tpu.memory_space<vmem>>, vector<1x1x16xf32>,
      %get3A_496 = vector.shape_cast %get3A_495 : vector<1x1x16xf32> to vector<16xf32>
      %sub3A_497 = arith.subf %get3A_490, %get3A_496 : vector<16xf32>
      %add3A_498 = arith.addf %get3A_496, %sub3A_497 : vector<16xf32>
      %swap3A_499 = arith.index_cast %add3A_355 : i32 to index
      %swap3A_500 = arith.constant 112 : index
      %swap3A_501 = tpu.vector_load %arg8[%swap3A_499, %swap3A_500] {strides = array<i32>} : memref<256x256xf32, #tpu.memory_space<vmem>>, vector<1x16xf32>,
      %swap3A_502 = vector.shape_cast %swap3A_501 : vector<1x16xf32> to vector<16xf32>
      %swap3A_503 = vector.shape_cast %add3A_498 : vector<16xf32> to vector<1x16xf32>
      tpu.vector_store %arg8[%swap3A_499, %swap3A_500], %swap3A_503 {strides = array<i32>} : memref<256x256xf32, #tpu.memory_space<vmem>>, vector<1x16xf32>,
      %mul3A_504 = arith.mulf %sub3A_497, %sub3A_497 : vector<16xf32>
      %add3A_505 = arith.addf %scan3A_345, %mul3A_504 : vector<16xf32>
      %get3A_506 = arith.index_cast %add3A_355 : i32 to index
      %get3A_507 = arith.constant 128 : index
      %get3A_508 = tpu.vector_load %arg8[%get3A_506, %get3A_507] {strides = array<i32>} : memref<256x256xf32, #tpu.memory_space<vmem>>, vector<1x16xf32>,
      %get3A_509 = vector.shape_cast %get3A_508 : vector<1x16xf32> to vector<16xf32>
      %get3A_510 = arith.constant 0 : i32
      %get3A_511 = arith.index_cast %get3A_510 : i32 to index
      %get3A_512 = arith.index_cast %scan3A_337 : i32 to index
      %get3A_513 = arith.constant 128 : index
      %get3A_514 = tpu.vector_load %arg9[%get3A_511, %get3A_512, %get3A_513] {strides = array<i32>} : memref<2x64x256xf32, #tpu.memory_space<vmem>>, vector<1x1x16xf32>,
      %get3A_515 = vector.shape_cast %get3A_514 : vector<1x1x16xf32> to vector<16xf32>
      %sub3A_516 = arith.subf %get3A_509, %get3A_515 : vector<16xf32>
      %add3A_517 = arith.addf %get3A_515, %sub3A_516 : vector<16xf32>
      %swap3A_518 = arith.index_cast %add3A_355 : i32 to index
      %swap3A_519 = arith.constant 128 : index
      %swap3A_520 = tpu.vector_load %arg8[%swap3A_518, %swap3A_519] {strides = array<i32>} : memref<256x256xf32, #tpu.memory_space<vmem>>, vector<1x16xf32>,
      %swap3A_521 = vector.shape_cast %swap3A_520 : vector<1x16xf32> to vector<16xf32>
      %swap3A_522 = vector.shape_cast %add3A_517 : vector<16xf32> to vector<1x16xf32>
      tpu.vector_store %arg8[%swap3A_518, %swap3A_519], %swap3A_522 {strides = array<i32>} : memref<256x256xf32, #tpu.memory_space<vmem>>, vector<1x16xf32>,
      %mul3A_523 = arith.mulf %sub3A_516, %sub3A_516 : vector<16xf32>
      %add3A_524 = arith.addf %scan3A_346, %mul3A_523 : vector<16xf32>
      %get3A_525 = arith.index_cast %add3A_355 : i32 to index
      %get3A_526 = arith.constant 144 : index
      %get3A_527 = tpu.vector_load %arg8[%get3A_525, %get3A_526] {strides = array<i32>} : memref<256x256xf32, #tpu.memory_space<vmem>>, vector<1x16xf32>,
      %get3A_528 = vector.shape_cast %get3A_527 : vector<1x16xf32> to vector<16xf32>
      %get3A_529 = arith.constant 0 : i32
      %get3A_530 = arith.index_cast %get3A_529 : i32 to index
      %get3A_531 = arith.index_cast %scan3A_337 : i32 to index
      %get3A_532 = arith.constant 144 : index
      %get3A_533 = tpu.vector_load %arg9[%get3A_530, %get3A_531, %get3A_532] {strides = array<i32>} : memref<2x64x256xf32, #tpu.memory_space<vmem>>, vector<1x1x16xf32>,
      %get3A_534 = vector.shape_cast %get3A_533 : vector<1x1x16xf32> to vector<16xf32>
      %sub3A_535 = arith.subf %get3A_528, %get3A_534 : vector<16xf32>
      %add3A_536 = arith.addf %get3A_534, %sub3A_535 : vector<16xf32>
      %swap3A_537 = arith.index_cast %add3A_355 : i32 to index
      %swap3A_538 = arith.constant 144 : index
      %swap3A_539 = tpu.vector_load %arg8[%swap3A_537, %swap3A_538] {strides = array<i32>} : memref<256x256xf32, #tpu.memory_space<vmem>>, vector<1x16xf32>,
      %swap3A_540 = vector.shape_cast %swap3A_539 : vector<1x16xf32> to vector<16xf32>
      %swap3A_541 = vector.shape_cast %add3A_536 : vector<16xf32> to vector<1x16xf32>
      tpu.vector_store %arg8[%swap3A_537, %swap3A_538], %swap3A_541 {strides = array<i32>} : memref<256x256xf32, #tpu.memory_space<vmem>>, vector<1x16xf32>,
      %mul3A_542 = arith.mulf %sub3A_535, %sub3A_535 : vector<16xf32>
      %add3A_543 = arith.addf %scan3A_347, %mul3A_542 : vector<16xf32>
      %get3A_544 = arith.index_cast %add3A_355 : i32 to index
      %get3A_545 = arith.constant 160 : index
      %get3A_546 = tpu.vector_load %arg8[%get3A_544, %get3A_545] {strides = array<i32>} : memref<256x256xf32, #tpu.memory_space<vmem>>, vector<1x16xf32>,
      %get3A_547 = vector.shape_cast %get3A_546 : vector<1x16xf32> to vector<16xf32>
      %get3A_548 = arith.constant 0 : i32
      %get3A_549 = arith.index_cast %get3A_548 : i32 to index
      %get3A_550 = arith.index_cast %scan3A_337 : i32 to index
      %get3A_551 = arith.constant 160 : index
      %get3A_552 = tpu.vector_load %arg9[%get3A_549, %get3A_550, %get3A_551] {strides = array<i32>} : memref<2x64x256xf32, #tpu.memory_space<vmem>>, vector<1x1x16xf32>,
      %get3A_553 = vector.shape_cast %get3A_552 : vector<1x1x16xf32> to vector<16xf32>
      %sub3A_554 = arith.subf %get3A_547, %get3A_553 : vector<16xf32>
      %add3A_555 = arith.addf %get3A_553, %sub3A_554 : vector<16xf32>
      %swap3A_556 = arith.index_cast %add3A_355 : i32 to index
      %swap3A_557 = arith.constant 160 : index
      %swap3A_558 = tpu.vector_load %arg8[%swap3A_556, %swap3A_557] {strides = array<i32>} : memref<256x256xf32, #tpu.memory_space<vmem>>, vector<1x16xf32>,
      %swap3A_559 = vector.shape_cast %swap3A_558 : vector<1x16xf32> to vector<16xf32>
      %swap3A_560 = vector.shape_cast %add3A_555 : vector<16xf32> to vector<1x16xf32>
      tpu.vector_store %arg8[%swap3A_556, %swap3A_557], %swap3A_560 {strides = array<i32>} : memref<256x256xf32, #tpu.memory_space<vmem>>, vector<1x16xf32>,
      %mul3A_561 = arith.mulf %sub3A_554, %sub3A_554 : vector<16xf32>
      %add3A_562 = arith.addf %scan3A_348, %mul3A_561 : vector<16xf32>
      %get3A_563 = arith.index_cast %add3A_355 : i32 to index
      %get3A_564 = arith.constant 176 : index
      %get3A_565 = tpu.vector_load %arg8[%get3A_563, %get3A_564] {strides = array<i32>} : memref<256x256xf32, #tpu.memory_space<vmem>>, vector<1x16xf32>,
      %get3A_566 = vector.shape_cast %get3A_565 : vector<1x16xf32> to vector<16xf32>
      %get3A_567 = arith.constant 0 : i32
      %get3A_568 = arith.index_cast %get3A_567 : i32 to index
      %get3A_569 = arith.index_cast %scan3A_337 : i32 to index
      %get3A_570 = arith.constant 176 : index
      %get3A_571 = tpu.vector_load %arg9[%get3A_568, %get3A_569, %get3A_570] {strides = array<i32>} : memref<2x64x256xf32, #tpu.memory_space<vmem>>, vector<1x1x16xf32>,
      %get3A_572 = vector.shape_cast %get3A_571 : vector<1x1x16xf32> to vector<16xf32>
      %sub3A_573 = arith.subf %get3A_566, %get3A_572 : vector<16xf32>
      %add3A_574 = arith.addf %get3A_572, %sub3A_573 : vector<16xf32>
      %swap3A_575 = arith.index_cast %add3A_355 : i32 to index
      %swap3A_576 = arith.constant 176 : index
      %swap3A_577 = tpu.vector_load %arg8[%swap3A_575, %swap3A_576] {strides = array<i32>} : memref<256x256xf32, #tpu.memory_space<vmem>>, vector<1x16xf32>,
      %swap3A_578 = vector.shape_cast %swap3A_577 : vector<1x16xf32> to vector<16xf32>
      %swap3A_579 = vector.shape_cast %add3A_574 : vector<16xf32> to vector<1x16xf32>
      tpu.vector_store %arg8[%swap3A_575, %swap3A_576], %swap3A_579 {strides = array<i32>} : memref<256x256xf32, #tpu.memory_space<vmem>>, vector<1x16xf32>,
      %mul3A_580 = arith.mulf %sub3A_573, %sub3A_573 : vector<16xf32>
      %add3A_581 = arith.addf %scan3A_349, %mul3A_580 : vector<16xf32>
      %get3A_582 = arith.index_cast %add3A_355 : i32 to index
      %get3A_583 = arith.constant 192 : index
      %get3A_584 = tpu.vector_load %arg8[%get3A_582, %get3A_583] {strides = array<i32>} : memref<256x256xf32, #tpu.memory_space<vmem>>, vector<1x16xf32>,
      %get3A_585 = vector.shape_cast %get3A_584 : vector<1x16xf32> to vector<16xf32>
      %get3A_586 = arith.constant 0 : i32
      %get3A_587 = arith.index_cast %get3A_586 : i32 to index
      %get3A_588 = arith.index_cast %scan3A_337 : i32 to index
      %get3A_589 = arith.constant 192 : index
      %get3A_590 = tpu.vector_load %arg9[%get3A_587, %get3A_588, %get3A_589] {strides = array<i32>} : memref<2x64x256xf32, #tpu.memory_space<vmem>>, vector<1x1x16xf32>,
      %get3A_591 = vector.shape_cast %get3A_590 : vector<1x1x16xf32> to vector<16xf32>
      %sub3A_592 = arith.subf %get3A_585, %get3A_591 : vector<16xf32>
      %add3A_593 = arith.addf %get3A_591, %sub3A_592 : vector<16xf32>
      %swap3A_594 = arith.index_cast %add3A_355 : i32 to index
      %swap3A_595 = arith.constant 192 : index
      %swap3A_596 = tpu.vector_load %arg8[%swap3A_594, %swap3A_595] {strides = array<i32>} : memref<256x256xf32, #tpu.memory_space<vmem>>, vector<1x16xf32>,
      %swap3A_597 = vector.shape_cast %swap3A_596 : vector<1x16xf32> to vector<16xf32>
      %swap3A_598 = vector.shape_cast %add3A_593 : vector<16xf32> to vector<1x16xf32>
      tpu.vector_store %arg8[%swap3A_594, %swap3A_595], %swap3A_598 {strides = array<i32>} : memref<256x256xf32, #tpu.memory_space<vmem>>, vector<1x16xf32>,
      %mul3A_599 = arith.mulf %sub3A_592, %sub3A_592 : vector<16xf32>
      %add3A_600 = arith.addf %scan3A_350, %mul3A_599 : vector<16xf32>
      %get3A_601 = arith.index_cast %add3A_355 : i32 to index
      %get3A_602 = arith.constant 208 : index
      %get3A_603 = tpu.vector_load %arg8[%get3A_601, %get3A_602] {strides = array<i32>} : memref<256x256xf32, #tpu.memory_space<vmem>>, vector<1x16xf32>,
      %get3A_604 = vector.shape_cast %get3A_603 : vector<1x16xf32> to vector<16xf32>
      %get3A_605 = arith.constant 0 : i32
      %get3A_606 = arith.index_cast %get3A_605 : i32 to index
      %get3A_607 = arith.index_cast %scan3A_337 : i32 to index
      %get3A_608 = arith.constant 208 : index
      %get3A_609 = tpu.vector_load %arg9[%get3A_606, %get3A_607, %get3A_608] {strides = array<i32>} : memref<2x64x256xf32, #tpu.memory_space<vmem>>, vector<1x1x16xf32>,
      %get3A_610 = vector.shape_cast %get3A_609 : vector<1x1x16xf32> to vector<16xf32>
      %sub3A_611 = arith.subf %get3A_604, %get3A_610 : vector<16xf32>
      %add3A_612 = arith.addf %get3A_610, %sub3A_611 : vector<16xf32>
      %swap3A_613 = arith.index_cast %add3A_355 : i32 to index
      %swap3A_614 = arith.constant 208 : index
      %swap3A_615 = tpu.vector_load %arg8[%swap3A_613, %swap3A_614] {strides = array<i32>} : memref<256x256xf32, #tpu.memory_space<vmem>>, vector<1x16xf32>,
      %swap3A_616 = vector.shape_cast %swap3A_615 : vector<1x16xf32> to vector<16xf32>
      %swap3A_617 = vector.shape_cast %add3A_612 : vector<16xf32> to vector<1x16xf32>
      tpu.vector_store %arg8[%swap3A_613, %swap3A_614], %swap3A_617 {strides = array<i32>} : memref<256x256xf32, #tpu.memory_space<vmem>>, vector<1x16xf32>,
      %mul3A_618 = arith.mulf %sub3A_611, %sub3A_611 : vector<16xf32>
      %add3A_619 = arith.addf %scan3A_351, %mul3A_618 : vector<16xf32>
      %get3A_620 = arith.index_cast %add3A_355 : i32 to index
      %get3A_621 = arith.constant 224 : index
      %get3A_622 = tpu.vector_load %arg8[%get3A_620, %get3A_621] {strides = array<i32>} : memref<256x256xf32, #tpu.memory_space<vmem>>, vector<1x16xf32>,
      %get3A_623 = vector.shape_cast %get3A_622 : vector<1x16xf32> to vector<16xf32>
      %get3A_624 = arith.constant 0 : i32
      %get3A_625 = arith.index_cast %get3A_624 : i32 to index
      %get3A_626 = arith.index_cast %scan3A_337 : i32 to index
      %get3A_627 = arith.constant 224 : index
      %get3A_628 = tpu.vector_load %arg9[%get3A_625, %get3A_626, %get3A_627] {strides = array<i32>} : memref<2x64x256xf32, #tpu.memory_space<vmem>>, vector<1x1x16xf32>,
      %get3A_629 = vector.shape_cast %get3A_628 : vector<1x1x16xf32> to vector<16xf32>
      %sub3A_630 = arith.subf %get3A_623, %get3A_629 : vector<16xf32>
      %add3A_631 = arith.addf %get3A_629, %sub3A_630 : vector<16xf32>
      %swap3A_632 = arith.index_cast %add3A_355 : i32 to index
      %swap3A_633 = arith.constant 224 : index
      %swap3A_634 = tpu.vector_load %arg8[%swap3A_632, %swap3A_633] {strides = array<i32>} : memref<256x256xf32, #tpu.memory_space<vmem>>, vector<1x16xf32>,
      %swap3A_635 = vector.shape_cast %swap3A_634 : vector<1x16xf32> to vector<16xf32>
      %swap3A_636 = vector.shape_cast %add3A_631 : vector<16xf32> to vector<1x16xf32>
      tpu.vector_store %arg8[%swap3A_632, %swap3A_633], %swap3A_636 {strides = array<i32>} : memref<256x256xf32, #tpu.memory_space<vmem>>, vector<1x16xf32>,
      %mul3A_637 = arith.mulf %sub3A_630, %sub3A_630 : vector<16xf32>
      %add3A_638 = arith.addf %scan3A_352, %mul3A_637 : vector<16xf32>
      %get3A_639 = arith.index_cast %add3A_355 : i32 to index
      %get3A_640 = arith.constant 240 : index
      %get3A_641 = tpu.vector_load %arg8[%get3A_639, %get3A_640] {strides = array<i32>} : memref<256x256xf32, #tpu.memory_space<vmem>>, vector<1x16xf32>,
      %get3A_642 = vector.shape_cast %get3A_641 : vector<1x16xf32> to vector<16xf32>
      %get3A_643 = arith.constant 0 : i32
      %get3A_644 = arith.index_cast %get3A_643 : i32 to index
      %get3A_645 = arith.index_cast %scan3A_337 : i32 to index
      %get3A_646 = arith.constant 240 : index
      %get3A_647 = tpu.vector_load %arg9[%get3A_644, %get3A_645, %get3A_646] {strides = array<i32>} : memref<2x64x256xf32, #tpu.memory_space<vmem>>, vector<1x1x16xf32>,
      %get3A_648 = vector.shape_cast %get3A_647 : vector<1x1x16xf32> to vector<16xf32>
      %sub3A_649 = arith.subf %get3A_642, %get3A_648 : vector<16xf32>
      %add3A_650 = arith.addf %get3A_648, %sub3A_649 : vector<16xf32>
      %swap3A_651 = arith.index_cast %add3A_355 : i32 to index
      %swap3A_652 = arith.constant 240 : index
      %swap3A_653 = tpu.vector_load %arg8[%swap3A_651, %swap3A_652] {strides = array<i32>} : memref<256x256xf32, #tpu.memory_space<vmem>>, vector<1x16xf32>,
      %swap3A_654 = vector.shape_cast %swap3A_653 : vector<1x16xf32> to vector<16xf32>
      %swap3A_655 = vector.shape_cast %add3A_650 : vector<16xf32> to vector<1x16xf32>
      tpu.vector_store %arg8[%swap3A_651, %swap3A_652], %swap3A_655 {strides = array<i32>} : memref<256x256xf32, #tpu.memory_space<vmem>>, vector<1x16xf32>,
      %mul3A_656 = arith.mulf %sub3A_649, %sub3A_649 : vector<16xf32>
      %add3A_657 = arith.addf %scan3A_353, %mul3A_656 : vector<16xf32>
      scf.yield %add3A_372, %add3A_391, %add3A_410, %add3A_429, %add3A_448, %add3A_467, %add3A_486, %add3A_505, %add3A_524, %add3A_543, %add3A_562, %add3A_581, %add3A_600, %add3A_619, %add3A_638, %add3A_657 : vector<16xf32>, vector<16xf32>, vector<16xf32>, vector<16xf32>, vector<16xf32>, vector<16xf32>, vector<16xf32>, vector<16xf32>, vector<16xf32>, vector<16xf32>, vector<16xf32>, vector<16xf32>, vector<16xf32>, vector<16xf32>, vector<16xf32>, vector<16xf32>
    }
    %scan3A_227 = arith.constant 64 : i32
    %add3A_228 = arith.constant 128 : i32
    %add3A_229 = arith.addi %mul3A_2, %add3A_228 : i32
    %dma_start3A_230 = arith.constant 128 : i32
    %dma_start3A_231 = arith.constant 0 : i32
    %dma_start3A_232 = tpu.memref_slice %arg8[%dma_start3A_230, %dma_start3A_231] : memref<256x256xf32, #tpu.memory_space<vmem>> -> memref<64x256xf32, #tpu.memory_space<vmem>>
    %dma_start3A_233 = arith.constant 0 : i32
    %dma_start3A_234 = tpu.memref_slice %arg5[%add3A_229, %dma_start3A_233] : memref<8192x256xf32, #tpu.memory_space<hbm>> -> memref<64x256xf32, #tpu.memory_space<hbm>>
    %dma_start3A_235 = arith.constant 0 : i32
    %dma_start3A_236 = tpu.memref_slice %arg5[%add3A_229, %dma_start3A_235] : memref<8192x256xf32, #tpu.memory_space<hbm>> -> memref<64x256xf32, #tpu.memory_space<hbm>>
    %dma_start3A_237 = arith.constant 128 : i32
    %dma_start3A_238 = arith.constant 0 : i32
    %dma_start3A_239 = tpu.memref_slice %arg8[%dma_start3A_237, %dma_start3A_238] : memref<256x256xf32, #tpu.memory_space<vmem>> -> memref<64x256xf32, #tpu.memory_space<vmem>>
    tpu.enqueue_dma source(%dma_start3A_239 : memref<64x256xf32, #tpu.memory_space<vmem>>) target(%dma_start3A_236 : memref<64x256xf32, #tpu.memory_space<hbm>>) target_semaphore(%arg15 : memref<!tpu.dma_semaphore, #tpu.memory_space<semaphore_mem>>)
    %dma_wait3A_240 = arith.constant 192 : i32
    %dma_wait3A_241 = arith.constant 0 : i32
    %dma_wait3A_242 = tpu.memref_slice %arg8[%dma_wait3A_240, %dma_wait3A_241] : memref<256x256xf32, #tpu.memory_space<vmem>> -> memref<64x256xf32, #tpu.memory_space<vmem>>
    %dma_wait3A_243 = arith.constant 192 : i32
    %dma_wait3A_244 = tpu.memref_slice %arg7[%dma_wait3A_243] : memref<256xi32, #tpu.memory_space<vmem>> -> memref<64xi32, #tpu.memory_space<vmem>>
    %dma_wait3A_245 = arith.constant 0 : i32
    %dma_wait3A_246 = arith.constant 0 : i32
    %dma_wait3A_247 = tpu.memref_slice %arg2[%dma_wait3A_245, %dma_wait3A_246] : memref<8192x256xf32, #tpu.memory_space<hbm>> -> memref<8192x256xf32, #tpu.memory_space<hbm>>
    tpu.wait_indirect_dma semaphore(%arg12 : memref<!tpu.dma_semaphore, #tpu.memory_space<semaphore_mem>>) src(%dma_wait3A_247 : memref<8192x256xf32, #tpu.memory_space<hbm>>) dst(%dma_wait3A_242 : memref<64x256xf32, #tpu.memory_space<vmem>>)
    %dma_wait3A_248 = arith.constant 1 : i32
    %dma_wait3A_249 = arith.constant 0 : i32
    %dma_wait3A_250 = arith.constant 0 : i32
    %dma_wait3A_251 = tpu.memref_slice %arg9[%dma_wait3A_248, %dma_wait3A_249, %dma_wait3A_250] : memref<2x64x256xf32, #tpu.memory_space<vmem>> -> memref<1x64x256xf32, #tpu.memory_space<vmem>>
    %dma_wait3A_252 = tpu.memref_squeeze %dma_wait3A_251 : memref<1x64x256xf32, #tpu.memory_space<vmem>> -> memref<64x256xf32, #tpu.memory_space<vmem>>
    %dma_wait3A_253 = arith.constant 0 : i32
    %dma_wait3A_254 = tpu.memref_slice %arg4[%add3A_187, %dma_wait3A_253] : memref<8192x256xf32, #tpu.memory_space<hbm>> -> memref<64x256xf32, #tpu.memory_space<hbm>>
    %dma_wait3A_255 = arith.constant 0 : i32
    %dma_wait3A_256 = arith.constant 0 : i32
    %dma_wait3A_257 = tpu.memref_slice %arg9[%dma_wait3A_248, %dma_wait3A_255, %dma_wait3A_256] : memref<2x64x256xf32, #tpu.memory_space<vmem>> -> memref<1x64x256xf32, #tpu.memory_space<vmem>>
    %dma_wait3A_258 = tpu.memref_squeeze %dma_wait3A_257 : memref<1x64x256xf32, #tpu.memory_space<vmem>> -> memref<64x256xf32, #tpu.memory_space<vmem>>
    %dma_wait3A_259 = arith.constant 0 : i32
    %dma_wait3A_260 = tpu.memref_slice %arg4[%add3A_187, %dma_wait3A_259] : memref<8192x256xf32, #tpu.memory_space<hbm>> -> memref<64x256xf32, #tpu.memory_space<hbm>>
    tpu.wait_dma2 semaphore(%arg14 : memref<!tpu.dma_semaphore, #tpu.memory_space<semaphore_mem>>) src(%dma_wait3A_260 : memref<64x256xf32, #tpu.memory_space<hbm>>) dst(%dma_wait3A_258 : memref<64x256xf32, #tpu.memory_space<vmem>>)
    %scan3A_261 = arith.constant 0 : i32
    %scan3A_262 = arith.constant 64 : i32
    %scan3A_263 = arith.addi %scan3A_261, %scan3A_262 : i32
    %scan3A_264 = arith.constant 1 : i32
    %scan3A_265:16 = scf.for %scan3A_337 = %scan3A_261 to %scan3A_263 step %scan3A_264 iter_args(%scan3A_338 = %scan3A_226#0, %scan3A_339 = %scan3A_226#1, %scan3A_340 = %scan3A_226#2, %scan3A_341 = %scan3A_226#3, %scan3A_342 = %scan3A_226#4, %scan3A_343 = %scan3A_226#5, %scan3A_344 = %scan3A_226#6, %scan3A_345 = %scan3A_226#7, %scan3A_346 = %scan3A_226#8, %scan3A_347 = %scan3A_226#9, %scan3A_348 = %scan3A_226#10, %scan3A_349 = %scan3A_226#11, %scan3A_350 = %scan3A_226#12, %scan3A_351 = %scan3A_226#13, %scan3A_352 = %scan3A_226#14, %scan3A_353 = %scan3A_226#15) -> (vector<16xf32>, vector<16xf32>, vector<16xf32>, vector<16xf32>, vector<16xf32>, vector<16xf32>, vector<16xf32>, vector<16xf32>, vector<16xf32>, vector<16xf32>, vector<16xf32>, vector<16xf32>, vector<16xf32>, vector<16xf32>, vector<16xf32>, vector<16xf32>)  : i32 {
      %add3A_354 = arith.constant 192 : i32
      %add3A_355 = arith.addi %add3A_354, %scan3A_337 : i32
      %get3A = arith.index_cast %add3A_355 : i32 to index
      %get3A_356 = arith.constant 0 : index
      %get3A_357 = tpu.vector_load %arg8[%get3A, %get3A_356] {strides = array<i32>} : memref<256x256xf32, #tpu.memory_space<vmem>>, vector<1x16xf32>,
      %get3A_358 = vector.shape_cast %get3A_357 : vector<1x16xf32> to vector<16xf32>
      %get3A_359 = arith.constant 1 : i32
      %get3A_360 = arith.index_cast %get3A_359 : i32 to index
      %get3A_361 = arith.index_cast %scan3A_337 : i32 to index
      %get3A_362 = arith.constant 0 : index
      %get3A_363 = tpu.vector_load %arg9[%get3A_360, %get3A_361, %get3A_362] {strides = array<i32>} : memref<2x64x256xf32, #tpu.memory_space<vmem>>, vector<1x1x16xf32>,
      %get3A_364 = vector.shape_cast %get3A_363 : vector<1x1x16xf32> to vector<16xf32>
      %sub3A = arith.subf %get3A_358, %get3A_364 : vector<16xf32>
      %add3A_365 = arith.addf %get3A_364, %sub3A : vector<16xf32>
      %swap3A_366 = arith.index_cast %add3A_355 : i32 to index
      %swap3A_367 = arith.constant 0 : index
      %swap3A_368 = tpu.vector_load %arg8[%swap3A_366, %swap3A_367] {strides = array<i32>} : memref<256x256xf32, #tpu.memory_space<vmem>>, vector<1x16xf32>,
      %swap3A_369 = vector.shape_cast %swap3A_368 : vector<1x16xf32> to vector<16xf32>
      %swap3A_370 = vector.shape_cast %add3A_365 : vector<16xf32> to vector<1x16xf32>
      tpu.vector_store %arg8[%swap3A_366, %swap3A_367], %swap3A_370 {strides = array<i32>} : memref<256x256xf32, #tpu.memory_space<vmem>>, vector<1x16xf32>,
      %mul3A_371 = arith.mulf %sub3A, %sub3A : vector<16xf32>
      %add3A_372 = arith.addf %scan3A_338, %mul3A_371 : vector<16xf32>
      %get3A_373 = arith.index_cast %add3A_355 : i32 to index
      %get3A_374 = arith.constant 16 : index
      %get3A_375 = tpu.vector_load %arg8[%get3A_373, %get3A_374] {strides = array<i32>} : memref<256x256xf32, #tpu.memory_space<vmem>>, vector<1x16xf32>,
      %get3A_376 = vector.shape_cast %get3A_375 : vector<1x16xf32> to vector<16xf32>
      %get3A_377 = arith.constant 1 : i32
      %get3A_378 = arith.index_cast %get3A_377 : i32 to index
      %get3A_379 = arith.index_cast %scan3A_337 : i32 to index
      %get3A_380 = arith.constant 16 : index
      %get3A_381 = tpu.vector_load %arg9[%get3A_378, %get3A_379, %get3A_380] {strides = array<i32>} : memref<2x64x256xf32, #tpu.memory_space<vmem>>, vector<1x1x16xf32>,
      %get3A_382 = vector.shape_cast %get3A_381 : vector<1x1x16xf32> to vector<16xf32>
      %sub3A_383 = arith.subf %get3A_376, %get3A_382 : vector<16xf32>
      %add3A_384 = arith.addf %get3A_382, %sub3A_383 : vector<16xf32>
      %swap3A_385 = arith.index_cast %add3A_355 : i32 to index
      %swap3A_386 = arith.constant 16 : index
      %swap3A_387 = tpu.vector_load %arg8[%swap3A_385, %swap3A_386] {strides = array<i32>} : memref<256x256xf32, #tpu.memory_space<vmem>>, vector<1x16xf32>,
      %swap3A_388 = vector.shape_cast %swap3A_387 : vector<1x16xf32> to vector<16xf32>
      %swap3A_389 = vector.shape_cast %add3A_384 : vector<16xf32> to vector<1x16xf32>
      tpu.vector_store %arg8[%swap3A_385, %swap3A_386], %swap3A_389 {strides = array<i32>} : memref<256x256xf32, #tpu.memory_space<vmem>>, vector<1x16xf32>,
      %mul3A_390 = arith.mulf %sub3A_383, %sub3A_383 : vector<16xf32>
      %add3A_391 = arith.addf %scan3A_339, %mul3A_390 : vector<16xf32>
      %get3A_392 = arith.index_cast %add3A_355 : i32 to index
      %get3A_393 = arith.constant 32 : index
      %get3A_394 = tpu.vector_load %arg8[%get3A_392, %get3A_393] {strides = array<i32>} : memref<256x256xf32, #tpu.memory_space<vmem>>, vector<1x16xf32>,
      %get3A_395 = vector.shape_cast %get3A_394 : vector<1x16xf32> to vector<16xf32>
      %get3A_396 = arith.constant 1 : i32
      %get3A_397 = arith.index_cast %get3A_396 : i32 to index
      %get3A_398 = arith.index_cast %scan3A_337 : i32 to index
      %get3A_399 = arith.constant 32 : index
      %get3A_400 = tpu.vector_load %arg9[%get3A_397, %get3A_398, %get3A_399] {strides = array<i32>} : memref<2x64x256xf32, #tpu.memory_space<vmem>>, vector<1x1x16xf32>,
      %get3A_401 = vector.shape_cast %get3A_400 : vector<1x1x16xf32> to vector<16xf32>
      %sub3A_402 = arith.subf %get3A_395, %get3A_401 : vector<16xf32>
      %add3A_403 = arith.addf %get3A_401, %sub3A_402 : vector<16xf32>
      %swap3A_404 = arith.index_cast %add3A_355 : i32 to index
      %swap3A_405 = arith.constant 32 : index
      %swap3A_406 = tpu.vector_load %arg8[%swap3A_404, %swap3A_405] {strides = array<i32>} : memref<256x256xf32, #tpu.memory_space<vmem>>, vector<1x16xf32>,
      %swap3A_407 = vector.shape_cast %swap3A_406 : vector<1x16xf32> to vector<16xf32>
      %swap3A_408 = vector.shape_cast %add3A_403 : vector<16xf32> to vector<1x16xf32>
      tpu.vector_store %arg8[%swap3A_404, %swap3A_405], %swap3A_408 {strides = array<i32>} : memref<256x256xf32, #tpu.memory_space<vmem>>, vector<1x16xf32>,
      %mul3A_409 = arith.mulf %sub3A_402, %sub3A_402 : vector<16xf32>
      %add3A_410 = arith.addf %scan3A_340, %mul3A_409 : vector<16xf32>
      %get3A_411 = arith.index_cast %add3A_355 : i32 to index
      %get3A_412 = arith.constant 48 : index
      %get3A_413 = tpu.vector_load %arg8[%get3A_411, %get3A_412] {strides = array<i32>} : memref<256x256xf32, #tpu.memory_space<vmem>>, vector<1x16xf32>,
      %get3A_414 = vector.shape_cast %get3A_413 : vector<1x16xf32> to vector<16xf32>
      %get3A_415 = arith.constant 1 : i32
      %get3A_416 = arith.index_cast %get3A_415 : i32 to index
      %get3A_417 = arith.index_cast %scan3A_337 : i32 to index
      %get3A_418 = arith.constant 48 : index
      %get3A_419 = tpu.vector_load %arg9[%get3A_416, %get3A_417, %get3A_418] {strides = array<i32>} : memref<2x64x256xf32, #tpu.memory_space<vmem>>, vector<1x1x16xf32>,
      %get3A_420 = vector.shape_cast %get3A_419 : vector<1x1x16xf32> to vector<16xf32>
      %sub3A_421 = arith.subf %get3A_414, %get3A_420 : vector<16xf32>
      %add3A_422 = arith.addf %get3A_420, %sub3A_421 : vector<16xf32>
      %swap3A_423 = arith.index_cast %add3A_355 : i32 to index
      %swap3A_424 = arith.constant 48 : index
      %swap3A_425 = tpu.vector_load %arg8[%swap3A_423, %swap3A_424] {strides = array<i32>} : memref<256x256xf32, #tpu.memory_space<vmem>>, vector<1x16xf32>,
      %swap3A_426 = vector.shape_cast %swap3A_425 : vector<1x16xf32> to vector<16xf32>
      %swap3A_427 = vector.shape_cast %add3A_422 : vector<16xf32> to vector<1x16xf32>
      tpu.vector_store %arg8[%swap3A_423, %swap3A_424], %swap3A_427 {strides = array<i32>} : memref<256x256xf32, #tpu.memory_space<vmem>>, vector<1x16xf32>,
      %mul3A_428 = arith.mulf %sub3A_421, %sub3A_421 : vector<16xf32>
      %add3A_429 = arith.addf %scan3A_341, %mul3A_428 : vector<16xf32>
      %get3A_430 = arith.index_cast %add3A_355 : i32 to index
      %get3A_431 = arith.constant 64 : index
      %get3A_432 = tpu.vector_load %arg8[%get3A_430, %get3A_431] {strides = array<i32>} : memref<256x256xf32, #tpu.memory_space<vmem>>, vector<1x16xf32>,
      %get3A_433 = vector.shape_cast %get3A_432 : vector<1x16xf32> to vector<16xf32>
      %get3A_434 = arith.constant 1 : i32
      %get3A_435 = arith.index_cast %get3A_434 : i32 to index
      %get3A_436 = arith.index_cast %scan3A_337 : i32 to index
      %get3A_437 = arith.constant 64 : index
      %get3A_438 = tpu.vector_load %arg9[%get3A_435, %get3A_436, %get3A_437] {strides = array<i32>} : memref<2x64x256xf32, #tpu.memory_space<vmem>>, vector<1x1x16xf32>,
      %get3A_439 = vector.shape_cast %get3A_438 : vector<1x1x16xf32> to vector<16xf32>
      %sub3A_440 = arith.subf %get3A_433, %get3A_439 : vector<16xf32>
      %add3A_441 = arith.addf %get3A_439, %sub3A_440 : vector<16xf32>
      %swap3A_442 = arith.index_cast %add3A_355 : i32 to index
      %swap3A_443 = arith.constant 64 : index
      %swap3A_444 = tpu.vector_load %arg8[%swap3A_442, %swap3A_443] {strides = array<i32>} : memref<256x256xf32, #tpu.memory_space<vmem>>, vector<1x16xf32>,
      %swap3A_445 = vector.shape_cast %swap3A_444 : vector<1x16xf32> to vector<16xf32>
      %swap3A_446 = vector.shape_cast %add3A_441 : vector<16xf32> to vector<1x16xf32>
      tpu.vector_store %arg8[%swap3A_442, %swap3A_443], %swap3A_446 {strides = array<i32>} : memref<256x256xf32, #tpu.memory_space<vmem>>, vector<1x16xf32>,
      %mul3A_447 = arith.mulf %sub3A_440, %sub3A_440 : vector<16xf32>
      %add3A_448 = arith.addf %scan3A_342, %mul3A_447 : vector<16xf32>
      %get3A_449 = arith.index_cast %add3A_355 : i32 to index
      %get3A_450 = arith.constant 80 : index
      %get3A_451 = tpu.vector_load %arg8[%get3A_449, %get3A_450] {strides = array<i32>} : memref<256x256xf32, #tpu.memory_space<vmem>>, vector<1x16xf32>,
      %get3A_452 = vector.shape_cast %get3A_451 : vector<1x16xf32> to vector<16xf32>
      %get3A_453 = arith.constant 1 : i32
      %get3A_454 = arith.index_cast %get3A_453 : i32 to index
      %get3A_455 = arith.index_cast %scan3A_337 : i32 to index
      %get3A_456 = arith.constant 80 : index
      %get3A_457 = tpu.vector_load %arg9[%get3A_454, %get3A_455, %get3A_456] {strides = array<i32>} : memref<2x64x256xf32, #tpu.memory_space<vmem>>, vector<1x1x16xf32>,
      %get3A_458 = vector.shape_cast %get3A_457 : vector<1x1x16xf32> to vector<16xf32>
      %sub3A_459 = arith.subf %get3A_452, %get3A_458 : vector<16xf32>
      %add3A_460 = arith.addf %get3A_458, %sub3A_459 : vector<16xf32>
      %swap3A_461 = arith.index_cast %add3A_355 : i32 to index
      %swap3A_462 = arith.constant 80 : index
      %swap3A_463 = tpu.vector_load %arg8[%swap3A_461, %swap3A_462] {strides = array<i32>} : memref<256x256xf32, #tpu.memory_space<vmem>>, vector<1x16xf32>,
      %swap3A_464 = vector.shape_cast %swap3A_463 : vector<1x16xf32> to vector<16xf32>
      %swap3A_465 = vector.shape_cast %add3A_460 : vector<16xf32> to vector<1x16xf32>
      tpu.vector_store %arg8[%swap3A_461, %swap3A_462], %swap3A_465 {strides = array<i32>} : memref<256x256xf32, #tpu.memory_space<vmem>>, vector<1x16xf32>,
      %mul3A_466 = arith.mulf %sub3A_459, %sub3A_459 : vector<16xf32>
      %add3A_467 = arith.addf %scan3A_343, %mul3A_466 : vector<16xf32>
      %get3A_468 = arith.index_cast %add3A_355 : i32 to index
      %get3A_469 = arith.constant 96 : index
      %get3A_470 = tpu.vector_load %arg8[%get3A_468, %get3A_469] {strides = array<i32>} : memref<256x256xf32, #tpu.memory_space<vmem>>, vector<1x16xf32>,
      %get3A_471 = vector.shape_cast %get3A_470 : vector<1x16xf32> to vector<16xf32>
      %get3A_472 = arith.constant 1 : i32
      %get3A_473 = arith.index_cast %get3A_472 : i32 to index
      %get3A_474 = arith.index_cast %scan3A_337 : i32 to index
      %get3A_475 = arith.constant 96 : index
      %get3A_476 = tpu.vector_load %arg9[%get3A_473, %get3A_474, %get3A_475] {strides = array<i32>} : memref<2x64x256xf32, #tpu.memory_space<vmem>>, vector<1x1x16xf32>,
      %get3A_477 = vector.shape_cast %get3A_476 : vector<1x1x16xf32> to vector<16xf32>
      %sub3A_478 = arith.subf %get3A_471, %get3A_477 : vector<16xf32>
      %add3A_479 = arith.addf %get3A_477, %sub3A_478 : vector<16xf32>
      %swap3A_480 = arith.index_cast %add3A_355 : i32 to index
      %swap3A_481 = arith.constant 96 : index
      %swap3A_482 = tpu.vector_load %arg8[%swap3A_480, %swap3A_481] {strides = array<i32>} : memref<256x256xf32, #tpu.memory_space<vmem>>, vector<1x16xf32>,
      %swap3A_483 = vector.shape_cast %swap3A_482 : vector<1x16xf32> to vector<16xf32>
      %swap3A_484 = vector.shape_cast %add3A_479 : vector<16xf32> to vector<1x16xf32>
      tpu.vector_store %arg8[%swap3A_480, %swap3A_481], %swap3A_484 {strides = array<i32>} : memref<256x256xf32, #tpu.memory_space<vmem>>, vector<1x16xf32>,
      %mul3A_485 = arith.mulf %sub3A_478, %sub3A_478 : vector<16xf32>
      %add3A_486 = arith.addf %scan3A_344, %mul3A_485 : vector<16xf32>
      %get3A_487 = arith.index_cast %add3A_355 : i32 to index
      %get3A_488 = arith.constant 112 : index
      %get3A_489 = tpu.vector_load %arg8[%get3A_487, %get3A_488] {strides = array<i32>} : memref<256x256xf32, #tpu.memory_space<vmem>>, vector<1x16xf32>,
      %get3A_490 = vector.shape_cast %get3A_489 : vector<1x16xf32> to vector<16xf32>
      %get3A_491 = arith.constant 1 : i32
      %get3A_492 = arith.index_cast %get3A_491 : i32 to index
      %get3A_493 = arith.index_cast %scan3A_337 : i32 to index
      %get3A_494 = arith.constant 112 : index
      %get3A_495 = tpu.vector_load %arg9[%get3A_492, %get3A_493, %get3A_494] {strides = array<i32>} : memref<2x64x256xf32, #tpu.memory_space<vmem>>, vector<1x1x16xf32>,
      %get3A_496 = vector.shape_cast %get3A_495 : vector<1x1x16xf32> to vector<16xf32>
      %sub3A_497 = arith.subf %get3A_490, %get3A_496 : vector<16xf32>
      %add3A_498 = arith.addf %get3A_496, %sub3A_497 : vector<16xf32>
      %swap3A_499 = arith.index_cast %add3A_355 : i32 to index
      %swap3A_500 = arith.constant 112 : index
      %swap3A_501 = tpu.vector_load %arg8[%swap3A_499, %swap3A_500] {strides = array<i32>} : memref<256x256xf32, #tpu.memory_space<vmem>>, vector<1x16xf32>,
      %swap3A_502 = vector.shape_cast %swap3A_501 : vector<1x16xf32> to vector<16xf32>
      %swap3A_503 = vector.shape_cast %add3A_498 : vector<16xf32> to vector<1x16xf32>
      tpu.vector_store %arg8[%swap3A_499, %swap3A_500], %swap3A_503 {strides = array<i32>} : memref<256x256xf32, #tpu.memory_space<vmem>>, vector<1x16xf32>,
      %mul3A_504 = arith.mulf %sub3A_497, %sub3A_497 : vector<16xf32>
      %add3A_505 = arith.addf %scan3A_345, %mul3A_504 : vector<16xf32>
      %get3A_506 = arith.index_cast %add3A_355 : i32 to index
      %get3A_507 = arith.constant 128 : index
      %get3A_508 = tpu.vector_load %arg8[%get3A_506, %get3A_507] {strides = array<i32>} : memref<256x256xf32, #tpu.memory_space<vmem>>, vector<1x16xf32>,
      %get3A_509 = vector.shape_cast %get3A_508 : vector<1x16xf32> to vector<16xf32>
      %get3A_510 = arith.constant 1 : i32
      %get3A_511 = arith.index_cast %get3A_510 : i32 to index
      %get3A_512 = arith.index_cast %scan3A_337 : i32 to index
      %get3A_513 = arith.constant 128 : index
      %get3A_514 = tpu.vector_load %arg9[%get3A_511, %get3A_512, %get3A_513] {strides = array<i32>} : memref<2x64x256xf32, #tpu.memory_space<vmem>>, vector<1x1x16xf32>,
      %get3A_515 = vector.shape_cast %get3A_514 : vector<1x1x16xf32> to vector<16xf32>
      %sub3A_516 = arith.subf %get3A_509, %get3A_515 : vector<16xf32>
      %add3A_517 = arith.addf %get3A_515, %sub3A_516 : vector<16xf32>
      %swap3A_518 = arith.index_cast %add3A_355 : i32 to index
      %swap3A_519 = arith.constant 128 : index
      %swap3A_520 = tpu.vector_load %arg8[%swap3A_518, %swap3A_519] {strides = array<i32>} : memref<256x256xf32, #tpu.memory_space<vmem>>, vector<1x16xf32>,
      %swap3A_521 = vector.shape_cast %swap3A_520 : vector<1x16xf32> to vector<16xf32>
      %swap3A_522 = vector.shape_cast %add3A_517 : vector<16xf32> to vector<1x16xf32>
      tpu.vector_store %arg8[%swap3A_518, %swap3A_519], %swap3A_522 {strides = array<i32>} : memref<256x256xf32, #tpu.memory_space<vmem>>, vector<1x16xf32>,
      %mul3A_523 = arith.mulf %sub3A_516, %sub3A_516 : vector<16xf32>
      %add3A_524 = arith.addf %scan3A_346, %mul3A_523 : vector<16xf32>
      %get3A_525 = arith.index_cast %add3A_355 : i32 to index
      %get3A_526 = arith.constant 144 : index
      %get3A_527 = tpu.vector_load %arg8[%get3A_525, %get3A_526] {strides = array<i32>} : memref<256x256xf32, #tpu.memory_space<vmem>>, vector<1x16xf32>,
      %get3A_528 = vector.shape_cast %get3A_527 : vector<1x16xf32> to vector<16xf32>
      %get3A_529 = arith.constant 1 : i32
      %get3A_530 = arith.index_cast %get3A_529 : i32 to index
      %get3A_531 = arith.index_cast %scan3A_337 : i32 to index
      %get3A_532 = arith.constant 144 : index
      %get3A_533 = tpu.vector_load %arg9[%get3A_530, %get3A_531, %get3A_532] {strides = array<i32>} : memref<2x64x256xf32, #tpu.memory_space<vmem>>, vector<1x1x16xf32>,
      %get3A_534 = vector.shape_cast %get3A_533 : vector<1x1x16xf32> to vector<16xf32>
      %sub3A_535 = arith.subf %get3A_528, %get3A_534 : vector<16xf32>
      %add3A_536 = arith.addf %get3A_534, %sub3A_535 : vector<16xf32>
      %swap3A_537 = arith.index_cast %add3A_355 : i32 to index
      %swap3A_538 = arith.constant 144 : index
      %swap3A_539 = tpu.vector_load %arg8[%swap3A_537, %swap3A_538] {strides = array<i32>} : memref<256x256xf32, #tpu.memory_space<vmem>>, vector<1x16xf32>,
      %swap3A_540 = vector.shape_cast %swap3A_539 : vector<1x16xf32> to vector<16xf32>
      %swap3A_541 = vector.shape_cast %add3A_536 : vector<16xf32> to vector<1x16xf32>
      tpu.vector_store %arg8[%swap3A_537, %swap3A_538], %swap3A_541 {strides = array<i32>} : memref<256x256xf32, #tpu.memory_space<vmem>>, vector<1x16xf32>,
      %mul3A_542 = arith.mulf %sub3A_535, %sub3A_535 : vector<16xf32>
      %add3A_543 = arith.addf %scan3A_347, %mul3A_542 : vector<16xf32>
      %get3A_544 = arith.index_cast %add3A_355 : i32 to index
      %get3A_545 = arith.constant 160 : index
      %get3A_546 = tpu.vector_load %arg8[%get3A_544, %get3A_545] {strides = array<i32>} : memref<256x256xf32, #tpu.memory_space<vmem>>, vector<1x16xf32>,
      %get3A_547 = vector.shape_cast %get3A_546 : vector<1x16xf32> to vector<16xf32>
      %get3A_548 = arith.constant 1 : i32
      %get3A_549 = arith.index_cast %get3A_548 : i32 to index
      %get3A_550 = arith.index_cast %scan3A_337 : i32 to index
      %get3A_551 = arith.constant 160 : index
      %get3A_552 = tpu.vector_load %arg9[%get3A_549, %get3A_550, %get3A_551] {strides = array<i32>} : memref<2x64x256xf32, #tpu.memory_space<vmem>>, vector<1x1x16xf32>,
      %get3A_553 = vector.shape_cast %get3A_552 : vector<1x1x16xf32> to vector<16xf32>
      %sub3A_554 = arith.subf %get3A_547, %get3A_553 : vector<16xf32>
      %add3A_555 = arith.addf %get3A_553, %sub3A_554 : vector<16xf32>
      %swap3A_556 = arith.index_cast %add3A_355 : i32 to index
      %swap3A_557 = arith.constant 160 : index
      %swap3A_558 = tpu.vector_load %arg8[%swap3A_556, %swap3A_557] {strides = array<i32>} : memref<256x256xf32, #tpu.memory_space<vmem>>, vector<1x16xf32>,
      %swap3A_559 = vector.shape_cast %swap3A_558 : vector<1x16xf32> to vector<16xf32>
      %swap3A_560 = vector.shape_cast %add3A_555 : vector<16xf32> to vector<1x16xf32>
      tpu.vector_store %arg8[%swap3A_556, %swap3A_557], %swap3A_560 {strides = array<i32>} : memref<256x256xf32, #tpu.memory_space<vmem>>, vector<1x16xf32>,
      %mul3A_561 = arith.mulf %sub3A_554, %sub3A_554 : vector<16xf32>
      %add3A_562 = arith.addf %scan3A_348, %mul3A_561 : vector<16xf32>
      %get3A_563 = arith.index_cast %add3A_355 : i32 to index
      %get3A_564 = arith.constant 176 : index
      %get3A_565 = tpu.vector_load %arg8[%get3A_563, %get3A_564] {strides = array<i32>} : memref<256x256xf32, #tpu.memory_space<vmem>>, vector<1x16xf32>,
      %get3A_566 = vector.shape_cast %get3A_565 : vector<1x16xf32> to vector<16xf32>
      %get3A_567 = arith.constant 1 : i32
      %get3A_568 = arith.index_cast %get3A_567 : i32 to index
      %get3A_569 = arith.index_cast %scan3A_337 : i32 to index
      %get3A_570 = arith.constant 176 : index
      %get3A_571 = tpu.vector_load %arg9[%get3A_568, %get3A_569, %get3A_570] {strides = array<i32>} : memref<2x64x256xf32, #tpu.memory_space<vmem>>, vector<1x1x16xf32>,
      %get3A_572 = vector.shape_cast %get3A_571 : vector<1x1x16xf32> to vector<16xf32>
      %sub3A_573 = arith.subf %get3A_566, %get3A_572 : vector<16xf32>
      %add3A_574 = arith.addf %get3A_572, %sub3A_573 : vector<16xf32>
      %swap3A_575 = arith.index_cast %add3A_355 : i32 to index
      %swap3A_576 = arith.constant 176 : index
      %swap3A_577 = tpu.vector_load %arg8[%swap3A_575, %swap3A_576] {strides = array<i32>} : memref<256x256xf32, #tpu.memory_space<vmem>>, vector<1x16xf32>,
      %swap3A_578 = vector.shape_cast %swap3A_577 : vector<1x16xf32> to vector<16xf32>
      %swap3A_579 = vector.shape_cast %add3A_574 : vector<16xf32> to vector<1x16xf32>
      tpu.vector_store %arg8[%swap3A_575, %swap3A_576], %swap3A_579 {strides = array<i32>} : memref<256x256xf32, #tpu.memory_space<vmem>>, vector<1x16xf32>,
      %mul3A_580 = arith.mulf %sub3A_573, %sub3A_573 : vector<16xf32>
      %add3A_581 = arith.addf %scan3A_349, %mul3A_580 : vector<16xf32>
      %get3A_582 = arith.index_cast %add3A_355 : i32 to index
      %get3A_583 = arith.constant 192 : index
      %get3A_584 = tpu.vector_load %arg8[%get3A_582, %get3A_583] {strides = array<i32>} : memref<256x256xf32, #tpu.memory_space<vmem>>, vector<1x16xf32>,
      %get3A_585 = vector.shape_cast %get3A_584 : vector<1x16xf32> to vector<16xf32>
      %get3A_586 = arith.constant 1 : i32
      %get3A_587 = arith.index_cast %get3A_586 : i32 to index
      %get3A_588 = arith.index_cast %scan3A_337 : i32 to index
      %get3A_589 = arith.constant 192 : index
      %get3A_590 = tpu.vector_load %arg9[%get3A_587, %get3A_588, %get3A_589] {strides = array<i32>} : memref<2x64x256xf32, #tpu.memory_space<vmem>>, vector<1x1x16xf32>,
      %get3A_591 = vector.shape_cast %get3A_590 : vector<1x1x16xf32> to vector<16xf32>
      %sub3A_592 = arith.subf %get3A_585, %get3A_591 : vector<16xf32>
      %add3A_593 = arith.addf %get3A_591, %sub3A_592 : vector<16xf32>
      %swap3A_594 = arith.index_cast %add3A_355 : i32 to index
      %swap3A_595 = arith.constant 192 : index
      %swap3A_596 = tpu.vector_load %arg8[%swap3A_594, %swap3A_595] {strides = array<i32>} : memref<256x256xf32, #tpu.memory_space<vmem>>, vector<1x16xf32>,
      %swap3A_597 = vector.shape_cast %swap3A_596 : vector<1x16xf32> to vector<16xf32>
      %swap3A_598 = vector.shape_cast %add3A_593 : vector<16xf32> to vector<1x16xf32>
      tpu.vector_store %arg8[%swap3A_594, %swap3A_595], %swap3A_598 {strides = array<i32>} : memref<256x256xf32, #tpu.memory_space<vmem>>, vector<1x16xf32>,
      %mul3A_599 = arith.mulf %sub3A_592, %sub3A_592 : vector<16xf32>
      %add3A_600 = arith.addf %scan3A_350, %mul3A_599 : vector<16xf32>
      %get3A_601 = arith.index_cast %add3A_355 : i32 to index
      %get3A_602 = arith.constant 208 : index
      %get3A_603 = tpu.vector_load %arg8[%get3A_601, %get3A_602] {strides = array<i32>} : memref<256x256xf32, #tpu.memory_space<vmem>>, vector<1x16xf32>,
      %get3A_604 = vector.shape_cast %get3A_603 : vector<1x16xf32> to vector<16xf32>
      %get3A_605 = arith.constant 1 : i32
      %get3A_606 = arith.index_cast %get3A_605 : i32 to index
      %get3A_607 = arith.index_cast %scan3A_337 : i32 to index
      %get3A_608 = arith.constant 208 : index
      %get3A_609 = tpu.vector_load %arg9[%get3A_606, %get3A_607, %get3A_608] {strides = array<i32>} : memref<2x64x256xf32, #tpu.memory_space<vmem>>, vector<1x1x16xf32>,
      %get3A_610 = vector.shape_cast %get3A_609 : vector<1x1x16xf32> to vector<16xf32>
      %sub3A_611 = arith.subf %get3A_604, %get3A_610 : vector<16xf32>
      %add3A_612 = arith.addf %get3A_610, %sub3A_611 : vector<16xf32>
      %swap3A_613 = arith.index_cast %add3A_355 : i32 to index
      %swap3A_614 = arith.constant 208 : index
      %swap3A_615 = tpu.vector_load %arg8[%swap3A_613, %swap3A_614] {strides = array<i32>} : memref<256x256xf32, #tpu.memory_space<vmem>>, vector<1x16xf32>,
      %swap3A_616 = vector.shape_cast %swap3A_615 : vector<1x16xf32> to vector<16xf32>
      %swap3A_617 = vector.shape_cast %add3A_612 : vector<16xf32> to vector<1x16xf32>
      tpu.vector_store %arg8[%swap3A_613, %swap3A_614], %swap3A_617 {strides = array<i32>} : memref<256x256xf32, #tpu.memory_space<vmem>>, vector<1x16xf32>,
      %mul3A_618 = arith.mulf %sub3A_611, %sub3A_611 : vector<16xf32>
      %add3A_619 = arith.addf %scan3A_351, %mul3A_618 : vector<16xf32>
      %get3A_620 = arith.index_cast %add3A_355 : i32 to index
      %get3A_621 = arith.constant 224 : index
      %get3A_622 = tpu.vector_load %arg8[%get3A_620, %get3A_621] {strides = array<i32>} : memref<256x256xf32, #tpu.memory_space<vmem>>, vector<1x16xf32>,
      %get3A_623 = vector.shape_cast %get3A_622 : vector<1x16xf32> to vector<16xf32>
      %get3A_624 = arith.constant 1 : i32
      %get3A_625 = arith.index_cast %get3A_624 : i32 to index
      %get3A_626 = arith.index_cast %scan3A_337 : i32 to index
      %get3A_627 = arith.constant 224 : index
      %get3A_628 = tpu.vector_load %arg9[%get3A_625, %get3A_626, %get3A_627] {strides = array<i32>} : memref<2x64x256xf32, #tpu.memory_space<vmem>>, vector<1x1x16xf32>,
      %get3A_629 = vector.shape_cast %get3A_628 : vector<1x1x16xf32> to vector<16xf32>
      %sub3A_630 = arith.subf %get3A_623, %get3A_629 : vector<16xf32>
      %add3A_631 = arith.addf %get3A_629, %sub3A_630 : vector<16xf32>
      %swap3A_632 = arith.index_cast %add3A_355 : i32 to index
      %swap3A_633 = arith.constant 224 : index
      %swap3A_634 = tpu.vector_load %arg8[%swap3A_632, %swap3A_633] {strides = array<i32>} : memref<256x256xf32, #tpu.memory_space<vmem>>, vector<1x16xf32>,
      %swap3A_635 = vector.shape_cast %swap3A_634 : vector<1x16xf32> to vector<16xf32>
      %swap3A_636 = vector.shape_cast %add3A_631 : vector<16xf32> to vector<1x16xf32>
      tpu.vector_store %arg8[%swap3A_632, %swap3A_633], %swap3A_636 {strides = array<i32>} : memref<256x256xf32, #tpu.memory_space<vmem>>, vector<1x16xf32>,
      %mul3A_637 = arith.mulf %sub3A_630, %sub3A_630 : vector<16xf32>
      %add3A_638 = arith.addf %scan3A_352, %mul3A_637 : vector<16xf32>
      %get3A_639 = arith.index_cast %add3A_355 : i32 to index
      %get3A_640 = arith.constant 240 : index
      %get3A_641 = tpu.vector_load %arg8[%get3A_639, %get3A_640] {strides = array<i32>} : memref<256x256xf32, #tpu.memory_space<vmem>>, vector<1x16xf32>,
      %get3A_642 = vector.shape_cast %get3A_641 : vector<1x16xf32> to vector<16xf32>
      %get3A_643 = arith.constant 1 : i32
      %get3A_644 = arith.index_cast %get3A_643 : i32 to index
      %get3A_645 = arith.index_cast %scan3A_337 : i32 to index
      %get3A_646 = arith.constant 240 : index
      %get3A_647 = tpu.vector_load %arg9[%get3A_644, %get3A_645, %get3A_646] {strides = array<i32>} : memref<2x64x256xf32, #tpu.memory_space<vmem>>, vector<1x1x16xf32>,
      %get3A_648 = vector.shape_cast %get3A_647 : vector<1x1x16xf32> to vector<16xf32>
      %sub3A_649 = arith.subf %get3A_642, %get3A_648 : vector<16xf32>
      %add3A_650 = arith.addf %get3A_648, %sub3A_649 : vector<16xf32>
      %swap3A_651 = arith.index_cast %add3A_355 : i32 to index
      %swap3A_652 = arith.constant 240 : index
      %swap3A_653 = tpu.vector_load %arg8[%swap3A_651, %swap3A_652] {strides = array<i32>} : memref<256x256xf32, #tpu.memory_space<vmem>>, vector<1x16xf32>,
      %swap3A_654 = vector.shape_cast %swap3A_653 : vector<1x16xf32> to vector<16xf32>
      %swap3A_655 = vector.shape_cast %add3A_650 : vector<16xf32> to vector<1x16xf32>
      tpu.vector_store %arg8[%swap3A_651, %swap3A_652], %swap3A_655 {strides = array<i32>} : memref<256x256xf32, #tpu.memory_space<vmem>>, vector<1x16xf32>,
      %mul3A_656 = arith.mulf %sub3A_649, %sub3A_649 : vector<16xf32>
      %add3A_657 = arith.addf %scan3A_353, %mul3A_656 : vector<16xf32>
      scf.yield %add3A_372, %add3A_391, %add3A_410, %add3A_429, %add3A_448, %add3A_467, %add3A_486, %add3A_505, %add3A_524, %add3A_543, %add3A_562, %add3A_581, %add3A_600, %add3A_619, %add3A_638, %add3A_657 : vector<16xf32>, vector<16xf32>, vector<16xf32>, vector<16xf32>, vector<16xf32>, vector<16xf32>, vector<16xf32>, vector<16xf32>, vector<16xf32>, vector<16xf32>, vector<16xf32>, vector<16xf32>, vector<16xf32>, vector<16xf32>, vector<16xf32>, vector<16xf32>
    }
    %scan3A_266 = arith.constant 64 : i32
    %add3A_267 = arith.constant 192 : i32
    %add3A_268 = arith.addi %mul3A_2, %add3A_267 : i32
    %dma_start3A_269 = arith.constant 192 : i32
    %dma_start3A_270 = arith.constant 0 : i32
    %dma_start3A_271 = tpu.memref_slice %arg8[%dma_start3A_269, %dma_start3A_270] : memref<256x256xf32, #tpu.memory_space<vmem>> -> memref<64x256xf32, #tpu.memory_space<vmem>>
    %dma_start3A_272 = arith.constant 0 : i32
    %dma_start3A_273 = tpu.memref_slice %arg5[%add3A_268, %dma_start3A_272] : memref<8192x256xf32, #tpu.memory_space<hbm>> -> memref<64x256xf32, #tpu.memory_space<hbm>>
    %dma_start3A_274 = arith.constant 0 : i32
    %dma_start3A_275 = tpu.memref_slice %arg5[%add3A_268, %dma_start3A_274] : memref<8192x256xf32, #tpu.memory_space<hbm>> -> memref<64x256xf32, #tpu.memory_space<hbm>>
    %dma_start3A_276 = arith.constant 192 : i32
    %dma_start3A_277 = arith.constant 0 : i32
    %dma_start3A_278 = tpu.memref_slice %arg8[%dma_start3A_276, %dma_start3A_277] : memref<256x256xf32, #tpu.memory_space<vmem>> -> memref<64x256xf32, #tpu.memory_space<vmem>>
    tpu.enqueue_dma source(%dma_start3A_278 : memref<64x256xf32, #tpu.memory_space<vmem>>) target(%dma_start3A_275 : memref<64x256xf32, #tpu.memory_space<hbm>>) target_semaphore(%arg15 : memref<!tpu.dma_semaphore, #tpu.memory_space<semaphore_mem>>)
    %add3A_279 = arith.addf %scan3A_265#0, %scan3A_265#1 : vector<16xf32>
    %add3A_280 = arith.addf %add3A_279, %scan3A_265#2 : vector<16xf32>
    %add3A_281 = arith.addf %add3A_280, %scan3A_265#3 : vector<16xf32>
    %add3A_282 = arith.addf %add3A_281, %scan3A_265#4 : vector<16xf32>
    %add3A_283 = arith.addf %add3A_282, %scan3A_265#5 : vector<16xf32>
    %add3A_284 = arith.addf %add3A_283, %scan3A_265#6 : vector<16xf32>
    %add3A_285 = arith.addf %add3A_284, %scan3A_265#7 : vector<16xf32>
    %add3A_286 = arith.addf %add3A_285, %scan3A_265#8 : vector<16xf32>
    %add3A_287 = arith.addf %add3A_286, %scan3A_265#9 : vector<16xf32>
    %add3A_288 = arith.addf %add3A_287, %scan3A_265#10 : vector<16xf32>
    %add3A_289 = arith.addf %add3A_288, %scan3A_265#11 : vector<16xf32>
    %add3A_290 = arith.addf %add3A_289, %scan3A_265#12 : vector<16xf32>
    %add3A_291 = arith.addf %add3A_290, %scan3A_265#13 : vector<16xf32>
    %add3A_292 = arith.addf %add3A_291, %scan3A_265#14 : vector<16xf32>
    %add3A_293 = arith.addf %add3A_292, %scan3A_265#15 : vector<16xf32>
    %swap3A = arith.constant 0 : index
    %swap3A_294 = tpu.vector_load %arg10[%swap3A] {strides = array<i32>} : memref<16xf32, #tpu.memory_space<vmem>>, vector<16xf32>,
    %swap3A_295 = vector.shape_cast %swap3A_294 : vector<16xf32> to vector<16xf32>
    %swap3A_296 = vector.shape_cast %add3A_293 : vector<16xf32> to vector<16xf32>
    tpu.vector_store %arg10[%swap3A], %swap3A_296 {strides = array<i32>} : memref<16xf32, #tpu.memory_space<vmem>>, vector<16xf32>,
    "tpu.region"() ({
      %run_scoped3A = tpu.sem_alloc : memref<!tpu.dma_semaphore, #tpu.memory_space<semaphore_mem>>
      %dma_start3A_337 = arith.constant 0 : i32
      %dma_start3A_338 = tpu.memref_slice %arg6[%add3A, %dma_start3A_337] : memref<32x16xf32, #tpu.memory_space<hbm>> -> memref<1x16xf32, #tpu.memory_space<hbm>>
      %dma_start3A_339 = tpu.memref_squeeze %dma_start3A_338 : memref<1x16xf32, #tpu.memory_space<hbm>> -> memref<16xf32, #tpu.memory_space<hbm>>
      %dma_start3A_340 = arith.constant 0 : i32
      %dma_start3A_341 = tpu.memref_slice %arg6[%add3A, %dma_start3A_340] : memref<32x16xf32, #tpu.memory_space<hbm>> -> memref<1x16xf32, #tpu.memory_space<hbm>>
      %dma_start3A_342 = tpu.memref_squeeze %dma_start3A_341 : memref<1x16xf32, #tpu.memory_space<hbm>> -> memref<16xf32, #tpu.memory_space<hbm>>
      tpu.enqueue_dma source(%arg10 : memref<16xf32, #tpu.memory_space<vmem>>) target(%dma_start3A_342 : memref<16xf32, #tpu.memory_space<hbm>>) target_semaphore(%run_scoped3A : memref<!tpu.dma_semaphore, #tpu.memory_space<semaphore_mem>>)
      %dma_wait3A_343 = arith.constant 0 : i32
      %dma_wait3A_344 = tpu.memref_slice %arg6[%add3A, %dma_wait3A_343] : memref<32x16xf32, #tpu.memory_space<hbm>> -> memref<1x16xf32, #tpu.memory_space<hbm>>
      %dma_wait3A_345 = tpu.memref_squeeze %dma_wait3A_344 : memref<1x16xf32, #tpu.memory_space<hbm>> -> memref<16xf32, #tpu.memory_space<hbm>>
      %dma_wait3A_346 = arith.constant 0 : i32
      %dma_wait3A_347 = tpu.memref_slice %arg6[%add3A, %dma_wait3A_346] : memref<32x16xf32, #tpu.memory_space<hbm>> -> memref<1x16xf32, #tpu.memory_space<hbm>>
      %dma_wait3A_348 = tpu.memref_squeeze %dma_wait3A_347 : memref<1x16xf32, #tpu.memory_space<hbm>> -> memref<16xf32, #tpu.memory_space<hbm>>
      tpu.wait_dma2 semaphore(%run_scoped3A : memref<!tpu.dma_semaphore, #tpu.memory_space<semaphore_mem>>) src(%arg10 : memref<16xf32, #tpu.memory_space<vmem>>) dst(%dma_wait3A_348 : memref<16xf32, #tpu.memory_space<hbm>>)
      tpu.yield
    }) : () -> ()
    %dma_wait3A_297 = arith.constant 0 : i32
    %dma_wait3A_298 = arith.constant 0 : i32
    %dma_wait3A_299 = tpu.memref_slice %arg8[%dma_wait3A_297, %dma_wait3A_298] : memref<256x256xf32, #tpu.memory_space<vmem>> -> memref<64x256xf32, #tpu.memory_space<vmem>>
    %dma_wait3A_300 = arith.constant 0 : i32
    %dma_wait3A_301 = tpu.memref_slice %arg5[%add3A_105, %dma_wait3A_300] : memref<8192x256xf32, #tpu.memory_space<hbm>> -> memref<64x256xf32, #tpu.memory_space<hbm>>
    %dma_wait3A_302 = arith.constant 0 : i32
    %dma_wait3A_303 = tpu.memref_slice %arg5[%add3A_105, %dma_wait3A_302] : memref<8192x256xf32, #tpu.memory_space<hbm>> -> memref<64x256xf32, #tpu.memory_space<hbm>>
    %dma_wait3A_304 = arith.constant 0 : i32
    %dma_wait3A_305 = arith.constant 0 : i32
    %dma_wait3A_306 = tpu.memref_slice %arg8[%dma_wait3A_304, %dma_wait3A_305] : memref<256x256xf32, #tpu.memory_space<vmem>> -> memref<64x256xf32, #tpu.memory_space<vmem>>
    tpu.wait_dma2 semaphore(%arg15 : memref<!tpu.dma_semaphore, #tpu.memory_space<semaphore_mem>>) src(%dma_wait3A_306 : memref<64x256xf32, #tpu.memory_space<vmem>>) dst(%dma_wait3A_303 : memref<64x256xf32, #tpu.memory_space<hbm>>)
    %dma_wait3A_307 = arith.constant 64 : i32
    %dma_wait3A_308 = arith.constant 0 : i32
    %dma_wait3A_309 = tpu.memref_slice %arg8[%dma_wait3A_307, %dma_wait3A_308] : memref<256x256xf32, #tpu.memory_space<vmem>> -> memref<64x256xf32, #tpu.memory_space<vmem>>
    %dma_wait3A_310 = arith.constant 0 : i32
    %dma_wait3A_311 = tpu.memref_slice %arg5[%add3A_167, %dma_wait3A_310] : memref<8192x256xf32, #tpu.memory_space<hbm>> -> memref<64x256xf32, #tpu.memory_space<hbm>>
    %dma_wait3A_312 = arith.constant 0 : i32
    %dma_wait3A_313 = tpu.memref_slice %arg5[%add3A_167, %dma_wait3A_312] : memref<8192x256xf32, #tpu.memory_space<hbm>> -> memref<64x256xf32, #tpu.memory_space<hbm>>
    %dma_wait3A_314 = arith.constant 64 : i32
    %dma_wait3A_315 = arith.constant 0 : i32
    %dma_wait3A_316 = tpu.memref_slice %arg8[%dma_wait3A_314, %dma_wait3A_315] : memref<256x256xf32, #tpu.memory_space<vmem>> -> memref<64x256xf32, #tpu.memory_space<vmem>>
    tpu.wait_dma2 semaphore(%arg15 : memref<!tpu.dma_semaphore, #tpu.memory_space<semaphore_mem>>) src(%dma_wait3A_316 : memref<64x256xf32, #tpu.memory_space<vmem>>) dst(%dma_wait3A_313 : memref<64x256xf32, #tpu.memory_space<hbm>>)
    %dma_wait3A_317 = arith.constant 128 : i32
    %dma_wait3A_318 = arith.constant 0 : i32
    %dma_wait3A_319 = tpu.memref_slice %arg8[%dma_wait3A_317, %dma_wait3A_318] : memref<256x256xf32, #tpu.memory_space<vmem>> -> memref<64x256xf32, #tpu.memory_space<vmem>>
    %dma_wait3A_320 = arith.constant 0 : i32
    %dma_wait3A_321 = tpu.memref_slice %arg5[%add3A_229, %dma_wait3A_320] : memref<8192x256xf32, #tpu.memory_space<hbm>> -> memref<64x256xf32, #tpu.memory_space<hbm>>
    %dma_wait3A_322 = arith.constant 0 : i32
    %dma_wait3A_323 = tpu.memref_slice %arg5[%add3A_229, %dma_wait3A_322] : memref<8192x256xf32, #tpu.memory_space<hbm>> -> memref<64x256xf32, #tpu.memory_space<hbm>>
    %dma_wait3A_324 = arith.constant 128 : i32
    %dma_wait3A_325 = arith.constant 0 : i32
    %dma_wait3A_326 = tpu.memref_slice %arg8[%dma_wait3A_324, %dma_wait3A_325] : memref<256x256xf32, #tpu.memory_space<vmem>> -> memref<64x256xf32, #tpu.memory_space<vmem>>
    tpu.wait_dma2 semaphore(%arg15 : memref<!tpu.dma_semaphore, #tpu.memory_space<semaphore_mem>>) src(%dma_wait3A_326 : memref<64x256xf32, #tpu.memory_space<vmem>>) dst(%dma_wait3A_323 : memref<64x256xf32, #tpu.memory_space<hbm>>)
    %dma_wait3A_327 = arith.constant 192 : i32
    %dma_wait3A_328 = arith.constant 0 : i32
    %dma_wait3A_329 = tpu.memref_slice %arg8[%dma_wait3A_327, %dma_wait3A_328] : memref<256x256xf32, #tpu.memory_space<vmem>> -> memref<64x256xf32, #tpu.memory_space<vmem>>
    %dma_wait3A_330 = arith.constant 0 : i32
    %dma_wait3A_331 = tpu.memref_slice %arg5[%add3A_268, %dma_wait3A_330] : memref<8192x256xf32, #tpu.memory_space<hbm>> -> memref<64x256xf32, #tpu.memory_space<hbm>>
    %dma_wait3A_332 = arith.constant 0 : i32
    %dma_wait3A_333 = tpu.memref_slice %arg5[%add3A_268, %dma_wait3A_332] : memref<8192x256xf32, #tpu.memory_space<hbm>> -> memref<64x256xf32, #tpu.memory_space<hbm>>
    %dma_wait3A_334 = arith.constant 192 : i32
    %dma_wait3A_335 = arith.constant 0 : i32
    %dma_wait3A_336 = tpu.memref_slice %arg8[%dma_wait3A_334, %dma_wait3A_335] : memref<256x256xf32, #tpu.memory_space<vmem>> -> memref<64x256xf32, #tpu.memory_space<vmem>>
    tpu.wait_dma2 semaphore(%arg15 : memref<!tpu.dma_semaphore, #tpu.memory_space<semaphore_mem>>) src(%dma_wait3A_336 : memref<64x256xf32, #tpu.memory_space<vmem>>) dst(%dma_wait3A_333 : memref<64x256xf32, #tpu.memory_space<hbm>>)
    return
  }
}

module attributes {stable_mosaic.version = 14 : i64} {
  func.func @_argmin_body(%arg0: i32, %arg1: memref<1xf32, #tpu.memory_space<smem>>, %arg2: memref<1024x256xf32, #tpu.memory_space<vmem>>, %arg3: memref<8192x256xf32, #tpu.memory_space<vmem>>, %arg4: memref<256x256xf32, #tpu.memory_space<vmem>>, %arg5: memref<1x256xf32, #tpu.memory_space<vmem>>, %arg6: memref<1x1x1024xi32, #tpu.memory_space<vmem>>, %arg7: memref<8192x256xf32, #tpu.memory_space<vmem>>, %arg8: memref<8192x256xf32, #tpu.memory_space<vmem>>) attributes {dimension_semantics = [#tpu.dimension_semantics<arbitrary>], iteration_bounds = array<i64: 8>, scalar_prefetch = 0 : i64, scratch_operands = 1 : i64, tpu.core_type = #tpu.core_type<tc>, window_params = [{transform_indices = @transform_0, window_bounds = array<i64: 1>}, {transform_indices = @transform_1, window_bounds = array<i64: 1024, 256>}, {pipeline_mode = #tpu.pipeline_mode<synchronous>, transform_indices = @transform_2, window_bounds = array<i64: 8192, 256>}, {pipeline_mode = #tpu.pipeline_mode<synchronous>, transform_indices = @transform_3, window_bounds = array<i64: 256, 256>}, {pipeline_mode = #tpu.pipeline_mode<synchronous>, transform_indices = @transform_4, window_bounds = array<i64: 1, 256>}, {transform_indices = @transform_5, window_bounds = array<i64: 1, 1, 1024>}, {pipeline_mode = #tpu.pipeline_mode<synchronous>, transform_indices = @transform_6, window_bounds = array<i64: 8192, 256>}]} {
    %eq3A = arith.constant 0 : i32
    %eq3A_0 = arith.cmpi eq, %arg0, %eq3A : i32
    %convert_element_type3A = arith.extui %eq3A_0 : i1 to i32
    %cond3A = arith.constant 0 : i32
    %cond3A_1 = arith.cmpi ne, %convert_element_type3A, %cond3A : i32
    scf.if %cond3A_1 {
      %get3A_22 = arith.constant 0 : index
      %get3A_23 = arith.constant 0 : index
      %get3A_24 = vector.load %arg3[%get3A_22, %get3A_23] : memref<8192x256xf32, #tpu.memory_space<vmem>>, vector<1024x256xf32>
      %get3A_25 = arith.constant 0 : index
      %get3A_26 = arith.constant 0 : index
      %get3A_27 = vector.load %arg4[%get3A_25, %get3A_26] : memref<256x256xf32, #tpu.memory_space<vmem>>, vector<256x256xf32>
      %dot_general3A_28 = arith.constant dense<0.000000e+00> : vector<1024x256xf32>
      %dot_general3A_29 = tpu.matmul %get3A_24, %get3A_27, %dot_general3A_28 {dimension_numbers = #tpu.dot_dimension_numbers<[1], [1], [0], [0], [0, 0, 1, 0], [], []>, transpose_lhs_hint = false} : vector<1024x256xf32>, vector<256x256xf32>, vector<1024x256xf32> -> vector<1024x256xf32>
      %get3A_30 = arith.constant 0 : index
      %get3A_31 = arith.constant 0 : index
      %get3A_32 = vector.load %arg5[%get3A_30, %get3A_31] : memref<1x256xf32, #tpu.memory_space<vmem>>, vector<1x256xf32>
      %add3A = vector.broadcast %get3A_32 : vector<1x256xf32> to vector<1024x256xf32>
      %add3A_33 = arith.addf %dot_general3A_29, %add3A : vector<1024x256xf32>
      %mul3A_34 = arith.mulf %add3A_33, %add3A_33 : vector<1024x256xf32>
      %reduce_sum3A_35 = arith.constant dense<0.000000e+00> : vector<1024xf32>
      %reduce_sum3A_36 = vector.multi_reduction <add>, %mul3A_34, %reduce_sum3A_35 [1] : vector<1024x256xf32> to vector<1024xf32>
      %broadcast_in_dim3A_37 = vector.shape_cast %reduce_sum3A_36 : vector<1024xf32> to vector<1024x1xf32>
      %sqrt3A_38 = math.sqrt %broadcast_in_dim3A_37 : vector<1024x1xf32>
      %swap3A_39 = arith.constant 0 : index
      %swap3A_40 = arith.constant 0 : index
      %swap3A_41 = vector.load %arg7[%swap3A_39, %swap3A_40] : memref<8192x256xf32, #tpu.memory_space<vmem>>, vector<1024x256xf32>
      tpu.vector_store %arg7[%swap3A_39, %swap3A_40], %add3A_33 {strides = array<i32>} : memref<8192x256xf32, #tpu.memory_space<vmem>>, vector<1024x256xf32>,
      %max3A_42 = arith.constant 9.99999996E-13 : f32
      %max3A_43 = vector.broadcast %max3A_42 : f32 to vector<1024x1xf32>
      %max3A_44 = arith.maximumf %sqrt3A_38, %max3A_43 : vector<1024x1xf32>
      %div3A_45 = vector.broadcast %max3A_44 : vector<1024x1xf32> to vector<1024x256xf32>
      %div3A_46 = arith.divf %add3A_33, %div3A_45 : vector<1024x256xf32>
      %swap3A_47 = arith.constant 0 : index
      %swap3A_48 = arith.constant 0 : index
      %swap3A_49 = vector.load %arg8[%swap3A_47, %swap3A_48] : memref<8192x256xf32, #tpu.memory_space<vmem>>, vector<1024x256xf32>
      tpu.vector_store %arg8[%swap3A_47, %swap3A_48], %div3A_46 {strides = array<i32>} : memref<8192x256xf32, #tpu.memory_space<vmem>>, vector<1024x256xf32>,
      %get3A_50 = arith.constant 1024 : index
      %get3A_51 = arith.constant 0 : index
      %get3A_52 = vector.load %arg3[%get3A_50, %get3A_51] : memref<8192x256xf32, #tpu.memory_space<vmem>>, vector<1024x256xf32>
      %get3A_53 = arith.constant 0 : index
      %get3A_54 = arith.constant 0 : index
      %get3A_55 = vector.load %arg4[%get3A_53, %get3A_54] : memref<256x256xf32, #tpu.memory_space<vmem>>, vector<256x256xf32>
      %dot_general3A_56 = arith.constant dense<0.000000e+00> : vector<1024x256xf32>
      %dot_general3A_57 = tpu.matmul %get3A_52, %get3A_55, %dot_general3A_56 {dimension_numbers = #tpu.dot_dimension_numbers<[1], [1], [0], [0], [0, 0, 1, 0], [], []>, transpose_lhs_hint = false} : vector<1024x256xf32>, vector<256x256xf32>, vector<1024x256xf32> -> vector<1024x256xf32>
      %get3A_58 = arith.constant 0 : index
      %get3A_59 = arith.constant 0 : index
      %get3A_60 = vector.load %arg5[%get3A_58, %get3A_59] : memref<1x256xf32, #tpu.memory_space<vmem>>, vector<1x256xf32>
      %add3A_61 = vector.broadcast %get3A_60 : vector<1x256xf32> to vector<1024x256xf32>
      %add3A_62 = arith.addf %dot_general3A_57, %add3A_61 : vector<1024x256xf32>
      %mul3A_63 = arith.mulf %add3A_62, %add3A_62 : vector<1024x256xf32>
      %reduce_sum3A_64 = arith.constant dense<0.000000e+00> : vector<1024xf32>
      %reduce_sum3A_65 = vector.multi_reduction <add>, %mul3A_63, %reduce_sum3A_64 [1] : vector<1024x256xf32> to vector<1024xf32>
      %broadcast_in_dim3A_66 = vector.shape_cast %reduce_sum3A_65 : vector<1024xf32> to vector<1024x1xf32>
      %sqrt3A_67 = math.sqrt %broadcast_in_dim3A_66 : vector<1024x1xf32>
      %swap3A_68 = arith.constant 1024 : index
      %swap3A_69 = arith.constant 0 : index
      %swap3A_70 = vector.load %arg7[%swap3A_68, %swap3A_69] : memref<8192x256xf32, #tpu.memory_space<vmem>>, vector<1024x256xf32>
      tpu.vector_store %arg7[%swap3A_68, %swap3A_69], %add3A_62 {strides = array<i32>} : memref<8192x256xf32, #tpu.memory_space<vmem>>, vector<1024x256xf32>,
      %max3A_71 = arith.constant 9.99999996E-13 : f32
      %max3A_72 = vector.broadcast %max3A_71 : f32 to vector<1024x1xf32>
      %max3A_73 = arith.maximumf %sqrt3A_67, %max3A_72 : vector<1024x1xf32>
      %div3A_74 = vector.broadcast %max3A_73 : vector<1024x1xf32> to vector<1024x256xf32>
      %div3A_75 = arith.divf %add3A_62, %div3A_74 : vector<1024x256xf32>
      %swap3A_76 = arith.constant 1024 : index
      %swap3A_77 = arith.constant 0 : index
      %swap3A_78 = vector.load %arg8[%swap3A_76, %swap3A_77] : memref<8192x256xf32, #tpu.memory_space<vmem>>, vector<1024x256xf32>
      tpu.vector_store %arg8[%swap3A_76, %swap3A_77], %div3A_75 {strides = array<i32>} : memref<8192x256xf32, #tpu.memory_space<vmem>>, vector<1024x256xf32>,
      %get3A_79 = arith.constant 2048 : index
      %get3A_80 = arith.constant 0 : index
      %get3A_81 = vector.load %arg3[%get3A_79, %get3A_80] : memref<8192x256xf32, #tpu.memory_space<vmem>>, vector<1024x256xf32>
      %get3A_82 = arith.constant 0 : index
      %get3A_83 = arith.constant 0 : index
      %get3A_84 = vector.load %arg4[%get3A_82, %get3A_83] : memref<256x256xf32, #tpu.memory_space<vmem>>, vector<256x256xf32>
      %dot_general3A_85 = arith.constant dense<0.000000e+00> : vector<1024x256xf32>
      %dot_general3A_86 = tpu.matmul %get3A_81, %get3A_84, %dot_general3A_85 {dimension_numbers = #tpu.dot_dimension_numbers<[1], [1], [0], [0], [0, 0, 1, 0], [], []>, transpose_lhs_hint = false} : vector<1024x256xf32>, vector<256x256xf32>, vector<1024x256xf32> -> vector<1024x256xf32>
      %get3A_87 = arith.constant 0 : index
      %get3A_88 = arith.constant 0 : index
      %get3A_89 = vector.load %arg5[%get3A_87, %get3A_88] : memref<1x256xf32, #tpu.memory_space<vmem>>, vector<1x256xf32>
      %add3A_90 = vector.broadcast %get3A_89 : vector<1x256xf32> to vector<1024x256xf32>
      %add3A_91 = arith.addf %dot_general3A_86, %add3A_90 : vector<1024x256xf32>
      %mul3A_92 = arith.mulf %add3A_91, %add3A_91 : vector<1024x256xf32>
      %reduce_sum3A_93 = arith.constant dense<0.000000e+00> : vector<1024xf32>
      %reduce_sum3A_94 = vector.multi_reduction <add>, %mul3A_92, %reduce_sum3A_93 [1] : vector<1024x256xf32> to vector<1024xf32>
      %broadcast_in_dim3A_95 = vector.shape_cast %reduce_sum3A_94 : vector<1024xf32> to vector<1024x1xf32>
      %sqrt3A_96 = math.sqrt %broadcast_in_dim3A_95 : vector<1024x1xf32>
      %swap3A_97 = arith.constant 2048 : index
      %swap3A_98 = arith.constant 0 : index
      %swap3A_99 = vector.load %arg7[%swap3A_97, %swap3A_98] : memref<8192x256xf32, #tpu.memory_space<vmem>>, vector<1024x256xf32>
      tpu.vector_store %arg7[%swap3A_97, %swap3A_98], %add3A_91 {strides = array<i32>} : memref<8192x256xf32, #tpu.memory_space<vmem>>, vector<1024x256xf32>,
      %max3A_100 = arith.constant 9.99999996E-13 : f32
      %max3A_101 = vector.broadcast %max3A_100 : f32 to vector<1024x1xf32>
      %max3A_102 = arith.maximumf %sqrt3A_96, %max3A_101 : vector<1024x1xf32>
      %div3A_103 = vector.broadcast %max3A_102 : vector<1024x1xf32> to vector<1024x256xf32>
      %div3A_104 = arith.divf %add3A_91, %div3A_103 : vector<1024x256xf32>
      %swap3A_105 = arith.constant 2048 : index
      %swap3A_106 = arith.constant 0 : index
      %swap3A_107 = vector.load %arg8[%swap3A_105, %swap3A_106] : memref<8192x256xf32, #tpu.memory_space<vmem>>, vector<1024x256xf32>
      tpu.vector_store %arg8[%swap3A_105, %swap3A_106], %div3A_104 {strides = array<i32>} : memref<8192x256xf32, #tpu.memory_space<vmem>>, vector<1024x256xf32>,
      %get3A_108 = arith.constant 3072 : index
      %get3A_109 = arith.constant 0 : index
      %get3A_110 = vector.load %arg3[%get3A_108, %get3A_109] : memref<8192x256xf32, #tpu.memory_space<vmem>>, vector<1024x256xf32>
      %get3A_111 = arith.constant 0 : index
      %get3A_112 = arith.constant 0 : index
      %get3A_113 = vector.load %arg4[%get3A_111, %get3A_112] : memref<256x256xf32, #tpu.memory_space<vmem>>, vector<256x256xf32>
      %dot_general3A_114 = arith.constant dense<0.000000e+00> : vector<1024x256xf32>
      %dot_general3A_115 = tpu.matmul %get3A_110, %get3A_113, %dot_general3A_114 {dimension_numbers = #tpu.dot_dimension_numbers<[1], [1], [0], [0], [0, 0, 1, 0], [], []>, transpose_lhs_hint = false} : vector<1024x256xf32>, vector<256x256xf32>, vector<1024x256xf32> -> vector<1024x256xf32>
      %get3A_116 = arith.constant 0 : index
      %get3A_117 = arith.constant 0 : index
      %get3A_118 = vector.load %arg5[%get3A_116, %get3A_117] : memref<1x256xf32, #tpu.memory_space<vmem>>, vector<1x256xf32>
      %add3A_119 = vector.broadcast %get3A_118 : vector<1x256xf32> to vector<1024x256xf32>
      %add3A_120 = arith.addf %dot_general3A_115, %add3A_119 : vector<1024x256xf32>
      %mul3A_121 = arith.mulf %add3A_120, %add3A_120 : vector<1024x256xf32>
      %reduce_sum3A_122 = arith.constant dense<0.000000e+00> : vector<1024xf32>
      %reduce_sum3A_123 = vector.multi_reduction <add>, %mul3A_121, %reduce_sum3A_122 [1] : vector<1024x256xf32> to vector<1024xf32>
      %broadcast_in_dim3A_124 = vector.shape_cast %reduce_sum3A_123 : vector<1024xf32> to vector<1024x1xf32>
      %sqrt3A_125 = math.sqrt %broadcast_in_dim3A_124 : vector<1024x1xf32>
      %swap3A_126 = arith.constant 3072 : index
      %swap3A_127 = arith.constant 0 : index
      %swap3A_128 = vector.load %arg7[%swap3A_126, %swap3A_127] : memref<8192x256xf32, #tpu.memory_space<vmem>>, vector<1024x256xf32>
      tpu.vector_store %arg7[%swap3A_126, %swap3A_127], %add3A_120 {strides = array<i32>} : memref<8192x256xf32, #tpu.memory_space<vmem>>, vector<1024x256xf32>,
      %max3A_129 = arith.constant 9.99999996E-13 : f32
      %max3A_130 = vector.broadcast %max3A_129 : f32 to vector<1024x1xf32>
      %max3A_131 = arith.maximumf %sqrt3A_125, %max3A_130 : vector<1024x1xf32>
      %div3A_132 = vector.broadcast %max3A_131 : vector<1024x1xf32> to vector<1024x256xf32>
      %div3A_133 = arith.divf %add3A_120, %div3A_132 : vector<1024x256xf32>
      %swap3A_134 = arith.constant 3072 : index
      %swap3A_135 = arith.constant 0 : index
      %swap3A_136 = vector.load %arg8[%swap3A_134, %swap3A_135] : memref<8192x256xf32, #tpu.memory_space<vmem>>, vector<1024x256xf32>
      tpu.vector_store %arg8[%swap3A_134, %swap3A_135], %div3A_133 {strides = array<i32>} : memref<8192x256xf32, #tpu.memory_space<vmem>>, vector<1024x256xf32>,
      %get3A_137 = arith.constant 4096 : index
      %get3A_138 = arith.constant 0 : index
      %get3A_139 = vector.load %arg3[%get3A_137, %get3A_138] : memref<8192x256xf32, #tpu.memory_space<vmem>>, vector<1024x256xf32>
      %get3A_140 = arith.constant 0 : index
      %get3A_141 = arith.constant 0 : index
      %get3A_142 = vector.load %arg4[%get3A_140, %get3A_141] : memref<256x256xf32, #tpu.memory_space<vmem>>, vector<256x256xf32>
      %dot_general3A_143 = arith.constant dense<0.000000e+00> : vector<1024x256xf32>
      %dot_general3A_144 = tpu.matmul %get3A_139, %get3A_142, %dot_general3A_143 {dimension_numbers = #tpu.dot_dimension_numbers<[1], [1], [0], [0], [0, 0, 1, 0], [], []>, transpose_lhs_hint = false} : vector<1024x256xf32>, vector<256x256xf32>, vector<1024x256xf32> -> vector<1024x256xf32>
      %get3A_145 = arith.constant 0 : index
      %get3A_146 = arith.constant 0 : index
      %get3A_147 = vector.load %arg5[%get3A_145, %get3A_146] : memref<1x256xf32, #tpu.memory_space<vmem>>, vector<1x256xf32>
      %add3A_148 = vector.broadcast %get3A_147 : vector<1x256xf32> to vector<1024x256xf32>
      %add3A_149 = arith.addf %dot_general3A_144, %add3A_148 : vector<1024x256xf32>
      %mul3A_150 = arith.mulf %add3A_149, %add3A_149 : vector<1024x256xf32>
      %reduce_sum3A_151 = arith.constant dense<0.000000e+00> : vector<1024xf32>
      %reduce_sum3A_152 = vector.multi_reduction <add>, %mul3A_150, %reduce_sum3A_151 [1] : vector<1024x256xf32> to vector<1024xf32>
      %broadcast_in_dim3A_153 = vector.shape_cast %reduce_sum3A_152 : vector<1024xf32> to vector<1024x1xf32>
      %sqrt3A_154 = math.sqrt %broadcast_in_dim3A_153 : vector<1024x1xf32>
      %swap3A_155 = arith.constant 4096 : index
      %swap3A_156 = arith.constant 0 : index
      %swap3A_157 = vector.load %arg7[%swap3A_155, %swap3A_156] : memref<8192x256xf32, #tpu.memory_space<vmem>>, vector<1024x256xf32>
      tpu.vector_store %arg7[%swap3A_155, %swap3A_156], %add3A_149 {strides = array<i32>} : memref<8192x256xf32, #tpu.memory_space<vmem>>, vector<1024x256xf32>,
      %max3A_158 = arith.constant 9.99999996E-13 : f32
      %max3A_159 = vector.broadcast %max3A_158 : f32 to vector<1024x1xf32>
      %max3A_160 = arith.maximumf %sqrt3A_154, %max3A_159 : vector<1024x1xf32>
      %div3A_161 = vector.broadcast %max3A_160 : vector<1024x1xf32> to vector<1024x256xf32>
      %div3A_162 = arith.divf %add3A_149, %div3A_161 : vector<1024x256xf32>
      %swap3A_163 = arith.constant 4096 : index
      %swap3A_164 = arith.constant 0 : index
      %swap3A_165 = vector.load %arg8[%swap3A_163, %swap3A_164] : memref<8192x256xf32, #tpu.memory_space<vmem>>, vector<1024x256xf32>
      tpu.vector_store %arg8[%swap3A_163, %swap3A_164], %div3A_162 {strides = array<i32>} : memref<8192x256xf32, #tpu.memory_space<vmem>>, vector<1024x256xf32>,
      %get3A_166 = arith.constant 5120 : index
      %get3A_167 = arith.constant 0 : index
      %get3A_168 = vector.load %arg3[%get3A_166, %get3A_167] : memref<8192x256xf32, #tpu.memory_space<vmem>>, vector<1024x256xf32>
      %get3A_169 = arith.constant 0 : index
      %get3A_170 = arith.constant 0 : index
      %get3A_171 = vector.load %arg4[%get3A_169, %get3A_170] : memref<256x256xf32, #tpu.memory_space<vmem>>, vector<256x256xf32>
      %dot_general3A_172 = arith.constant dense<0.000000e+00> : vector<1024x256xf32>
      %dot_general3A_173 = tpu.matmul %get3A_168, %get3A_171, %dot_general3A_172 {dimension_numbers = #tpu.dot_dimension_numbers<[1], [1], [0], [0], [0, 0, 1, 0], [], []>, transpose_lhs_hint = false} : vector<1024x256xf32>, vector<256x256xf32>, vector<1024x256xf32> -> vector<1024x256xf32>
      %get3A_174 = arith.constant 0 : index
      %get3A_175 = arith.constant 0 : index
      %get3A_176 = vector.load %arg5[%get3A_174, %get3A_175] : memref<1x256xf32, #tpu.memory_space<vmem>>, vector<1x256xf32>
      %add3A_177 = vector.broadcast %get3A_176 : vector<1x256xf32> to vector<1024x256xf32>
      %add3A_178 = arith.addf %dot_general3A_173, %add3A_177 : vector<1024x256xf32>
      %mul3A_179 = arith.mulf %add3A_178, %add3A_178 : vector<1024x256xf32>
      %reduce_sum3A_180 = arith.constant dense<0.000000e+00> : vector<1024xf32>
      %reduce_sum3A_181 = vector.multi_reduction <add>, %mul3A_179, %reduce_sum3A_180 [1] : vector<1024x256xf32> to vector<1024xf32>
      %broadcast_in_dim3A_182 = vector.shape_cast %reduce_sum3A_181 : vector<1024xf32> to vector<1024x1xf32>
      %sqrt3A_183 = math.sqrt %broadcast_in_dim3A_182 : vector<1024x1xf32>
      %swap3A_184 = arith.constant 5120 : index
      %swap3A_185 = arith.constant 0 : index
      %swap3A_186 = vector.load %arg7[%swap3A_184, %swap3A_185] : memref<8192x256xf32, #tpu.memory_space<vmem>>, vector<1024x256xf32>
      tpu.vector_store %arg7[%swap3A_184, %swap3A_185], %add3A_178 {strides = array<i32>} : memref<8192x256xf32, #tpu.memory_space<vmem>>, vector<1024x256xf32>,
      %max3A_187 = arith.constant 9.99999996E-13 : f32
      %max3A_188 = vector.broadcast %max3A_187 : f32 to vector<1024x1xf32>
      %max3A_189 = arith.maximumf %sqrt3A_183, %max3A_188 : vector<1024x1xf32>
      %div3A_190 = vector.broadcast %max3A_189 : vector<1024x1xf32> to vector<1024x256xf32>
      %div3A_191 = arith.divf %add3A_178, %div3A_190 : vector<1024x256xf32>
      %swap3A_192 = arith.constant 5120 : index
      %swap3A_193 = arith.constant 0 : index
      %swap3A_194 = vector.load %arg8[%swap3A_192, %swap3A_193] : memref<8192x256xf32, #tpu.memory_space<vmem>>, vector<1024x256xf32>
      tpu.vector_store %arg8[%swap3A_192, %swap3A_193], %div3A_191 {strides = array<i32>} : memref<8192x256xf32, #tpu.memory_space<vmem>>, vector<1024x256xf32>,
      %get3A_195 = arith.constant 6144 : index
      %get3A_196 = arith.constant 0 : index
      %get3A_197 = vector.load %arg3[%get3A_195, %get3A_196] : memref<8192x256xf32, #tpu.memory_space<vmem>>, vector<1024x256xf32>
      %get3A_198 = arith.constant 0 : index
      %get3A_199 = arith.constant 0 : index
      %get3A_200 = vector.load %arg4[%get3A_198, %get3A_199] : memref<256x256xf32, #tpu.memory_space<vmem>>, vector<256x256xf32>
      %dot_general3A_201 = arith.constant dense<0.000000e+00> : vector<1024x256xf32>
      %dot_general3A_202 = tpu.matmul %get3A_197, %get3A_200, %dot_general3A_201 {dimension_numbers = #tpu.dot_dimension_numbers<[1], [1], [0], [0], [0, 0, 1, 0], [], []>, transpose_lhs_hint = false} : vector<1024x256xf32>, vector<256x256xf32>, vector<1024x256xf32> -> vector<1024x256xf32>
      %get3A_203 = arith.constant 0 : index
      %get3A_204 = arith.constant 0 : index
      %get3A_205 = vector.load %arg5[%get3A_203, %get3A_204] : memref<1x256xf32, #tpu.memory_space<vmem>>, vector<1x256xf32>
      %add3A_206 = vector.broadcast %get3A_205 : vector<1x256xf32> to vector<1024x256xf32>
      %add3A_207 = arith.addf %dot_general3A_202, %add3A_206 : vector<1024x256xf32>
      %mul3A_208 = arith.mulf %add3A_207, %add3A_207 : vector<1024x256xf32>
      %reduce_sum3A_209 = arith.constant dense<0.000000e+00> : vector<1024xf32>
      %reduce_sum3A_210 = vector.multi_reduction <add>, %mul3A_208, %reduce_sum3A_209 [1] : vector<1024x256xf32> to vector<1024xf32>
      %broadcast_in_dim3A_211 = vector.shape_cast %reduce_sum3A_210 : vector<1024xf32> to vector<1024x1xf32>
      %sqrt3A_212 = math.sqrt %broadcast_in_dim3A_211 : vector<1024x1xf32>
      %swap3A_213 = arith.constant 6144 : index
      %swap3A_214 = arith.constant 0 : index
      %swap3A_215 = vector.load %arg7[%swap3A_213, %swap3A_214] : memref<8192x256xf32, #tpu.memory_space<vmem>>, vector<1024x256xf32>
      tpu.vector_store %arg7[%swap3A_213, %swap3A_214], %add3A_207 {strides = array<i32>} : memref<8192x256xf32, #tpu.memory_space<vmem>>, vector<1024x256xf32>,
      %max3A_216 = arith.constant 9.99999996E-13 : f32
      %max3A_217 = vector.broadcast %max3A_216 : f32 to vector<1024x1xf32>
      %max3A_218 = arith.maximumf %sqrt3A_212, %max3A_217 : vector<1024x1xf32>
      %div3A_219 = vector.broadcast %max3A_218 : vector<1024x1xf32> to vector<1024x256xf32>
      %div3A_220 = arith.divf %add3A_207, %div3A_219 : vector<1024x256xf32>
      %swap3A_221 = arith.constant 6144 : index
      %swap3A_222 = arith.constant 0 : index
      %swap3A_223 = vector.load %arg8[%swap3A_221, %swap3A_222] : memref<8192x256xf32, #tpu.memory_space<vmem>>, vector<1024x256xf32>
      tpu.vector_store %arg8[%swap3A_221, %swap3A_222], %div3A_220 {strides = array<i32>} : memref<8192x256xf32, #tpu.memory_space<vmem>>, vector<1024x256xf32>,
      %get3A_224 = arith.constant 7168 : index
      %get3A_225 = arith.constant 0 : index
      %get3A_226 = vector.load %arg3[%get3A_224, %get3A_225] : memref<8192x256xf32, #tpu.memory_space<vmem>>, vector<1024x256xf32>
      %get3A_227 = arith.constant 0 : index
      %get3A_228 = arith.constant 0 : index
      %get3A_229 = vector.load %arg4[%get3A_227, %get3A_228] : memref<256x256xf32, #tpu.memory_space<vmem>>, vector<256x256xf32>
      %dot_general3A_230 = arith.constant dense<0.000000e+00> : vector<1024x256xf32>
      %dot_general3A_231 = tpu.matmul %get3A_226, %get3A_229, %dot_general3A_230 {dimension_numbers = #tpu.dot_dimension_numbers<[1], [1], [0], [0], [0, 0, 1, 0], [], []>, transpose_lhs_hint = false} : vector<1024x256xf32>, vector<256x256xf32>, vector<1024x256xf32> -> vector<1024x256xf32>
      %get3A_232 = arith.constant 0 : index
      %get3A_233 = arith.constant 0 : index
      %get3A_234 = vector.load %arg5[%get3A_232, %get3A_233] : memref<1x256xf32, #tpu.memory_space<vmem>>, vector<1x256xf32>
      %add3A_235 = vector.broadcast %get3A_234 : vector<1x256xf32> to vector<1024x256xf32>
      %add3A_236 = arith.addf %dot_general3A_231, %add3A_235 : vector<1024x256xf32>
      %mul3A_237 = arith.mulf %add3A_236, %add3A_236 : vector<1024x256xf32>
      %reduce_sum3A_238 = arith.constant dense<0.000000e+00> : vector<1024xf32>
      %reduce_sum3A_239 = vector.multi_reduction <add>, %mul3A_237, %reduce_sum3A_238 [1] : vector<1024x256xf32> to vector<1024xf32>
      %broadcast_in_dim3A_240 = vector.shape_cast %reduce_sum3A_239 : vector<1024xf32> to vector<1024x1xf32>
      %sqrt3A_241 = math.sqrt %broadcast_in_dim3A_240 : vector<1024x1xf32>
      %swap3A_242 = arith.constant 7168 : index
      %swap3A_243 = arith.constant 0 : index
      %swap3A_244 = vector.load %arg7[%swap3A_242, %swap3A_243] : memref<8192x256xf32, #tpu.memory_space<vmem>>, vector<1024x256xf32>
      tpu.vector_store %arg7[%swap3A_242, %swap3A_243], %add3A_236 {strides = array<i32>} : memref<8192x256xf32, #tpu.memory_space<vmem>>, vector<1024x256xf32>,
      %max3A_245 = arith.constant 9.99999996E-13 : f32
      %max3A_246 = vector.broadcast %max3A_245 : f32 to vector<1024x1xf32>
      %max3A_247 = arith.maximumf %sqrt3A_241, %max3A_246 : vector<1024x1xf32>
      %div3A_248 = vector.broadcast %max3A_247 : vector<1024x1xf32> to vector<1024x256xf32>
      %div3A_249 = arith.divf %add3A_236, %div3A_248 : vector<1024x256xf32>
      %swap3A_250 = arith.constant 7168 : index
      %swap3A_251 = arith.constant 0 : index
      %swap3A_252 = vector.load %arg8[%swap3A_250, %swap3A_251] : memref<8192x256xf32, #tpu.memory_space<vmem>>, vector<1024x256xf32>
      tpu.vector_store %arg8[%swap3A_250, %swap3A_251], %div3A_249 {strides = array<i32>} : memref<8192x256xf32, #tpu.memory_space<vmem>>, vector<1024x256xf32>,
    } else {
    }
    %get3A = arith.constant 0 : index
    %get3A_2 = arith.constant 0 : index
    %get3A_3 = vector.load %arg2[%get3A, %get3A_2] : memref<1024x256xf32, #tpu.memory_space<vmem>>, vector<1024x256xf32>
    %mul3A = arith.mulf %get3A_3, %get3A_3 : vector<1024x256xf32>
    %reduce_sum3A = arith.constant dense<0.000000e+00> : vector<1024xf32>
    %reduce_sum3A_4 = vector.multi_reduction <add>, %mul3A, %reduce_sum3A [1] : vector<1024x256xf32> to vector<1024xf32>
    %broadcast_in_dim3A = vector.shape_cast %reduce_sum3A_4 : vector<1024xf32> to vector<1024x1xf32>
    %sqrt3A = math.sqrt %broadcast_in_dim3A : vector<1024x1xf32>
    %max3A = arith.constant 9.99999996E-13 : f32
    %max3A_5 = vector.broadcast %max3A : f32 to vector<1024x1xf32>
    %max3A_6 = arith.maximumf %sqrt3A, %max3A_5 : vector<1024x1xf32>
    %div3A = vector.broadcast %max3A_6 : vector<1024x1xf32> to vector<1024x256xf32>
    %div3A_7 = arith.divf %get3A_3, %div3A : vector<1024x256xf32>
    %get3A_8 = arith.constant 0 : index
    %get3A_9 = arith.constant 0 : index
    %get3A_10 = vector.load %arg8[%get3A_8, %get3A_9] : memref<8192x256xf32, #tpu.memory_space<vmem>>, vector<8192x256xf32>
    %dot_general3A = arith.constant dense<0.000000e+00> : vector<1024x8192xf32>
    %dot_general3A_11 = tpu.matmul %div3A_7, %get3A_10, %dot_general3A {dimension_numbers = #tpu.dot_dimension_numbers<[1], [1], [0], [0], [0, 0, 1, 0], [], []>, transpose_lhs_hint = false} : vector<1024x256xf32>, vector<8192x256xf32>, vector<1024x8192xf32> -> vector<1024x8192xf32>
    %get3A_12 = arith.constant 0 : index
    %get3A_13 = memref.load %arg1[%get3A_12] : memref<1xf32, #tpu.memory_space<smem>>
    %neg3A = arith.constant 0.000000e+00 : f32
    %neg3A_14 = arith.subf %neg3A, %get3A_13 : f32
    %mul3A_15 = vector.broadcast %neg3A_14 : f32 to vector<1024x8192xf32>
    %mul3A_16 = arith.mulf %dot_general3A_11, %mul3A_15 : vector<1024x8192xf32>
    %argmin3A = tpu.reduce_index %mul3A_16 {axis = 1 : i32, kind = #tpu.reduction_kind<arg_min>} : vector<1024x8192xf32> -> vector<1024xi32>
    %swap3A = arith.constant 0 : index
    %swap3A_17 = arith.constant 0 : index
    %swap3A_18 = arith.constant 0 : index
    %swap3A_19 = vector.load %arg6[%swap3A, %swap3A_17, %swap3A_18] : memref<1x1x1024xi32, #tpu.memory_space<vmem>>, vector<1x1x1024xi32>
    %swap3A_20 = vector.shape_cast %swap3A_19 : vector<1x1x1024xi32> to vector<1024xi32>
    %swap3A_21 = vector.shape_cast %argmin3A : vector<1024xi32> to vector<1x1x1024xi32>
    tpu.vector_store %arg6[%swap3A, %swap3A_17, %swap3A_18], %swap3A_21 {strides = array<i32>} : memref<1x1x1024xi32, #tpu.memory_space<vmem>>, vector<1x1x1024xi32>,
    return
  }
  func.func @transform_0(%arg0: i32) -> i32 {
    %c0_i32 = arith.constant 0 : i32
    %c0_i32_0 = arith.constant 0 : i32
    return %c0_i32 : i32
  }
  func.func @transform_1(%arg0: i32) -> (i32, i32) {
    %c0_i32 = arith.constant 0 : i32
    %c0_i32_0 = arith.constant 0 : i32
    return %arg0, %c0_i32 : i32, i32
  }
  func.func @transform_2(%arg0: i32) -> (i32, i32) {
    %c0_i32 = arith.constant 0 : i32
    %c0_i32_0 = arith.constant 0 : i32
    %c0_i32_1 = arith.constant 0 : i32
    return %c0_i32, %c0_i32_0 : i32, i32
  }
  func.func @transform_3(%arg0: i32) -> (i32, i32) {
    %c0_i32 = arith.constant 0 : i32
    %c0_i32_0 = arith.constant 0 : i32
    %c0_i32_1 = arith.constant 0 : i32
    return %c0_i32, %c0_i32_0 : i32, i32
  }
  func.func @transform_4(%arg0: i32) -> (i32, i32) {
    %c0_i32 = arith.constant 0 : i32
    %c0_i32_0 = arith.constant 0 : i32
    %c0_i32_1 = arith.constant 0 : i32
    return %c0_i32, %c0_i32_0 : i32, i32
  }
  func.func @transform_5(%arg0: i32) -> (i32, i32, i32) {
    %c0_i32 = arith.constant 0 : i32
    %c0_i32_0 = arith.constant 0 : i32
    %c0_i32_1 = arith.constant 0 : i32
    return %arg0, %c0_i32, %c0_i32_0 : i32, i32, i32
  }
  func.func @transform_6(%arg0: i32) -> (i32, i32) {
    %c0_i32 = arith.constant 0 : i32
    %c0_i32_0 = arith.constant 0 : i32
    %c0_i32_1 = arith.constant 0 : i32
    return %c0_i32, %c0_i32_0 : i32, i32
  }
}

</mosaic_0001>

<sc_bundles>
// kernel: kernel.4.cloned.1.call-start
scs
__scs_entry_jumppad:
0x0: {  	(pc) =	sbr.rel $0x88, $3  }
0x1: {  	(tag) =	ssettag $0x0;
	lr =	simm.s32 $0x1  }
0x2: {  	[smem:$0x3F9C] =	sst lr;
	_ =	strace $0xD0000000  }
0x3: {  	_ = 	snop  }
0x4: {  	_ = 	snop  }
0x5: {  	_ = 	snop  }
0x6: {  	_ = 	snop  }
0x7: {  	_ = 	snop  }
__scs_overlays_trampoline_lowered:
0x8: {  	[smem:$0x3FAB] =	sst s0  }
0x9: {  	[smem:$0x3FAC] =	sst s1  }
0xa: {  	[smem:$0x3FAD] =	sst s2  }
0xb: {  	[smem:$0x3FAE] =	sst s3  }
0xc: {  	[smem:$0x3FAF] =	sst s4  }
0xd: {  	[smem:$0x3FB0] =	sst s5  }
0xe: {  	[smem:$0x3FB1] =	sst s6  }
0xf: {  	[smem:$0x3FB2] =	sst s7  }
0x10: {  	[smem:$0x3FB3] =	sst s8  }
0x11: {  	[smem:$0x3FB4] =	sst s9;
	s0 =	simm.s32 @!p0 $0x0  }
0x12: {  	s1 =	sld [smem:$0x3F9A];
	s0 =	simm.s32 @p0 $0x1  }
0x13: {  	[smem:$0x3FB5] =	sst s0;
	s0 =	simm.s32 @!p1 $0x0  }
0x14: {  	s2 =	sld [smem:$0x3F99];
	s0 =	simm.s32 @p1 $0x1  }
0x15: {  	[smem:$0x3FB6] =	sst s0;
	s0 =	simm.s32 @!p2 $0x0  }
0x16: {  	s3 =	sld [smem:$0x3FDB];
	s0 =	simm.s32 @p2 $0x1  }
0x17: {  	s4 =	simm.s32 $0x1BF5;
	[smem:$0x3FB8] =	sst s0  }
0x18: {  	s0 =	sld [smem:$0x3F9B];
	_ =	swait.ge [sflag:s4], $0x0  }
0x19: {  	s7 =	sld [smem:$0x3F9C]  }
0x1a: {  	s8 =	sadd.s32 $0xFFFFE003, lr  }
0x1b: {  	s9 =	sadd.s32 $0xFFFFFEF7, lr;
	s5 =	simm.s32 $0xFFFFFFFF;
	p2 =	slt.u32 s8, $0xFFFFF086  }
0x1c: {  	p1 =	slt.u32 s9, $0xF7A;
	s5 =	simm.s32 @!p2 $0x0  }
0x1d: {  	s5 =	simm.s32 @p1 $0x1;
	p0 =	seq.s32 s7, s2  }
0x1e: {  	s7 =	smul.u32 @!p0 $0xF7A, s2;
	p2 =	seq.s32 @!p0 s5, $0x0  }
0x1f: {  	s9 =	smul.u32 $0xF7A, s1;
	s8 =	simm.s32 @!p0 $0x1BF5;
	p2 =	por !p2, p0  }
0x20: {  	[sflag:s8] =	ssyncset.s32 @!p0 $0xFFFFF086;
	s6 =	sadd.s32 @!p0 s3, s7;
	s7 =	simm.s32 @!p0 $0x108  }
0x21: {  	s3 =	sadd.s32 s3, s9;
	s6 =	sadd.s32 @!p0 $0x88, s6;
	s7 =	simm.s32 @p2 $0x1082  }
0x22: {  	[simem:s7], [sflag:s8] =	dma.local @!p0 [hbm:s6], $0xF7A  }
0x23: {  	s9 =	sor.u32 $0xD0000000, s2;
	s6 =	simm.s32 $0x108;
	_ =	swait.ge @!p0 [sflag:s8], $0x0  }
0x24: {  	s3 =	sadd.s32 $0x88, s3;
	s6 =	simm.s32 @!p1 $0x1082;
	[sflag:s4] =	ssyncset.s32 $0xFFFFF086  }
0x25: {  	[simem:s6], [sflag:s4] =	dma.local [hbm:s3], $0xF7A  }
0x26: {  	[smem:$0x3F9C] =	sst s1;
	(tag) =	ssettag s2;
	_ =	strace s9  }
0x27: {  	s1 =	sld [smem:$0x3FAC]  }
0x28: {  	s2 =	sld [smem:$0x3FAD]  }
0x29: {  	s4 =	sld [smem:$0x3FAF]  }
0x2a: {  	p0 =	seq.s32 s5, $0x0;
	s5 =	sld [smem:$0x3FB0]  }
0x2b: {  	s6 =	sld [smem:$0x3FB1]  }
0x2c: {  	s7 =	sld [smem:$0x3FB2]  }
0x2d: {  	s3 =	simm.s32 $0x108;
	s8 =	sld [smem:$0x3FB3]  }
0x2e: {  	s3 =	simm.s32 @!p0 $0x1082;
	s9 =	sld [smem:$0x3FB4]  }
0x2f: {  	lr =	sadd.s32 s0, s3;
	s0 =	sld [smem:$0x3FAB]  }
0x30: {  	s3 =	sld [smem:$0x3FAE]  }
0x31: {  	[smem:$0x3FB7] =	sst s10  }
0x32: {  	s10 =	sld [smem:$0x3FB5];
	_ =	sdelay $0x3  }
0x33: {  	p0 =	seq.s32 s10, $0x1;
	s10 =	sld [smem:$0x3FB7];
	_ =	sdelay $0x3  }
0x34: {  	[smem:$0x3FB7] =	sst s10  }
0x35: {  	s10 =	sld [smem:$0x3FB6];
	_ =	sdelay $0x3  }
0x36: {  	p1 =	seq.s32 s10, $0x1;
	s10 =	sld [smem:$0x3FB7];
	_ =	sdelay $0x3  }
0x37: {  	[smem:$0x3FB7] =	sst s10  }
0x38: {  	s10 =	sld [smem:$0x3FB8]  }
0x39: {  	_ = 	snop;
	(pc) =	sbr.ind lr, $3  }
0x3a: {  	_ = 	snop  }
0x3b: {  	_ = 	snop  }
0x3c: {  	p2 =	seq.s32 s10, $0x1;
	s10 =	sld [smem:$0x3FB7]  }
0x3d: {  	_ =	shalt  }
0x3e: {  	_ =	shalt  }
0x3f: {  	_ =	shalt  }
0x40: {  	_ =	shalt  }
0x41: {  	_ =	shalt  }
0x42: {  	_ =	shalt  }
0x43: {  	_ =	shalt  }
0x44: {  	_ =	shalt  }
0x45: {  	_ =	shalt  }
0x46: {  	_ =	shalt  }
0x47: {  	_ =	shalt  }
0x48: {  	_ =	shalt  }
0x49: {  	_ =	shalt  }
0x4a: {  	_ =	shalt  }
0x4b: {  	_ =	shalt  }
0x4c: {  	_ =	shalt  }
0x4d: {  	_ =	shalt  }
0x4e: {  	_ =	shalt  }
0x4f: {  	_ =	shalt  }
0x50: {  	_ =	shalt  }
0x51: {  	_ =	shalt  }
0x52: {  	_ =	shalt  }
0x53: {  	_ =	shalt  }
0x54: {  	_ =	shalt  }
0x55: {  	_ =	shalt  }
0x56: {  	_ =	shalt  }
0x57: {  	_ =	shalt  }
0x58: {  	_ =	shalt  }
0x59: {  	_ =	shalt  }
0x5a: {  	_ =	shalt  }
0x5b: {  	_ =	shalt  }
0x5c: {  	_ =	shalt  }
0x5d: {  	_ =	shalt  }
0x5e: {  	_ =	shalt  }
0x5f: {  	_ =	shalt  }
0x60: {  	_ =	shalt  }
0x61: {  	_ =	shalt  }
0x62: {  	_ =	shalt  }
0x63: {  	_ =	shalt  }
0x64: {  	_ =	shalt  }
0x65: {  	_ =	shalt  }
0x66: {  	_ =	shalt  }
0x67: {  	_ =	shalt  }
0x68: {  	_ =	shalt  }
0x69: {  	_ =	shalt  }
0x6a: {  	_ =	shalt  }
0x6b: {  	_ =	shalt  }
0x6c: {  	_ =	shalt  }
0x6d: {  	_ =	shalt  }
0x6e: {  	_ =	shalt  }
0x6f: {  	_ =	shalt  }
0x70: {  	_ =	shalt  }
0x71: {  	_ =	shalt  }
0x72: {  	_ =	shalt  }
0x73: {  	_ =	shalt  }
0x74: {  	_ =	shalt  }
0x75: {  	_ =	shalt  }
0x76: {  	_ =	shalt  }
0x77: {  	_ =	shalt  }
0x78: {  	_ =	shalt  }
0x79: {  	_ =	shalt  }
0x7a: {  	_ =	shalt  }
0x7b: {  	_ =	shalt  }
0x7c: {  	_ =	shalt  }
0x7d: {  	_ =	shalt  }
0x7e: {  	_ =	shalt  }
0x7f: {  	_ =	shalt  }
0x80: {  	_ =	shalt  }
0x81: {  	_ =	shalt  }
0x82: {  	_ =	shalt  }
0x83: {  	_ =	shalt  }
0x84: {  	_ =	shalt  }
0x85: {  	_ =	shalt  }
0x86: {  	_ =	shalt  }
0x87: {  	_ =	shalt  }
.Lfunc_end0:
.L_simem_size_0:
called_computation_lowered:
.L_overlay_start_0:
0x88: {  	s2 =	sld [smem:$0x3FD9]  }
0x89: {  	s3 =	sld [smem:$0x3FFE];
	_ =	sdelay $0x1  }
0x8a: {  	s1 =	srdreg.scid  }
0x8b: {  	s0 =	sand.u32 $0x1, s1  }
0x8c: {  	s14 =	sshll.u32 s0, $0xA;
	s2 =	sadd.s32 s3, s2  }
0x8d: {  	s2 =	sadd.s32 s2, s14  }
0x8e: {  	[smem:$0x3FC3] =	sst s2  }
0x8f: {  	_ = 	snop  }
0x90: {  	s2 =	sld [smem:$0x3FD0];
	_ =	sdelay $0x2  }
0x91: {  	s4 =	simm.s32 $0xA;
	s5 =	simm.s32 $0x10;
	s15 =	sld [smem:$0x3FC9]  }
0x92: {  	[smem:s5], [sflag:s4] =	dma.local [hbm:s2], $0x1  }
0x93: {  	_ =	swait.eq [sflag:s4], $0x1  }
0x94: {  	[sflag:s4] =	ssyncset.done $0x0  }
0x95: {  	[sflag:s4] =	ssyncadd.s32 $0xFFFFFFFF  }
0x96: {  	s16 =	sld [smem:$0x10];
	(tm) =	ssettm $0x1  }
0x97: {  	s17 =	sld [smem:$0x3FFB];
	_ =	sdelay $0x3  }
0x98: {  	_ =	strace s17  }
0x99: {  	s4 =	sld [smem:$0x3FFC];
	_ =	sdelay $0x3  }
0x9a: {  	_ =	strace s4  }
0x9b: {  	s4 =	sld [smem:$0x3FFD];
	_ =	sdelay $0x3  }
0x9c: {  	_ =	strace s4  }
0x9d: {  	_ =	strace $0x8FFFFFFF  }
0x9e: {  	s18 =	sld [smem:$0x3FDB];
	_ =	sdelay $0x1  }
0x9f: {  	s19 =	simm.s32 $_scs_section_size  }
0xa0: {  	s6 =	simm.s32 $_size__tile_overlayer_lowered;
	s7 =	simm.s32 $_tile_overlayer_lowered  }
0xa1: {  	s22 =	simm.s32 $0x1BFF;
	s21 =	sshll.u32 s7, $0x1;
	s4 =	sadd.s32 s19, s18  }
0xa2: {  	s8 =	simm.s32 $0x0;
	s20 =	sshll.u32 s6, $0x1;
	s6 =	sadd.s32 s21, s4  }
0xa3: {  	[timem:s8], [sflag:s22] =	dma.local [hbm:s6], s20  }
0xa4: {  	_ =	swait.ge [sflag:s22], s20  }
0xa5: {  	s5 =	ssub.s32 $0x0, s20;
	[sflag:s22] =	ssyncset.done $0x0  }
0xa6: {  	[sflag:s22] =	ssyncadd.s32 s5;
	_ =	sdelay $0x1  }
0xa7: {  	s23 =	simm.s32 $0x1B8B  }
0xa8: {  	_ =	swait.ge [sflag:s23], $0x1  }
0xa9: {  	[sflag:s23] =	ssyncset.done $0x0  }
0xaa: {  	s25 =	simm.s32 $0x1B8E;
	s24 =	sld [smem:$0x3FFE];
	[sflag:s23] =	ssyncadd.s32 $0xFFFFFFFF  }
0xab: {  	s26 =	simm.s32 $execute0_lowered;
	[smem:$0x3FD2] =	sst s25  }
0xac: {  	s6 =	sshll.u32 s26, $0x1;
	_ =	strace $0x80000046;
	[dreg:$0x1] =	wrdreg $0xFFFFFFFF  }
0xad: {  	s28 =	simm.s32 $_size_execute0_lowered;
	s4 =	sadd.s32 s4, s6;
	[dreg:$0x0] =	wrdreg $0x0  }
0xae: {  	s6 =	sshll.u32 s28, $0x1;
	[dreg:$0x2] =	wrdreg s4  }
0xaf: {  	[dreg:$0x3] =	wrdreg s6  }
0xb0: {  	[dreg:$0x4] =	wrdreg $0xC0  }
0xb1: {  	_ =	task [dreg:s8], $0x5FFFF  }
0xb2: {  	[dreg:$0x1] =	wrdreg $0xFFFFFFFF  }
0xb3: {  	[dreg:$0x0] =	wrdreg $0x60  }
0xb4: {  	[dreg:$0x2] =	wrdreg s24  }
0xb5: {  	[dreg:$0x3] =	wrdreg s15  }
0xb6: {  	[dreg:$0x4] =	wrdreg s16  }
0xb7: {  	[dreg:$0x5] =	wrdreg $0x9  }
0xb8: {  	_ =	task.clear_ibuf [dreg:s8], $0x6FFFF;
	_ =	strace $0x90000046  }
0xb9: {  	s29 =	simm.s32 $0x9;
	_ =	strace $0x80000048  }
0xba: {  	_ =	swait.ge [sflag:s29], $0x1  }
0xbb: {  	[sflag:s29] =	ssyncadd.s32 $0xFFFFFFFF  }
0xbc: {  	_ =	strace $0x90000048  }
0xbd: {  	_ =	sfence  }
0xbe: {  	s30 =	sld [smem:$0x0];
	_ =	sdelay $0x2  }
0xbf: {  	s31 =	sshll.u32 s1, $0xD;
	s1 =	sshrl.u32 s1, $0x2  }
0xc0: {  	s3 =	sand.u32 $0x4000, s31;
	s1 =	sadd.s32 s1, s30  }
0xc1: {  	s0 =	sor.u32 s3, s0;
	s1 =	sshll.u32 s1, $0x11  }
0xc2: {  	s0 =	sor.u32 s1, s0  }
0xc3: {  	s0 =	sadd.s32 $0x8F2B, s0  }
0xc4: {  	[sflag:s0] =	ssyncadd.remote.s32 $0x1  }
0xc5: {  	_ =	sfence.sel $0xFFFF  }
0xc6: {  	[dreg:$0x0] =	wrdreg $0xFFFFFFFF;
	(pc) =	sbr.abs _section_cstart, $3  }
0xc7: {  	[dreg:$0x1] =	wrdreg $0xFFFFFFFF  }
0xc8: {  	_ =	task.clear_ibuf [dreg:s8], $0x2FFFF;
	_ =	strace $0x9FFFFFFF  }
0xc9: {  	(tm) =	ssettm $0x7FFFFFFF  }
tec
execute0_lowered:
.L_overlay_start_1:
0x0: {  	(tag) =	ssettag $0x1  }
0x1: {  	s0 =	rddreg [dreg:$0x0]  }
0x2: {  	s1 =	rddreg [dreg:$0x1]  }
0x3: {  	s12 =	rddreg [dreg:$0x2]  }
0x4: {  	s3 =	srdreg.scid;
	s5 =	stileid.u32  }
0x5: {  	s2 =	simm.s32 $0x0;
	s15 =	simm.s32 $0x6;
	s16 =	simm.s32 $0x100  }
0x6: {  	s24 =	simm.s32 $0x10100;
	s25 =	simm.s32 $0x4100;
	s17 =	simm.s32 $0x14100  }
0x7: {  	s18 =	simm.s32 $0x1;
	s19 =	simm.s32 $0x3;
	s20 =	simm.s32 $0x8100  }
0x8: {  	s31 =	simm.s32 $0x2;
	s22 =	simm.s32 $0x5;
	s23 =	simm.s32 $0x0  }
0x9: {  	s4 =	sand.u32 $0x1, s3;
	s29 =	sshll.u32 s5, $0x1;
	[smem:$0x7FF] =	sst s2  }
0xa: {  	s3 =	sadd.s32 $0x1200, s0;
	s5 =	sor.u32 s4, s29;
	_ =	strace $0x80000047  }
0xb: {  	s4 =	ssub.s32 $0x2, s4;
	s6 =	sshll.u32 s5, $0x5;
	s7 =	sshll.u32 s5, $0x4  }
0xc: {  	s30 =	sshrl.u32 s4, $0x1;
	s9 =	sshll.u32 s5, $0xD;
	s6 =	sadd.s32 s6, s0  }
0xd: {  	s0 =	sadd.s32 s7, s0;
	s14 =	ssub.s32 s4, s30;
	s10 =	sor.u32 $0x800, s9  }
0xe: {  	s5 =	sadd.s32 s1, s9;
	s11 =	sor.u32 $0x1000, s9;
	s7 =	sadd.s32 s12, s9  }
0xf: {  	s13 =	sor.u32 $0x1800, s9;
	s4 =	sadd.s32 $0x41200, s6;
	s6 =	sadd.s32 s1, s10  }
0x10: {  	v2 =	vlaneseq.u32;
	s8 =	sadd.s32 s1, s11;
	s9 =	sadd.s32 s12, s10;
	s10 =	sadd.s32 s1, s13  }
0x11: {  	vm0 =	vmmov $0xffff;
	v1 =	vshrl.u32 v2, $0x3;
	s11 =	sadd.s32 s12, s11;
	s12 =	sadd.s32 s12, s13;
	s13 =	sadd.s32 $0x41600, s0  }
0x12: {  	v0 =	vand.u32 $0x7, v2;
	v2 =	vor.u32 $0x8, v2;
	v1 =	vmul.u32 $0x8, v1;
	s14 =	smax.u32 s14, $0x1;
	s0 =	simm.s32 $0x4;
	s1 =	simm.s32 $0xC100  }
.LBB2_1:
0x13: {  	[tilespmem:s2], [sflag:$0x6] =	stream.linear.gather [hbm4b:s4+s2], $0x100, $0x38;
	[tilespmem:$0x18180] =	vst v63  }
0x14: {  	_ =	swait.ge [sflag:s15], $0x100  }
0x15: {  	[sflag:s15] =	ssyncset.done $0x0  }
0x16: {  	[sflag:s15] =	ssyncadd.s32 $0xFFFFFF00  }
0x17: {  	v3 =	vld [tilespmem:$0x0];
	_ =	sdelay $0x4  }
0x18: {  	v4 =	vshll.u32 v3, $0x1  }
0x19: {  	v3 =	vand.u32 $0x7, v3;
	v4 =	vand.u32 $0xFFFFFFF0, v4  }
0x1a: {  	v3 =	vor.u32 v3, v4  }
0x1b: {  	v4 =	vperm.xlane v3, v0;
	_ =	sdelay $0x1  }
0x1c: {  	v3 =	vperm.xlane v3, v2;
	v4 =	vadd.s32 v1, v4;
	_ =	sdelay $0x1  }
0x1d: {  	v3 =	vadd.s32 v1, v3;
	_ =	sdelay $0x2  }
0x1e: {  	[tilespmem:s16], [sflag:$0x1] =	stream.indirect_vreg.gather [hbm4b:s3+s2], $0x80, v4, vm0, $0xb8;
	[tilespmem:$0x18180] =	vst v63  }
0x1f: {  	s21 =	simm.s32 $0x900  }
0x20: {  	[tilespmem:s21], [sflag:$0x1] =	stream.indirect_vreg.gather [hbm4b:s3+s2], $0x80, v3, vm0, $0xb8;
	[tilespmem:$0x18180] =	vst v63  }
0x21: {  	v3 =	vld [tilespmem:$0x10];
	_ =	sdelay $0x4  }
0x22: {  	v4 =	vshll.u32 v3, $0x1  }
0x23: {  	v3 =	vand.u32 $0x7, v3;
	v4 =	vand.u32 $0xFFFFFFF0, v4  }
0x24: {  	v3 =	vor.u32 v3, v4  }
0x25: {  	v4 =	vperm.xlane v3, v0;
	_ =	sdelay $0x1  }
0x26: {  	v3 =	vperm.xlane v3, v2;
	v4 =	vadd.s32 v1, v4;
	_ =	sdelay $0x1  }
0x27: {  	v3 =	vadd.s32 v1, v3;
	_ =	sdelay $0x1  }
0x28: {  	s30 =	simm.s32 $0x1100  }
0x29: {  	[tilespmem:s30], [sflag:$0x1] =	stream.indirect_vreg.gather [hbm4b:s3+s2], $0x80, v4, vm0, $0xb8;
	[tilespmem:$0x18180] =	vst v63  }
0x2a: {  	s26 =	simm.s32 $0x1900  }
0x2b: {  	[tilespmem:s26], [sflag:$0x1] =	stream.indirect_vreg.gather [hbm4b:s3+s2], $0x80, v3, vm0, $0xb8;
	[tilespmem:$0x18180] =	vst v63  }
0x2c: {  	v3 =	vld [tilespmem:$0x20];
	_ =	sdelay $0x4  }
0x2d: {  	v4 =	vshll.u32 v3, $0x1  }
0x2e: {  	v3 =	vand.u32 $0x7, v3;
	v4 =	vand.u32 $0xFFFFFFF0, v4  }
0x2f: {  	v3 =	vor.u32 v3, v4  }
0x30: {  	v4 =	vperm.xlane v3, v0;
	_ =	sdelay $0x1  }
0x31: {  	v3 =	vperm.xlane v3, v2;
	v4 =	vadd.s32 v1, v4;
	_ =	sdelay $0x1  }
0x32: {  	v3 =	vadd.s32 v1, v3;
	_ =	sdelay $0x1  }
0x33: {  	s30 =	simm.s32 $0x2100  }
0x34: {  	[tilespmem:s30], [sflag:$0x1] =	stream.indirect_vreg.gather [hbm4b:s3+s2], $0x80, v4, vm0, $0xb8;
	[tilespmem:$0x18180] =	vst v63  }
0x35: {  	s26 =	simm.s32 $0x2900  }
0x36: {  	[tilespmem:s26], [sflag:$0x1] =	stream.indirect_vreg.gather [hbm4b:s3+s2], $0x80, v3, vm0, $0xb8;
	[tilespmem:$0x18180] =	vst v63  }
0x37: {  	v3 =	vld [tilespmem:$0x30];
	_ =	sdelay $0x4  }
0x38: {  	v4 =	vshll.u32 v3, $0x1  }
0x39: {  	v3 =	vand.u32 $0x7, v3;
	v4 =	vand.u32 $0xFFFFFFF0, v4  }
0x3a: {  	v3 =	vor.u32 v3, v4  }
0x3b: {  	v4 =	vperm.xlane v3, v0;
	_ =	sdelay $0x1  }
0x3c: {  	v3 =	vperm.xlane v3, v2;
	v4 =	vadd.s32 v1, v4;
	_ =	sdelay $0x1  }
0x3d: {  	v3 =	vadd.s32 v1, v3;
	_ =	sdelay $0x1  }
0x3e: {  	s30 =	simm.s32 $0x3100  }
0x3f: {  	[tilespmem:s30], [sflag:$0x1] =	stream.indirect_vreg.gather [hbm4b:s3+s2], $0x80, v4, vm0, $0xb8;
	[tilespmem:$0x18180] =	vst v63  }
0x40: {  	s26 =	simm.s32 $0x3900  }
0x41: {  	[tilespmem:s26], [sflag:$0x1] =	stream.indirect_vreg.gather [hbm4b:s3+s2], $0x80, v3, vm0, $0xb8;
	[tilespmem:$0x18180] =	vst v63  }
0x42: {  	_ = 	snop  }
0x43: {  	[tilespmem:s24], [sflag:$0x3] =	stream.linear.gather [hbm4b:s5+s2], $0x4000, $0x38;
	[tilespmem:$0x18180] =	vst v63  }
0x44: {  	v3 =	vld [tilespmem:$0x40];
	_ =	sdelay $0x4  }
0x45: {  	v4 =	vshll.u32 v3, $0x1  }
0x46: {  	v3 =	vand.u32 $0x7, v3;
	v4 =	vand.u32 $0xFFFFFFF0, v4  }
0x47: {  	v3 =	vor.u32 v3, v4  }
0x48: {  	v4 =	vperm.xlane v3, v0;
	_ =	sdelay $0x1  }
0x49: {  	v3 =	vperm.xlane v3, v2;
	v4 =	vadd.s32 v1, v4;
	_ =	sdelay $0x1  }
0x4a: {  	v3 =	vadd.s32 v1, v3;
	_ =	sdelay $0x2  }
0x4b: {  	[tilespmem:s25], [sflag:$0x2] =	stream.indirect_vreg.gather [hbm4b:s3+s2], $0x80, v4, vm0, $0xb8;
	[tilespmem:$0x18180] =	vst v63  }
0x4c: {  	s30 =	simm.s32 $0x4900  }
0x4d: {  	[tilespmem:s30], [sflag:$0x2] =	stream.indirect_vreg.gather [hbm4b:s3+s2], $0x80, v3, vm0, $0xb8;
	[tilespmem:$0x18180] =	vst v63  }
0x4e: {  	v3 =	vld [tilespmem:$0x50];
	_ =	sdelay $0x4  }
0x4f: {  	v4 =	vshll.u32 v3, $0x1  }
0x50: {  	v3 =	vand.u32 $0x7, v3;
	v4 =	vand.u32 $0xFFFFFFF0, v4  }
0x51: {  	v3 =	vor.u32 v3, v4  }
0x52: {  	v4 =	vperm.xlane v3, v0;
	_ =	sdelay $0x1  }
0x53: {  	v3 =	vperm.xlane v3, v2;
	v4 =	vadd.s32 v1, v4;
	_ =	sdelay $0x1  }
0x54: {  	v3 =	vadd.s32 v1, v3;
	_ =	sdelay $0x1  }
0x55: {  	s26 =	simm.s32 $0x5100  }
0x56: {  	[tilespmem:s26], [sflag:$0x2] =	stream.indirect_vreg.gather [hbm4b:s3+s2], $0x80, v4, vm0, $0xb8;
	[tilespmem:$0x18180] =	vst v63  }
0x57: {  	s30 =	simm.s32 $0x5900  }
0x58: {  	[tilespmem:s30], [sflag:$0x2] =	stream.indirect_vreg.gather [hbm4b:s3+s2], $0x80, v3, vm0, $0xb8;
	[tilespmem:$0x18180] =	vst v63  }
0x59: {  	v3 =	vld [tilespmem:$0x60];
	_ =	sdelay $0x4  }
0x5a: {  	v4 =	vshll.u32 v3, $0x1  }
0x5b: {  	v3 =	vand.u32 $0x7, v3;
	v4 =	vand.u32 $0xFFFFFFF0, v4  }
0x5c: {  	v3 =	vor.u32 v3, v4  }
0x5d: {  	v4 =	vperm.xlane v3, v0;
	_ =	sdelay $0x1  }
0x5e: {  	v3 =	vperm.xlane v3, v2;
	v4 =	vadd.s32 v1, v4;
	_ =	sdelay $0x1  }
0x5f: {  	v3 =	vadd.s32 v1, v3;
	_ =	sdelay $0x1  }
0x60: {  	s26 =	simm.s32 $0x6100  }
0x61: {  	[tilespmem:s26], [sflag:$0x2] =	stream.indirect_vreg.gather [hbm4b:s3+s2], $0x80, v4, vm0, $0xb8;
	[tilespmem:$0x18180] =	vst v63  }
0x62: {  	s30 =	simm.s32 $0x6900  }
0x63: {  	[tilespmem:s30], [sflag:$0x2] =	stream.indirect_vreg.gather [hbm4b:s3+s2], $0x80, v3, vm0, $0xb8;
	[tilespmem:$0x18180] =	vst v63  }
0x64: {  	v3 =	vld [tilespmem:$0x70];
	_ =	sdelay $0x4  }
0x65: {  	v4 =	vshll.u32 v3, $0x1  }
0x66: {  	v3 =	vand.u32 $0x7, v3;
	v4 =	vand.u32 $0xFFFFFFF0, v4  }
0x67: {  	v3 =	vor.u32 v3, v4  }
0x68: {  	v4 =	vperm.xlane v3, v0;
	_ =	sdelay $0x1  }
0x69: {  	v3 =	vperm.xlane v3, v2;
	v4 =	vadd.s32 v1, v4;
	_ =	sdelay $0x1  }
0x6a: {  	v3 =	vadd.s32 v1, v3;
	_ =	sdelay $0x1  }
0x6b: {  	s26 =	simm.s32 $0x7100  }
0x6c: {  	[tilespmem:s26], [sflag:$0x2] =	stream.indirect_vreg.gather [hbm4b:s3+s2], $0x80, v4, vm0, $0xb8;
	[tilespmem:$0x18180] =	vst v63  }
0x6d: {  	s30 =	simm.s32 $0x7900  }
0x6e: {  	[tilespmem:s30], [sflag:$0x2] =	stream.indirect_vreg.gather [hbm4b:s3+s2], $0x80, v3, vm0, $0xb8;
	[tilespmem:$0x18180] =	vst v63  }
0x6f: {  	_ = 	snop  }
0x70: {  	[tilespmem:s17], [sflag:$0x4] =	stream.linear.gather [hbm4b:s6+s2], $0x4000, $0x38;
	[tilespmem:$0x18180] =	vst v63  }
0x71: {  	_ =	swait.ge [sflag:s18], $0x4000  }
0x72: {  	[sflag:s18] =	ssyncset.done $0x0  }
0x73: {  	[sflag:s18] =	ssyncadd.s32 $0xFFFFC000  }
0x74: {  	_ =	swait.ge [sflag:s19], $0x4000  }
0x75: {  	s28 =	sand.u32 $0x380, s2;
	s26 =	sand.u32 $0x3800, s2;
	[sflag:s19] =	ssyncset.done $0x0  }
0x76: {  	s26 =	sor.u32 s28, s26;
	[sflag:s19] =	ssyncadd.s32 $0xFFFFC000  }
0x77: {  	v4 =	vld [tilespmem:s26+$0x10100]  }
0x78: {  	v5 =	vld [tilespmem:s26+$0x10110]  }
0x79: {  	v6 =	vld [tilespmem:s26+$0x10120]  }
0x7a: {  	v7 =	vld [tilespmem:s26+$0x10130]  }
0x7b: {  	v8 =	vld [tilespmem:s26+$0x10140]  }
0x7c: {  	v9 =	vld [tilespmem:s26+$0x10150]  }
0x7d: {  	v10 =	vld [tilespmem:s26+$0x10160]  }
0x7e: {  	v32 =	vld [tilespmem:s26+$0x10170]  }
0x7f: {  	v28 =	vld [tilespmem:s26+$0x10500]  }
0x80: {  	v27 =	vld [tilespmem:s26+$0x10510]  }
0x81: {  	v26 =	vld [tilespmem:s26+$0x10520]  }
0x82: {  	v3 =	vld [tilespmem:s26+$0x100]  }
0x83: {  	v11 =	vld [tilespmem:s26+$0x110]  }
0x84: {  	v12 =	vld [tilespmem:s26+$0x120]  }
0x85: {  	v13 =	vld [tilespmem:s26+$0x130]  }
0x86: {  	v14 =	vld [tilespmem:s26+$0x140]  }
0x87: {  	v16 =	vld [tilespmem:s26+$0x150];
	v15 =	vsub.f32 v3, v4  }
0x88: {  	v17 =	vld [tilespmem:s26+$0x160];
	v3 =	vimm.f32 $0.0e+00;
	v11 =	vsub.f32 v11, v5  }
0x89: {  	v34 =	vld [tilespmem:s26+$0x10530];
	v12 =	vsub.f32 v12, v6;
	v4 =	vadd.f32 v15, v4;
	v19 =	vmul.f32 v15, v15  }
0x8a: {  	v33 =	vld [tilespmem:s26+$0x10540];
	v18 =	vadd.f32 v11, v5;
	v20 =	vmul.f32 v11, v11;
	v5 =	vsub.f32 v13, v7  }
0x8b: {  	v31 =	vld [tilespmem:s26+$0x10550];
	v13 =	vadd.f32 v12, v6;
	v21 =	vmul.f32 v12, v12;
	v6 =	vsub.f32 v14, v8  }
0x8c: {  	v30 =	vld [tilespmem:s26+$0x10560];
	v12 =	vimm.f32 $0.0e+00;
	v14 =	vadd.f32 v5, v7;
	v22 =	vmul.f32 v5, v5  }
0x8d: {  	v29 =	vld [tilespmem:s26+$0x10570];
	v5 =	vsub.f32 v16, v9;
	v16 =	vadd.f32 v6, v8;
	v23 =	vmul.f32 v6, v6  }
0x8e: {  	v15 =	vld [tilespmem:s26+$0x170];
	v6 =	vsub.f32 v17, v10;
	[tilespmem:s26+$0x100] =	vst v4;
	v4 =	vimm.f32 $0.0e+00;
	v7 =	vimm.f32 $0.0e+00  }
0x8f: {  	v11 =	vld [tilespmem:s26+$0x500];
	v8 =	vimm.f32 $0.0e+00;
	[tilespmem:s26+$0x120] =	vst v13;
	v13 =	vimm.f32 $0.0e+00;
	v17 =	vimm.f32 $0.0e+00  }
0x90: {  	v35 =	vld [tilespmem:s26+$0x510];
	[tilespmem:s26+$0x110] =	vst v18;
	v18 =	vimm.f32 $0.0e+00;
	v43 =	vadd.f32 v5, v9;
	v24 =	vmul.f32 v5, v5  }
0x91: {  	v36 =	vld [tilespmem:s26+$0x520];
	v42 =	vadd.f32 v6, v10;
	v25 =	vmul.f32 v6, v6;
	v5 =	vimm.f32 $0.0e+00  }
0x92: {  	v39 =	vld [tilespmem:s26+$0x530];
	v6 =	vimm.f32 $0.0e+00;
	v9 =	vimm.f32 $0.0e+00;
	v10 =	vimm.f32 $0.0e+00;
	[tilespmem:s26+$0x130] =	vst v14  }
0x93: {  	v40 =	vld [tilespmem:s26+$0x540];
	v14 =	vimm.f32 $0.0e+00;
	[tilespmem:s26+$0x140] =	vst v16;
	v16 =	vimm.f32 $0.0e+00;
	v37 =	vsub.f32 v15, v32  }
0x94: {  	s29 =	simm.s32 $0x100;
	s28 =	simm.s32 $0x80;
	v41 =	vld [tilespmem:s26+$0x550];
	v38 =	vsub.f32 v11, v28;
	v11 =	vimm.f32 $0.0e+00;
	v15 =	vimm.f32 $0.0e+00  }
.LBB2_2:
0x95: {  	s30 =	sand.u32 $0x3800, s29;
	s21 =	sand.u32 $0x380, s28;
	p0 =	sne.s32 s29, $0x3F00;
	[tilespmem:s26+$0x150] =	vst v43;
	v32 =	vadd.f32 v37, v32;
	v37 =	vmul.f32 v37, v37;
	v35 =	vsub.f32 v35, v27;
	v43 =	vld [tilespmem:s26+$0x560]  }
0x96: {  	s21 =	sor.u32 s21, s30;
	[tilespmem:s26+$0x160] =	vst v42;
	v28 =	vadd.f32 v38, v28;
	v38 =	vmul.f32 v38, v38;
	v36 =	vsub.f32 v36, v26;
	v42 =	vld [tilespmem:s26+$0x570]  }
0x97: {  	v44 =	vld [tilespmem:s21+$0x10100];
	[tilespmem:s26+$0x170] =	vst v32;
	v27 =	vadd.f32 v35, v27;
	v35 =	vmul.f32 v35, v35;
	v32 =	vsub.f32 v39, v34  }
0x98: {  	v39 =	vld [tilespmem:s21+$0x10110];
	[tilespmem:s26+$0x500] =	vst v28;
	v26 =	vadd.f32 v36, v26;
	v36 =	vmul.f32 v36, v36;
	v28 =	vsub.f32 v40, v33  }
0x99: {  	v40 =	vld [tilespmem:s21+$0x10120];
	[tilespmem:s26+$0x510] =	vst v27;
	v27 =	vadd.f32 v32, v34;
	v45 =	vmul.f32 v32, v32;
	v32 =	vsub.f32 v41, v31  }
0x9a: {  	v41 =	vld [tilespmem:s21+$0x10130];
	[tilespmem:s26+$0x520] =	vst v26;
	v26 =	vadd.f32 v28, v33;
	v46 =	vmul.f32 v28, v28;
	v28 =	vsub.f32 v43, v30  }
0x9b: {  	v43 =	vld [tilespmem:s21+$0x10140];
	[tilespmem:s26+$0x530] =	vst v27;
	v27 =	vadd.f32 v32, v31;
	v31 =	vmul.f32 v32, v32;
	v32 =	vsub.f32 v42, v29  }
0x9c: {  	v3 =	vadd.f32 v19, v3;
	v42 =	vld [tilespmem:s21+$0x10150];
	[tilespmem:s26+$0x540] =	vst v26;
	v19 =	vadd.f32 v28, v30;
	v30 =	vmul.f32 v28, v28  }
0x9d: {  	v4 =	vadd.f32 v20, v4;
	v47 =	vld [tilespmem:s21+$0x10160];
	[tilespmem:s26+$0x550] =	vst v27;
	v20 =	vadd.f32 v32, v29;
	v29 =	vmul.f32 v32, v32  }
0x9e: {  	v5 =	vadd.f32 v21, v5;
	v6 =	vadd.f32 v22, v6;
	v32 =	vld [tilespmem:s21+$0x10170];
	[tilespmem:s26+$0x560] =	vst v19  }
0x9f: {  	v7 =	vadd.f32 v23, v7;
	v8 =	vadd.f32 v24, v8;
	v28 =	vld [tilespmem:s21+$0x10500];
	[tilespmem:s26+$0x570] =	vst v20;
	s26 =	smov.u32 s21  }
0xa0: {  	v9 =	vadd.f32 v25, v9;
	v10 =	vadd.f32 v37, v10;
	v27 =	vld [tilespmem:s26+$0x10510]  }
0xa1: {  	v11 =	vadd.f32 v38, v11;
	v12 =	vadd.f32 v35, v12;
	v26 =	vld [tilespmem:s26+$0x10520]  }
0xa2: {  	v13 =	vadd.f32 v36, v13;
	v14 =	vadd.f32 v45, v14;
	v34 =	vld [tilespmem:s26+$0x10530]  }
0xa3: {  	v15 =	vadd.f32 v46, v15;
	v16 =	vadd.f32 v31, v16;
	v33 =	vld [tilespmem:s26+$0x10540]  }
0xa4: {  	v17 =	vadd.f32 v30, v17;
	v18 =	vadd.f32 v29, v18;
	v31 =	vld [tilespmem:s26+$0x10550]  }
0xa5: {  	v30 =	vld [tilespmem:s26+$0x10560]  }
0xa6: {  	v29 =	vld [tilespmem:s26+$0x10570]  }
0xa7: {  	v19 =	vld [tilespmem:s26+$0x100]  }
0xa8: {  	v20 =	vld [tilespmem:s26+$0x110]  }
0xa9: {  	v21 =	vld [tilespmem:s26+$0x120]  }
0xaa: {  	v22 =	vld [tilespmem:s26+$0x130]  }
0xab: {  	v23 =	vld [tilespmem:s26+$0x140]  }
0xac: {  	v19 =	vsub.f32 v19, v44;
	v24 =	vld [tilespmem:s26+$0x150]  }
0xad: {  	v20 =	vsub.f32 v20, v39;
	v25 =	vld [tilespmem:s26+$0x160]  }
0xae: {  	v35 =	vadd.f32 v19, v44;
	v19 =	vmul.f32 v19, v19;
	v21 =	vsub.f32 v21, v40;
	v37 =	vld [tilespmem:s26+$0x170]  }
0xaf: {  	v36 =	vadd.f32 v20, v39;
	v20 =	vmul.f32 v20, v20;
	v22 =	vsub.f32 v22, v41;
	v38 =	vld [tilespmem:s26+$0x500]  }
.Ltmp0:
0xb0: {  	[tilespmem:s26+$0x100] =	vst v35;
	v39 =	vadd.f32 v21, v40;
	v21 =	vmul.f32 v21, v21;
	v23 =	vsub.f32 v23, v43;
	v35 =	vld [tilespmem:s26+$0x510];
	(pc) =	sbr.rel @p0 .LBB2_2-.Ltmp0, $4  }
0xb1: {  	[tilespmem:s26+$0x110] =	vst v36;
	v40 =	vadd.f32 v22, v41;
	v22 =	vmul.f32 v22, v22;
	v24 =	vsub.f32 v24, v42;
	v36 =	vld [tilespmem:s26+$0x520]  }
0xb2: {  	[tilespmem:s26+$0x120] =	vst v39;
	v41 =	vadd.f32 v23, v43;
	v23 =	vmul.f32 v23, v23;
	v25 =	vsub.f32 v25, v47;
	v39 =	vld [tilespmem:s26+$0x530]  }
0xb3: {  	[tilespmem:s26+$0x130] =	vst v40;
	v43 =	vadd.f32 v24, v42;
	v24 =	vmul.f32 v24, v24;
	v37 =	vsub.f32 v37, v32;
	v40 =	vld [tilespmem:s26+$0x540]  }
0xb4: {  	s28 =	sadd.s32 $0x80, s28;
	s29 =	sadd.s32 $0x100, s29;
	[tilespmem:s26+$0x140] =	vst v41;
	v42 =	vadd.f32 v25, v47;
	v25 =	vmul.f32 v25, v25;
	v38 =	vsub.f32 v38, v28;
	v41 =	vld [tilespmem:s26+$0x550]  }
0xb5: {  	[tilespmem:s26+$0x150] =	vst v43;
	v32 =	vadd.f32 v37, v32;
	v61 =	vsub.f32 v35, v27;
	v62 =	vld [tilespmem:s26+$0x560]  }
0xb6: {  	v54 =	vld [tilespmem:s26+$0x570];
	[tilespmem:s26+$0x160] =	vst v42;
	v28 =	vadd.f32 v38, v28;
	v63 =	vsub.f32 v36, v26  }
0xb7: {  	[tilespmem:s26+$0x170] =	vst v32;
	v27 =	vadd.f32 v61, v27;
	v39 =	vsub.f32 v39, v34  }
0xb8: {  	[tilespmem:s26+$0x500] =	vst v28;
	v26 =	vadd.f32 v63, v26;
	v40 =	vsub.f32 v40, v33  }
0xb9: {  	[tilespmem:s26+$0x510] =	vst v27;
	v27 =	vadd.f32 v39, v34;
	v41 =	vsub.f32 v41, v31  }
0xba: {  	[tilespmem:s26+$0x520] =	vst v26;
	v26 =	vadd.f32 v40, v33;
	v44 =	vsub.f32 v62, v30  }
0xbb: {  	[tilespmem:s26+$0x530] =	vst v27;
	v27 =	vadd.f32 v41, v31;
	v31 =	vsub.f32 v54, v29  }
0xbc: {  	[tilespmem:s26+$0x540] =	vst v26;
	v26 =	vadd.f32 v44, v30  }
0xbd: {  	[tilespmem:s26+$0x550] =	vst v27;
	v27 =	vadd.f32 v31, v29  }
0xbe: {  	[tilespmem:s26+$0x560] =	vst v26  }
0xbf: {  	s21 =	simm.s32 $0x0;
	[tilespmem:s26+$0x570] =	vst v27  }
0xc0: {  	[hbm4b:s7+s21] =	stream.linear.scatter [tilespmem:s16], [sflag:$0x5], $0x4000, $0x38;
	[tilespmem:$0x18180] =	vst v63  }
0xc1: {  	v26 =	vld [tilespmem:$0x80];
	_ =	sdelay $0x4  }
0xc2: {  	v27 =	vshll.u32 v26, $0x1  }
0xc3: {  	v26 =	vand.u32 $0x7, v26;
	v27 =	vand.u32 $0xFFFFFFF0, v27  }
0xc4: {  	v26 =	vor.u32 v26, v27  }
0xc5: {  	v27 =	vperm.xlane v26, v0;
	_ =	sdelay $0x1  }
0xc6: {  	v26 =	vperm.xlane v26, v2;
	v27 =	vadd.s32 v1, v27;
	_ =	sdelay $0x1  }
0xc7: {  	v26 =	vadd.s32 v1, v26;
	_ =	sdelay $0x2  }
0xc8: {  	[tilespmem:s20], [sflag:$0x1] =	stream.indirect_vreg.gather [hbm4b:s3+s21], $0x80, v27, vm0, $0xb8;
	[tilespmem:$0x18180] =	vst v63  }
0xc9: {  	s30 =	simm.s32 $0x8900  }
0xca: {  	[tilespmem:s30], [sflag:$0x1] =	stream.indirect_vreg.gather [hbm4b:s3+s21], $0x80, v26, vm0, $0xb8;
	[tilespmem:$0x18180] =	vst v63  }
0xcb: {  	v26 =	vld [tilespmem:$0x90];
	_ =	sdelay $0x4  }
0xcc: {  	v27 =	vshll.u32 v26, $0x1  }
0xcd: {  	v26 =	vand.u32 $0x7, v26;
	v27 =	vand.u32 $0xFFFFFFF0, v27  }
0xce: {  	v26 =	vor.u32 v26, v27  }
0xcf: {  	v27 =	vperm.xlane v26, v0;
	_ =	sdelay $0x1  }
0xd0: {  	v26 =	vperm.xlane v26, v2;
	v27 =	vadd.s32 v1, v27;
	_ =	sdelay $0x1  }
0xd1: {  	v26 =	vadd.s32 v1, v26;
	_ =	sdelay $0x1  }
0xd2: {  	s30 =	simm.s32 $0x9100  }
0xd3: {  	[tilespmem:s30], [sflag:$0x1] =	stream.indirect_vreg.gather [hbm4b:s3+s21], $0x80, v27, vm0, $0xb8;
	[tilespmem:$0x18180] =	vst v63  }
0xd4: {  	s30 =	simm.s32 $0x9900  }
0xd5: {  	[tilespmem:s30], [sflag:$0x1] =	stream.indirect_vreg.gather [hbm4b:s3+s21], $0x80, v26, vm0, $0xb8;
	[tilespmem:$0x18180] =	vst v63  }
0xd6: {  	v26 =	vld [tilespmem:$0xA0];
	_ =	sdelay $0x4  }
0xd7: {  	v27 =	vshll.u32 v26, $0x1  }
0xd8: {  	v26 =	vand.u32 $0x7, v26;
	v27 =	vand.u32 $0xFFFFFFF0, v27  }
0xd9: {  	v26 =	vor.u32 v26, v27  }
0xda: {  	v27 =	vperm.xlane v26, v0;
	_ =	sdelay $0x1  }
0xdb: {  	v26 =	vperm.xlane v26, v2;
	v27 =	vadd.s32 v1, v27;
	_ =	sdelay $0x1  }
0xdc: {  	v26 =	vadd.s32 v1, v26;
	_ =	sdelay $0x1  }
0xdd: {  	s30 =	simm.s32 $0xA100  }
0xde: {  	[tilespmem:s30], [sflag:$0x1] =	stream.indirect_vreg.gather [hbm4b:s3+s21], $0x80, v27, vm0, $0xb8;
	[tilespmem:$0x18180] =	vst v63  }
0xdf: {  	s30 =	simm.s32 $0xA900  }
0xe0: {  	[tilespmem:s30], [sflag:$0x1] =	stream.indirect_vreg.gather [hbm4b:s3+s21], $0x80, v26, vm0, $0xb8;
	[tilespmem:$0x18180] =	vst v63  }
0xe1: {  	v26 =	vld [tilespmem:$0xB0];
	_ =	sdelay $0x4  }
0xe2: {  	v27 =	vshll.u32 v26, $0x1  }
0xe3: {  	v26 =	vand.u32 $0x7, v26;
	v27 =	vand.u32 $0xFFFFFFF0, v27  }
0xe4: {  	v26 =	vor.u32 v26, v27  }
0xe5: {  	v27 =	vperm.xlane v26, v0;
	_ =	sdelay $0x1  }
0xe6: {  	v26 =	vperm.xlane v26, v2;
	v27 =	vadd.s32 v1, v27;
	_ =	sdelay $0x1  }
0xe7: {  	v26 =	vadd.s32 v1, v26;
	_ =	sdelay $0x1  }
0xe8: {  	s30 =	simm.s32 $0xB100  }
0xe9: {  	[tilespmem:s30], [sflag:$0x1] =	stream.indirect_vreg.gather [hbm4b:s3+s21], $0x80, v27, vm0, $0xb8;
	[tilespmem:$0x18180] =	vst v63  }
0xea: {  	s30 =	simm.s32 $0xB900  }
0xeb: {  	[tilespmem:s30], [sflag:$0x1] =	stream.indirect_vreg.gather [hbm4b:s3+s21], $0x80, v26, vm0, $0xb8;
	[tilespmem:$0x18180] =	vst v63  }
0xec: {  	_ = 	snop  }
0xed: {  	[tilespmem:s24], [sflag:$0x3] =	stream.linear.gather [hbm4b:s8+s21], $0x4000, $0x38;
	[tilespmem:$0x18180] =	vst v63  }
0xee: {  	_ =	swait.ge [sflag:s31], $0x4000  }
0xef: {  	[sflag:s31] =	ssyncset.done $0x0  }
0xf0: {  	[sflag:s31] =	ssyncadd.s32 $0xFFFFC000  }
0xf1: {  	_ =	swait.ge [sflag:s0], $0x4000  }
0xf2: {  	s30 =	sand.u32 $0x3800, s21;
	s21 =	sand.u32 $0x380, s21;
	[sflag:s0] =	ssyncset.done $0x0  }
0xf3: {  	s26 =	sor.u32 s21, s30;
	[sflag:s0] =	ssyncadd.s32 $0xFFFFC000  }
0xf4: {  	v30 =	vld [tilespmem:s26+$0x14100]  }
0xf5: {  	v45 =	vld [tilespmem:s26+$0x14110]  }
0xf6: {  	v46 =	vld [tilespmem:s26+$0x14120]  }
0xf7: {  	v47 =	vld [tilespmem:s26+$0x14130]  }
0xf8: {  	v48 =	vld [tilespmem:s26+$0x14140]  }
0xf9: {  	v49 =	vld [tilespmem:s26+$0x14150]  }
0xfa: {  	v50 =	vld [tilespmem:s26+$0x14160]  }
0xfb: {  	v36 =	vld [tilespmem:s26+$0x14170]  }
0xfc: {  	v35 =	vld [tilespmem:s26+$0x14500]  }
0xfd: {  	v34 =	vld [tilespmem:s26+$0x14510]  }
0xfe: {  	v33 =	vld [tilespmem:s26+$0x14520]  }
0xff: {  	v32 =	vld [tilespmem:s26+$0x14530]  }
0x100: {  	v3 =	vadd.f32 v19, v3;
	v4 =	vadd.f32 v20, v4;
	v29 =	vld [tilespmem:s26+$0x14540]  }
0x101: {  	v5 =	vadd.f32 v21, v5;
	v6 =	vadd.f32 v22, v6;
	v20 =	vmul.f32 v37, v37;
	v51 =	vld [tilespmem:s26+$0x4100]  }
0x102: {  	v7 =	vadd.f32 v23, v7;
	v8 =	vadd.f32 v24, v8;
	v22 =	vmul.f32 v38, v38;
	v19 =	vld [tilespmem:s26+$0x4110]  }
0x103: {  	v9 =	vadd.f32 v25, v9;
	v23 =	vmul.f32 v61, v61;
	v10 =	vadd.f32 v20, v10;
	v21 =	vld [tilespmem:s26+$0x4120]  }
0x104: {  	v25 =	vmul.f32 v63, v63;
	v11 =	vadd.f32 v22, v11;
	v56 =	vmul.f32 v39, v39;
	v24 =	vld [tilespmem:s26+$0x4130]  }
0x105: {  	v12 =	vadd.f32 v23, v12;
	v23 =	vmul.f32 v40, v40;
	v61 =	vmul.f32 v44, v44;
	v59 =	vld [tilespmem:s26+$0x4170]  }
0x106: {  	v13 =	vadd.f32 v25, v13;
	v14 =	vadd.f32 v56, v14;
	v60 =	vld [tilespmem:s26+$0x4500]  }
0x107: {  	v15 =	vadd.f32 v23, v15;
	v17 =	vadd.f32 v61, v17;
	v28 =	vld [tilespmem:s26+$0x14550]  }
0x108: {  	v20 =	vld [tilespmem:s26+$0x4140];
	v55 =	vsub.f32 v51, v30;
	v19 =	vsub.f32 v19, v45  }
0x109: {  	v57 =	vld [tilespmem:s26+$0x4150];
	v25 =	vsub.f32 v21, v46;
	v24 =	vsub.f32 v24, v47  }
0x10a: {  	v58 =	vld [tilespmem:s26+$0x4160];
	v37 =	vsub.f32 v59, v36;
	v22 =	vadd.f32 v55, v30;
	v30 =	vmul.f32 v41, v41  }
0x10b: {  	v27 =	vld [tilespmem:s26+$0x14560];
	v38 =	vsub.f32 v60, v35;
	v21 =	vadd.f32 v19, v45  }
0x10c: {  	v26 =	vld [tilespmem:s26+$0x14570];
	v62 =	vadd.f32 v24, v47;
	[tilespmem:s26+$0x4100] =	vst v22;
	v16 =	vadd.f32 v30, v16;
	v30 =	vmul.f32 v31, v31  }
0x10d: {  	v19 =	vmul.f32 v19, v19;
	v22 =	vld [tilespmem:s26+$0x4510];
	[tilespmem:s26+$0x4110] =	vst v21;
	v21 =	vadd.f32 v25, v46;
	v31 =	vsub.f32 v20, v48  }
0x10e: {  	v23 =	vld [tilespmem:s26+$0x4520];
	v20 =	vmul.f32 v25, v25;
	v18 =	vadd.f32 v30, v18;
	v30 =	vsub.f32 v57, v49  }
0x10f: {  	v39 =	vld [tilespmem:s26+$0x4530];
	[tilespmem:s26+$0x4130] =	vst v62;
	v63 =	vadd.f32 v31, v48;
	v25 =	vmul.f32 v31, v31;
	v31 =	vsub.f32 v58, v50  }
0x110: {  	v40 =	vld [tilespmem:s26+$0x4540];
	v24 =	vmul.f32 v24, v24;
	[tilespmem:s26+$0x4120] =	vst v21;
	v21 =	vmul.f32 v55, v55;
	v43 =	vadd.f32 v30, v49  }
0x111: {  	s28 =	simm.s32 $0x80;
	s29 =	simm.s32 $0x100;
	v41 =	vld [tilespmem:s26+$0x4550];
	v30 =	vmul.f32 v30, v30;
	[tilespmem:s26+$0x4140] =	vst v63;
	v42 =	vadd.f32 v31, v50;
	v31 =	vmul.f32 v31, v31  }
.LBB2_4:
0x112: {  	s21 =	sand.u32 $0x3800, s29;
	s30 =	sand.u32 $0x380, s28;
	p0 =	sne.s32 s29, $0x3F00;
	[tilespmem:s26+$0x4150] =	vst v43;
	v36 =	vadd.f32 v37, v36;
	v37 =	vmul.f32 v37, v37;
	v22 =	vsub.f32 v22, v34;
	v43 =	vld [tilespmem:s26+$0x4560]  }
0x113: {  	s21 =	sor.u32 s30, s21;
	[tilespmem:s26+$0x4160] =	vst v42;
	v35 =	vadd.f32 v38, v35;
	v38 =	vmul.f32 v38, v38;
	v23 =	vsub.f32 v23, v33;
	v42 =	vld [tilespmem:s26+$0x4570]  }
0x114: {  	v44 =	vld [tilespmem:s21+$0x14100];
	[tilespmem:s26+$0x4170] =	vst v36;
	v34 =	vadd.f32 v22, v34;
	v22 =	vmul.f32 v22, v22;
	v36 =	vsub.f32 v39, v32  }
0x115: {  	v39 =	vld [tilespmem:s21+$0x14110];
	[tilespmem:s26+$0x4500] =	vst v35;
	v33 =	vadd.f32 v23, v33;
	v23 =	vmul.f32 v23, v23;
	v35 =	vsub.f32 v40, v29  }
0x116: {  	v40 =	vld [tilespmem:s21+$0x14120];
	[tilespmem:s26+$0x4510] =	vst v34;
	v32 =	vadd.f32 v36, v32;
	v45 =	vmul.f32 v36, v36;
	v34 =	vsub.f32 v41, v28  }
0x117: {  	v41 =	vld [tilespmem:s21+$0x14130];
	[tilespmem:s26+$0x4520] =	vst v33;
	v29 =	vadd.f32 v35, v29;
	v46 =	vmul.f32 v35, v35;
	v33 =	vsub.f32 v43, v27  }
0x118: {  	v43 =	vld [tilespmem:s21+$0x14140];
	[tilespmem:s26+$0x4530] =	vst v32;
	v28 =	vadd.f32 v34, v28;
	v47 =	vmul.f32 v34, v34;
	v32 =	vsub.f32 v42, v26  }
0x119: {  	v3 =	vadd.f32 v21, v3;
	v42 =	vld [tilespmem:s21+$0x14150];
	[tilespmem:s26+$0x4540] =	vst v29;
	v21 =	vadd.f32 v33, v27;
	v27 =	vmul.f32 v33, v33  }
0x11a: {  	v4 =	vadd.f32 v19, v4;
	v48 =	vld [tilespmem:s21+$0x14160];
	[tilespmem:s26+$0x4550] =	vst v28;
	v19 =	vadd.f32 v32, v26;
	v26 =	vmul.f32 v32, v32  }
0x11b: {  	v5 =	vadd.f32 v20, v5;
	v6 =	vadd.f32 v24, v6;
	v36 =	vld [tilespmem:s21+$0x14170];
	[tilespmem:s26+$0x4560] =	vst v21  }
0x11c: {  	v7 =	vadd.f32 v25, v7;
	v8 =	vadd.f32 v30, v8;
	v35 =	vld [tilespmem:s21+$0x14500];
	[tilespmem:s26+$0x4570] =	vst v19;
	s26 =	smov.u32 s21  }
0x11d: {  	v9 =	vadd.f32 v31, v9;
	v10 =	vadd.f32 v37, v10;
	v34 =	vld [tilespmem:s26+$0x14510]  }
0x11e: {  	v11 =	vadd.f32 v38, v11;
	v12 =	vadd.f32 v22, v12;
	v33 =	vld [tilespmem:s26+$0x14520]  }
0x11f: {  	v13 =	vadd.f32 v23, v13;
	v14 =	vadd.f32 v45, v14;
	v32 =	vld [tilespmem:s26+$0x14530]  }
0x120: {  	v15 =	vadd.f32 v46, v15;
	v16 =	vadd.f32 v47, v16;
	v29 =	vld [tilespmem:s26+$0x14540]  }
0x121: {  	v17 =	vadd.f32 v27, v17;
	v18 =	vadd.f32 v26, v18;
	v28 =	vld [tilespmem:s26+$0x14550]  }
0x122: {  	v27 =	vld [tilespmem:s26+$0x14560]  }
0x123: {  	v26 =	vld [tilespmem:s26+$0x14570]  }
0x124: {  	v19 =	vld [tilespmem:s26+$0x4100]  }
0x125: {  	v20 =	vld [tilespmem:s26+$0x4110]  }
0x126: {  	v22 =	vld [tilespmem:s26+$0x4120]  }
0x127: {  	v23 =	vld [tilespmem:s26+$0x4130]  }
0x128: {  	v24 =	vld [tilespmem:s26+$0x4140]  }
0x129: {  	v19 =	vsub.f32 v19, v44;
	v25 =	vld [tilespmem:s26+$0x4150]  }
0x12a: {  	v20 =	vsub.f32 v20, v39;
	v30 =	vld [tilespmem:s26+$0x4160]  }
0x12b: {  	v31 =	vadd.f32 v19, v44;
	v21 =	vmul.f32 v19, v19;
	v22 =	vsub.f32 v22, v40;
	v37 =	vld [tilespmem:s26+$0x4170]  }
0x12c: {  	v38 =	vadd.f32 v20, v39;
	v19 =	vmul.f32 v20, v20;
	v23 =	vsub.f32 v23, v41;
	v44 =	vld [tilespmem:s26+$0x4500]  }
.Ltmp1:
0x12d: {  	[tilespmem:s26+$0x4100] =	vst v31;
	v31 =	vadd.f32 v22, v40;
	v20 =	vmul.f32 v22, v22;
	v39 =	vsub.f32 v24, v43;
	v22 =	vld [tilespmem:s26+$0x4510];
	(pc) =	sbr.rel @p0 .LBB2_4-.Ltmp1, $4  }
0x12e: {  	[tilespmem:s26+$0x4110] =	vst v38;
	v38 =	vadd.f32 v23, v41;
	v24 =	vmul.f32 v23, v23;
	v40 =	vsub.f32 v25, v42;
	v23 =	vld [tilespmem:s26+$0x4520]  }
0x12f: {  	[tilespmem:s26+$0x4120] =	vst v31;
	v31 =	vadd.f32 v39, v43;
	v25 =	vmul.f32 v39, v39;
	v41 =	vsub.f32 v30, v48;
	v39 =	vld [tilespmem:s26+$0x4530]  }
0x130: {  	[tilespmem:s26+$0x4130] =	vst v38;
	v43 =	vadd.f32 v40, v42;
	v30 =	vmul.f32 v40, v40;
	v37 =	vsub.f32 v37, v36;
	v40 =	vld [tilespmem:s26+$0x4540]  }
0x131: {  	s28 =	sadd.s32 $0x80, s28;
	s29 =	sadd.s32 $0x100, s29;
	[tilespmem:s26+$0x4140] =	vst v31;
	v42 =	vadd.f32 v41, v48;
	v31 =	vmul.f32 v41, v41;
	v38 =	vsub.f32 v44, v35;
	v41 =	vld [tilespmem:s26+$0x4550]  }
0x132: {  	[tilespmem:s26+$0x4150] =	vst v43;
	v56 =	vld [tilespmem:s26+$0x4560];
	v36 =	vadd.f32 v37, v36;
	v44 =	vsub.f32 v22, v34  }
0x133: {  	[tilespmem:s26+$0x4160] =	vst v42;
	v22 =	vadd.f32 v38, v35;
	v57 =	vsub.f32 v23, v33;
	v23 =	vld [tilespmem:s26+$0x4570]  }
0x134: {  	[tilespmem:s26+$0x4170] =	vst v36;
	v34 =	vadd.f32 v44, v34;
	v58 =	vsub.f32 v39, v32  }
0x135: {  	[tilespmem:s26+$0x4500] =	vst v22;
	v22 =	vadd.f32 v57, v33;
	v59 =	vsub.f32 v40, v29  }
0x136: {  	[tilespmem:s26+$0x4510] =	vst v34;
	v32 =	vadd.f32 v58, v32;
	v60 =	vsub.f32 v41, v28  }
0x137: {  	[tilespmem:s26+$0x4520] =	vst v22;
	v22 =	vadd.f32 v59, v29;
	v61 =	vsub.f32 v56, v27  }
0x138: {  	[tilespmem:s26+$0x4530] =	vst v32;
	v28 =	vadd.f32 v60, v28;
	v62 =	vsub.f32 v23, v26  }
0x139: {  	[tilespmem:s26+$0x4540] =	vst v22;
	v22 =	vadd.f32 v61, v27  }
0x13a: {  	[tilespmem:s26+$0x4550] =	vst v28;
	v23 =	vadd.f32 v62, v26  }
0x13b: {  	[tilespmem:s26+$0x4560] =	vst v22  }
0x13c: {  	s21 =	simm.s32 $0x0;
	[tilespmem:s26+$0x4570] =	vst v23  }
0x13d: {  	[hbm4b:s9+s21] =	stream.linear.scatter [tilespmem:s25], [sflag:$0x5], $0x4000, $0x38;
	[tilespmem:$0x18180] =	vst v63  }
0x13e: {  	v22 =	vld [tilespmem:$0xC0];
	_ =	sdelay $0x4  }
0x13f: {  	v23 =	vshll.u32 v22, $0x1  }
0x140: {  	v22 =	vand.u32 $0x7, v22;
	v23 =	vand.u32 $0xFFFFFFF0, v23  }
0x141: {  	v22 =	vor.u32 v22, v23  }
0x142: {  	v23 =	vperm.xlane v22, v0;
	_ =	sdelay $0x1  }
0x143: {  	v22 =	vperm.xlane v22, v2;
	v23 =	vadd.s32 v1, v23;
	_ =	sdelay $0x1  }
0x144: {  	v22 =	vadd.s32 v1, v22;
	_ =	sdelay $0x2  }
0x145: {  	[tilespmem:s1], [sflag:$0x2] =	stream.indirect_vreg.gather [hbm4b:s3+s21], $0x80, v23, vm0, $0xb8;
	[tilespmem:$0x18180] =	vst v63  }
0x146: {  	s30 =	simm.s32 $0xC900  }
0x147: {  	[tilespmem:s30], [sflag:$0x2] =	stream.indirect_vreg.gather [hbm4b:s3+s21], $0x80, v22, vm0, $0xb8;
	[tilespmem:$0x18180] =	vst v63  }
0x148: {  	v22 =	vld [tilespmem:$0xD0];
	_ =	sdelay $0x4  }
0x149: {  	v23 =	vshll.u32 v22, $0x1  }
0x14a: {  	v22 =	vand.u32 $0x7, v22;
	v23 =	vand.u32 $0xFFFFFFF0, v23  }
0x14b: {  	v22 =	vor.u32 v22, v23  }
0x14c: {  	v23 =	vperm.xlane v22, v0;
	_ =	sdelay $0x1  }
0x14d: {  	v22 =	vperm.xlane v22, v2;
	v23 =	vadd.s32 v1, v23;
	_ =	sdelay $0x1  }
0x14e: {  	v22 =	vadd.s32 v1, v22;
	_ =	sdelay $0x1  }
0x14f: {  	s30 =	simm.s32 $0xD100  }
0x150: {  	[tilespmem:s30], [sflag:$0x2] =	stream.indirect_vreg.gather [hbm4b:s3+s21], $0x80, v23, vm0, $0xb8;
	[tilespmem:$0x18180] =	vst v63  }
0x151: {  	s30 =	simm.s32 $0xD900  }
0x152: {  	[tilespmem:s30], [sflag:$0x2] =	stream.indirect_vreg.gather [hbm4b:s3+s21], $0x80, v22, vm0, $0xb8;
	[tilespmem:$0x18180] =	vst v63  }
0x153: {  	v22 =	vld [tilespmem:$0xE0];
	_ =	sdelay $0x4  }
0x154: {  	v23 =	vshll.u32 v22, $0x1  }
0x155: {  	v22 =	vand.u32 $0x7, v22;
	v23 =	vand.u32 $0xFFFFFFF0, v23  }
0x156: {  	v22 =	vor.u32 v22, v23  }
0x157: {  	v23 =	vperm.xlane v22, v0;
	_ =	sdelay $0x1  }
0x158: {  	v22 =	vperm.xlane v22, v2;
	v23 =	vadd.s32 v1, v23;
	_ =	sdelay $0x1  }
0x159: {  	v22 =	vadd.s32 v1, v22;
	_ =	sdelay $0x1  }
0x15a: {  	s30 =	simm.s32 $0xE100  }
0x15b: {  	[tilespmem:s30], [sflag:$0x2] =	stream.indirect_vreg.gather [hbm4b:s3+s21], $0x80, v23, vm0, $0xb8;
	[tilespmem:$0x18180] =	vst v63  }
0x15c: {  	s30 =	simm.s32 $0xE900  }
0x15d: {  	[tilespmem:s30], [sflag:$0x2] =	stream.indirect_vreg.gather [hbm4b:s3+s21], $0x80, v22, vm0, $0xb8;
	[tilespmem:$0x18180] =	vst v63  }
0x15e: {  	v22 =	vld [tilespmem:$0xF0];
	_ =	sdelay $0x4  }
0x15f: {  	v23 =	vshll.u32 v22, $0x1  }
0x160: {  	v22 =	vand.u32 $0x7, v22;
	v23 =	vand.u32 $0xFFFFFFF0, v23  }
0x161: {  	v22 =	vor.u32 v22, v23  }
0x162: {  	v23 =	vperm.xlane v22, v0;
	_ =	sdelay $0x1  }
0x163: {  	v22 =	vperm.xlane v22, v2;
	v23 =	vadd.s32 v1, v23;
	_ =	sdelay $0x1  }
0x164: {  	v22 =	vadd.s32 v1, v22;
	_ =	sdelay $0x1  }
0x165: {  	s30 =	simm.s32 $0xF100  }
0x166: {  	[tilespmem:s30], [sflag:$0x2] =	stream.indirect_vreg.gather [hbm4b:s3+s21], $0x80, v23, vm0, $0xb8;
	[tilespmem:$0x18180] =	vst v63  }
0x167: {  	s30 =	simm.s32 $0xF900  }
0x168: {  	[tilespmem:s30], [sflag:$0x2] =	stream.indirect_vreg.gather [hbm4b:s3+s21], $0x80, v22, vm0, $0xb8;
	[tilespmem:$0x18180] =	vst v63  }
0x169: {  	_ = 	snop  }
0x16a: {  	[tilespmem:s17], [sflag:$0x4] =	stream.linear.gather [hbm4b:s10+s21], $0x4000, $0x38;
	[tilespmem:$0x18180] =	vst v63  }
0x16b: {  	_ =	swait.ge [sflag:s18], $0x4000  }
0x16c: {  	[sflag:s18] =	ssyncset.done $0x0  }
0x16d: {  	[sflag:s18] =	ssyncadd.s32 $0xFFFFC000  }
0x16e: {  	_ =	swait.ge [sflag:s19], $0x4000  }
0x16f: {  	s30 =	sand.u32 $0x3800, s21;
	s21 =	sand.u32 $0x380, s21;
	[sflag:s19] =	ssyncset.done $0x0  }
0x170: {  	s26 =	sor.u32 s21, s30;
	[sflag:s19] =	ssyncadd.s32 $0xFFFFC000  }
0x171: {  	v63 =	vld [tilespmem:s26+$0x10100]  }
0x172: {  	v45 =	vld [tilespmem:s26+$0x10110]  }
0x173: {  	v46 =	vld [tilespmem:s26+$0x10120]  }
0x174: {  	v47 =	vld [tilespmem:s26+$0x10130]  }
0x175: {  	v48 =	vld [tilespmem:s26+$0x10140]  }
0x176: {  	v49 =	vld [tilespmem:s26+$0x10150]  }
0x177: {  	v50 =	vld [tilespmem:s26+$0x10160]  }
0x178: {  	v34 =	vld [tilespmem:s26+$0x10170]  }
0x179: {  	v33 =	vld [tilespmem:s26+$0x10500]  }
0x17a: {  	v32 =	vld [tilespmem:s26+$0x10510]  }
0x17b: {  	v29 =	vld [tilespmem:s26+$0x10520]  }
0x17c: {  	v3 =	vadd.f32 v21, v3;
	v4 =	vadd.f32 v19, v4;
	v28 =	vld [tilespmem:s26+$0x10530]  }
0x17d: {  	v5 =	vadd.f32 v20, v5;
	v6 =	vadd.f32 v24, v6;
	v27 =	vld [tilespmem:s26+$0x10540]  }
0x17e: {  	v7 =	vadd.f32 v25, v7;
	v21 =	vmul.f32 v37, v37;
	v25 =	vmul.f32 v38, v38;
	v51 =	vld [tilespmem:s26+$0x8100]  }
0x17f: {  	v8 =	vadd.f32 v30, v8;
	v9 =	vadd.f32 v31, v9;
	v30 =	vmul.f32 v44, v44;
	v19 =	vld [tilespmem:s26+$0x8110]  }
0x180: {  	v10 =	vadd.f32 v21, v10;
	v35 =	vmul.f32 v57, v57;
	v11 =	vadd.f32 v25, v11;
	v20 =	vld [tilespmem:s26+$0x8120]  }
0x181: {  	v36 =	vmul.f32 v58, v58;
	v12 =	vadd.f32 v30, v12;
	v30 =	vmul.f32 v59, v59;
	v24 =	vld [tilespmem:s26+$0x8130]  }
0x182: {  	v13 =	vadd.f32 v35, v13;
	v59 =	vmul.f32 v60, v60;
	v60 =	vmul.f32 v61, v61;
	v31 =	vld [tilespmem:s26+$0x8140]  }
0x183: {  	v14 =	vadd.f32 v36, v14;
	v15 =	vadd.f32 v30, v15;
	v30 =	vmul.f32 v62, v62;
	v54 =	vld [tilespmem:s26+$0x8150]  }
0x184: {  	v16 =	vadd.f32 v59, v16;
	v17 =	vadd.f32 v60, v17;
	v55 =	vld [tilespmem:s26+$0x8160]  }
0x185: {  	v18 =	vadd.f32 v30, v18;
	v56 =	vld [tilespmem:s26+$0x8170];
	v21 =	vsub.f32 v51, v63  }
0x186: {  	v57 =	vld [tilespmem:s26+$0x8500];
	v25 =	vsub.f32 v19, v45;
	v58 =	vsub.f32 v20, v46  }
0x187: {  	v26 =	vld [tilespmem:s26+$0x10550];
	v61 =	vsub.f32 v24, v47;
	v31 =	vsub.f32 v31, v48  }
0x188: {  	v23 =	vld [tilespmem:s26+$0x10560];
	v37 =	vsub.f32 v54, v49;
	v19 =	vadd.f32 v21, v63  }
0x189: {  	v22 =	vld [tilespmem:s26+$0x10570];
	v38 =	vsub.f32 v55, v50;
	v20 =	vadd.f32 v25, v45  }
0x18a: {  	v39 =	vsub.f32 v56, v34;
	v24 =	vadd.f32 v58, v46;
	[tilespmem:s26+$0x8100] =	vst v19;
	v19 =	vld [tilespmem:s26+$0x8510]  }
0x18b: {  	v40 =	vsub.f32 v57, v33;
	v62 =	vadd.f32 v61, v47;
	v25 =	vmul.f32 v25, v25;
	[tilespmem:s26+$0x8110] =	vst v20;
	v20 =	vld [tilespmem:s26+$0x8520]  }
0x18c: {  	v30 =	vmul.f32 v58, v58;
	v63 =	vadd.f32 v31, v48;
	[tilespmem:s26+$0x8120] =	vst v24;
	v24 =	vmul.f32 v21, v21;
	v21 =	vld [tilespmem:s26+$0x8530]  }
0x18d: {  	v35 =	vmul.f32 v61, v61;
	v36 =	vmul.f32 v31, v31;
	v31 =	vld [tilespmem:s26+$0x8540];
	v43 =	vadd.f32 v37, v49;
	[tilespmem:s26+$0x8130] =	vst v62  }
0x18e: {  	s28 =	simm.s32 $0x80;
	s29 =	simm.s32 $0x100;
	v41 =	vld [tilespmem:s26+$0x8550];
	v37 =	vmul.f32 v37, v37;
	v42 =	vadd.f32 v38, v50;
	v38 =	vmul.f32 v38, v38;
	[tilespmem:s26+$0x8140] =	vst v63  }
.LBB2_6:
0x18f: {  	s21 =	sand.u32 $0x3800, s29;
	s30 =	sand.u32 $0x380, s28;
	p0 =	sne.s32 s29, $0x3F00;
	[tilespmem:s26+$0x8150] =	vst v43;
	v34 =	vadd.f32 v39, v34;
	v39 =	vmul.f32 v39, v39;
	v19 =	vsub.f32 v19, v32;
	v43 =	vld [tilespmem:s26+$0x8560]  }
0x190: {  	s21 =	sor.u32 s30, s21;
	[tilespmem:s26+$0x8160] =	vst v42;
	v33 =	vadd.f32 v40, v33;
	v40 =	vmul.f32 v40, v40;
	v20 =	vsub.f32 v20, v29;
	v42 =	vld [tilespmem:s26+$0x8570]  }
0x191: {  	v44 =	vld [tilespmem:s21+$0x10100];
	[tilespmem:s26+$0x8170] =	vst v34;
	v32 =	vadd.f32 v19, v32;
	v19 =	vmul.f32 v19, v19;
	v21 =	vsub.f32 v21, v28  }
0x192: {  	v45 =	vld [tilespmem:s21+$0x10110];
	[tilespmem:s26+$0x8500] =	vst v33;
	v29 =	vadd.f32 v20, v29;
	v20 =	vmul.f32 v20, v20;
	v31 =	vsub.f32 v31, v27  }
0x193: {  	v46 =	vld [tilespmem:s21+$0x10120];
	[tilespmem:s26+$0x8510] =	vst v32;
	v28 =	vadd.f32 v21, v28;
	v21 =	vmul.f32 v21, v21;
	v32 =	vsub.f32 v41, v26  }
0x194: {  	v41 =	vld [tilespmem:s21+$0x10130];
	[tilespmem:s26+$0x8520] =	vst v29;
	v27 =	vadd.f32 v31, v27;
	v31 =	vmul.f32 v31, v31;
	v29 =	vsub.f32 v43, v23  }
0x195: {  	v43 =	vld [tilespmem:s21+$0x10140];
	[tilespmem:s26+$0x8530] =	vst v28;
	v26 =	vadd.f32 v32, v26;
	v47 =	vmul.f32 v32, v32;
	v28 =	vsub.f32 v42, v22  }
0x196: {  	v3 =	vadd.f32 v24, v3;
	v42 =	vld [tilespmem:s21+$0x10150];
	[tilespmem:s26+$0x8540] =	vst v27;
	v23 =	vadd.f32 v29, v23;
	v24 =	vmul.f32 v29, v29  }
0x197: {  	v4 =	vadd.f32 v25, v4;
	v48 =	vld [tilespmem:s21+$0x10160];
	[tilespmem:s26+$0x8550] =	vst v26;
	v22 =	vadd.f32 v28, v22;
	v25 =	vmul.f32 v28, v28  }
0x198: {  	v5 =	vadd.f32 v30, v5;
	v6 =	vadd.f32 v35, v6;
	v34 =	vld [tilespmem:s21+$0x10170];
	[tilespmem:s26+$0x8560] =	vst v23  }
0x199: {  	v7 =	vadd.f32 v36, v7;
	v8 =	vadd.f32 v37, v8;
	v33 =	vld [tilespmem:s21+$0x10500];
	[tilespmem:s26+$0x8570] =	vst v22;
	s26 =	smov.u32 s21  }
0x19a: {  	v9 =	vadd.f32 v38, v9;
	v10 =	vadd.f32 v39, v10;
	v32 =	vld [tilespmem:s26+$0x10510]  }
0x19b: {  	v11 =	vadd.f32 v40, v11;
	v12 =	vadd.f32 v19, v12;
	v29 =	vld [tilespmem:s26+$0x10520]  }
0x19c: {  	v13 =	vadd.f32 v20, v13;
	v14 =	vadd.f32 v21, v14;
	v28 =	vld [tilespmem:s26+$0x10530]  }
0x19d: {  	v15 =	vadd.f32 v31, v15;
	v16 =	vadd.f32 v47, v16;
	v27 =	vld [tilespmem:s26+$0x10540]  }
0x19e: {  	v17 =	vadd.f32 v24, v17;
	v18 =	vadd.f32 v25, v18;
	v26 =	vld [tilespmem:s26+$0x10550]  }
0x19f: {  	v23 =	vld [tilespmem:s26+$0x10560]  }
0x1a0: {  	v22 =	vld [tilespmem:s26+$0x10570]  }
0x1a1: {  	v19 =	vld [tilespmem:s26+$0x8100]  }
0x1a2: {  	v20 =	vld [tilespmem:s26+$0x8110]  }
0x1a3: {  	v21 =	vld [tilespmem:s26+$0x8120]  }
0x1a4: {  	v30 =	vld [tilespmem:s26+$0x8130]  }
0x1a5: {  	v31 =	vld [tilespmem:s26+$0x8140]  }
0x1a6: {  	v19 =	vsub.f32 v19, v44;
	v36 =	vld [tilespmem:s26+$0x8150]  }
0x1a7: {  	v20 =	vsub.f32 v20, v45;
	v37 =	vld [tilespmem:s26+$0x8160]  }
0x1a8: {  	v35 =	vadd.f32 v19, v44;
	v24 =	vmul.f32 v19, v19;
	v19 =	vsub.f32 v21, v46;
	v38 =	vld [tilespmem:s26+$0x8170]  }
0x1a9: {  	v21 =	vadd.f32 v20, v45;
	v25 =	vmul.f32 v20, v20;
	v20 =	vsub.f32 v30, v41;
	v40 =	vld [tilespmem:s26+$0x8500]  }
.Ltmp2:
0x1aa: {  	[tilespmem:s26+$0x8100] =	vst v35;
	v39 =	vadd.f32 v19, v46;
	v30 =	vmul.f32 v19, v19;
	v31 =	vsub.f32 v31, v43;
	v19 =	vld [tilespmem:s26+$0x8510];
	(pc) =	sbr.rel @p0 .LBB2_6-.Ltmp2, $4  }
0x1ab: {  	[tilespmem:s26+$0x8110] =	vst v21;
	v41 =	vadd.f32 v20, v41;
	v35 =	vmul.f32 v20, v20;
	v44 =	vsub.f32 v36, v42;
	v20 =	vld [tilespmem:s26+$0x8520]  }
0x1ac: {  	[tilespmem:s26+$0x8120] =	vst v39;
	v45 =	vadd.f32 v31, v43;
	v36 =	vmul.f32 v31, v31;
	v46 =	vsub.f32 v37, v48;
	v21 =	vld [tilespmem:s26+$0x8530]  }
0x1ad: {  	[tilespmem:s26+$0x8130] =	vst v41;
	v43 =	vadd.f32 v44, v42;
	v37 =	vmul.f32 v44, v44;
	v39 =	vsub.f32 v38, v34;
	v31 =	vld [tilespmem:s26+$0x8540]  }
0x1ae: {  	s28 =	sadd.s32 $0x80, s28;
	s29 =	sadd.s32 $0x100, s29;
	[tilespmem:s26+$0x8140] =	vst v45;
	v42 =	vadd.f32 v46, v48;
	v38 =	vmul.f32 v46, v46;
	v40 =	vsub.f32 v40, v33;
	v41 =	vld [tilespmem:s26+$0x8550]  }
0x1af: {  	[tilespmem:s26+$0x8150] =	vst v43;
	v60 =	vld [tilespmem:s26+$0x8560];
	v34 =	vadd.f32 v39, v34;
	v44 =	vsub.f32 v19, v32  }
0x1b0: {  	[tilespmem:s26+$0x8160] =	vst v42;
	v19 =	vadd.f32 v40, v33;
	v61 =	vsub.f32 v20, v29;
	v20 =	vld [tilespmem:s26+$0x8570]  }
0x1b1: {  	[tilespmem:s26+$0x8170] =	vst v34;
	v32 =	vadd.f32 v44, v32;
	v45 =	vsub.f32 v21, v28  }
0x1b2: {  	[tilespmem:s26+$0x8500] =	vst v19;
	v19 =	vadd.f32 v61, v29;
	v46 =	vsub.f32 v31, v27  }
0x1b3: {  	[tilespmem:s26+$0x8510] =	vst v32;
	v21 =	vadd.f32 v45, v28;
	v41 =	vsub.f32 v41, v26  }
0x1b4: {  	[tilespmem:s26+$0x8520] =	vst v19;
	v19 =	vadd.f32 v46, v27;
	v43 =	vsub.f32 v60, v23  }
0x1b5: {  	[tilespmem:s26+$0x8530] =	vst v21;
	v21 =	vadd.f32 v41, v26;
	v47 =	vsub.f32 v20, v22  }
0x1b6: {  	[tilespmem:s26+$0x8540] =	vst v19;
	v19 =	vadd.f32 v43, v23  }
0x1b7: {  	[tilespmem:s26+$0x8550] =	vst v21;
	v20 =	vadd.f32 v47, v22  }
0x1b8: {  	[tilespmem:s26+$0x8560] =	vst v19  }
0x1b9: {  	s21 =	simm.s32 $0x0;
	[tilespmem:s26+$0x8570] =	vst v20  }
0x1ba: {  	[hbm4b:s11+s21] =	stream.linear.scatter [tilespmem:s20], [sflag:$0x5], $0x4000, $0x38;
	[tilespmem:$0x18180] =	vst v63  }
0x1bb: {  	_ =	swait.ge [sflag:s31], $0x4000  }
0x1bc: {  	[sflag:s31] =	ssyncset.done $0x0  }
0x1bd: {  	[sflag:s31] =	ssyncadd.s32 $0xFFFFC000  }
0x1be: {  	_ =	swait.ge [sflag:s0], $0x4000  }
0x1bf: {  	s30 =	sand.u32 $0x3800, s21;
	s21 =	sand.u32 $0x380, s21;
	[sflag:s0] =	ssyncset.done $0x0  }
0x1c0: {  	s26 =	sor.u32 s21, s30;
	[sflag:s0] =	ssyncadd.s32 $0xFFFFC000  }
0x1c1: {  	v48 =	vld [tilespmem:s26+$0x14100]  }
0x1c2: {  	v49 =	vld [tilespmem:s26+$0x14110]  }
0x1c3: {  	v50 =	vld [tilespmem:s26+$0x14120]  }
0x1c4: {  	v51 =	vld [tilespmem:s26+$0x14130]  }
0x1c5: {  	v52 =	vld [tilespmem:s26+$0x14140]  }
0x1c6: {  	v53 =	vld [tilespmem:s26+$0x14150]  }
0x1c7: {  	v54 =	vld [tilespmem:s26+$0x14160]  }
0x1c8: {  	v34 =	vld [tilespmem:s26+$0x14170]  }
0x1c9: {  	v33 =	vld [tilespmem:s26+$0x14500]  }
0x1ca: {  	v32 =	vld [tilespmem:s26+$0x14510]  }
0x1cb: {  	v31 =	vld [tilespmem:s26+$0x14520]  }
0x1cc: {  	v23 =	vld [tilespmem:s26+$0x14530]  }
0x1cd: {  	v24 =	vadd.f32 v24, v3;
	v22 =	vld [tilespmem:s26+$0x14540]  }
0x1ce: {  	v25 =	vadd.f32 v25, v4;
	v29 =	vadd.f32 v30, v5;
	v5 =	vmul.f32 v39, v39;
	v55 =	vld [tilespmem:s26+$0xC100]  }
0x1cf: {  	v30 =	vadd.f32 v38, v9;
	v28 =	vadd.f32 v37, v8;
	v8 =	vmul.f32 v61, v61;
	v3 =	vld [tilespmem:s26+$0xC110]  }
0x1d0: {  	v27 =	vadd.f32 v36, v7;
	v7 =	vmul.f32 v44, v44;
	v10 =	vadd.f32 v5, v10;
	v4 =	vld [tilespmem:s26+$0xC120]  }
0x1d1: {  	v5 =	vmul.f32 v45, v45;
	v26 =	vadd.f32 v35, v6;
	v6 =	vmul.f32 v40, v40;
	v62 =	vld [tilespmem:s26+$0xC130]  }
0x1d2: {  	v8 =	vadd.f32 v8, v13;
	v9 =	vadd.f32 v7, v12;
	v7 =	vmul.f32 v46, v46;
	v59 =	vld [tilespmem:s26+$0xC170]  }
0x1d3: {  	v11 =	vadd.f32 v6, v11;
	v60 =	vld [tilespmem:s26+$0xC500];
	v56 =	vsub.f32 v55, v48  }
0x1d4: {  	v6 =	vadd.f32 v5, v14;
	v7 =	vadd.f32 v7, v15;
	v21 =	vld [tilespmem:s26+$0x14550]  }
0x1d5: {  	v63 =	vld [tilespmem:s26+$0xC140];
	v12 =	vsub.f32 v3, v49;
	v3 =	vadd.f32 v56, v48  }
0x1d6: {  	v57 =	vld [tilespmem:s26+$0xC150];
	v14 =	vsub.f32 v4, v50;
	v4 =	vmul.f32 v41, v41;
	v15 =	vsub.f32 v62, v51  }
0x1d7: {  	v13 =	vmul.f32 v43, v43;
	v58 =	vld [tilespmem:s26+$0xC160];
	v43 =	vsub.f32 v59, v34;
	[tilespmem:s26+$0xC100] =	vst v3;
	v3 =	vadd.f32 v12, v49  }
0x1d8: {  	v20 =	vld [tilespmem:s26+$0x14560];
	v41 =	vsub.f32 v60, v33;
	v5 =	vadd.f32 v4, v16  }
0x1d9: {  	v19 =	vld [tilespmem:s26+$0x14570];
	v16 =	vmul.f32 v47, v47;
	v4 =	vadd.f32 v13, v17;
	[tilespmem:s26+$0xC110] =	vst v3;
	v3 =	vadd.f32 v14, v50  }
0x1da: {  	v35 =	vld [tilespmem:s26+$0xC510];
	v17 =	vsub.f32 v63, v52;
	v61 =	vadd.f32 v15, v51;
	v13 =	vmul.f32 v56, v56  }
0x1db: {  	v36 =	vld [tilespmem:s26+$0xC520];
	v15 =	vmul.f32 v15, v15;
	[tilespmem:s26+$0xC120] =	vst v3;
	v3 =	vadd.f32 v16, v18;
	v18 =	vsub.f32 v57, v53  }
0x1dc: {  	v37 =	vld [tilespmem:s26+$0xC530];
	v63 =	vsub.f32 v58, v54;
	v12 =	vmul.f32 v12, v12;
	v62 =	vadd.f32 v17, v52  }
0x1dd: {  	v38 =	vld [tilespmem:s26+$0xC540];
	[tilespmem:s26+$0xC130] =	vst v61;
	v14 =	vmul.f32 v14, v14;
	v16 =	vmul.f32 v17, v17;
	v42 =	vadd.f32 v18, v53  }
0x1de: {  	s28 =	simm.s32 $0x80;
	s29 =	simm.s32 $0x100;
	v39 =	vld [tilespmem:s26+$0xC550];
	v40 =	vadd.f32 v63, v54;
	[tilespmem:s26+$0xC140] =	vst v62;
	v17 =	vmul.f32 v18, v18;
	v18 =	vmul.f32 v63, v63  }
.LBB2_8:
0x1df: {  	s21 =	sand.u32 $0x3800, s29;
	s30 =	sand.u32 $0x380, s28;
	p0 =	sne.s32 s29, $0x3F00;
	[tilespmem:s26+$0xC150] =	vst v42;
	v34 =	vadd.f32 v43, v34;
	v42 =	vmul.f32 v43, v43;
	v35 =	vsub.f32 v35, v32;
	v43 =	vld [tilespmem:s26+$0xC560]  }
0x1e0: {  	s21 =	sor.u32 s30, s21;
	[tilespmem:s26+$0xC160] =	vst v40;
	v33 =	vadd.f32 v41, v33;
	v40 =	vmul.f32 v41, v41;
	v36 =	vsub.f32 v36, v31;
	v41 =	vld [tilespmem:s26+$0xC570]  }
0x1e1: {  	v44 =	vld [tilespmem:s21+$0x14100];
	[tilespmem:s26+$0xC170] =	vst v34;
	v32 =	vadd.f32 v35, v32;
	v35 =	vmul.f32 v35, v35;
	v34 =	vsub.f32 v37, v23  }
0x1e2: {  	v37 =	vld [tilespmem:s21+$0x14110];
	[tilespmem:s26+$0xC500] =	vst v33;
	v31 =	vadd.f32 v36, v31;
	v36 =	vmul.f32 v36, v36;
	v33 =	vsub.f32 v38, v22  }
0x1e3: {  	v38 =	vld [tilespmem:s21+$0x14120];
	[tilespmem:s26+$0xC510] =	vst v32;
	v23 =	vadd.f32 v34, v23;
	v45 =	vmul.f32 v34, v34;
	v32 =	vsub.f32 v39, v21  }
0x1e4: {  	v39 =	vld [tilespmem:s21+$0x14130];
	[tilespmem:s26+$0xC520] =	vst v31;
	v22 =	vadd.f32 v33, v22;
	v46 =	vmul.f32 v33, v33;
	v31 =	vsub.f32 v43, v20  }
0x1e5: {  	v43 =	vld [tilespmem:s21+$0x14140];
	[tilespmem:s26+$0xC530] =	vst v23;
	v21 =	vadd.f32 v32, v21;
	v47 =	vmul.f32 v32, v32;
	v23 =	vsub.f32 v41, v19  }
0x1e6: {  	v24 =	vadd.f32 v13, v24;
	v41 =	vld [tilespmem:s21+$0x14150];
	[tilespmem:s26+$0xC540] =	vst v22;
	v13 =	vadd.f32 v31, v20;
	v20 =	vmul.f32 v31, v31  }
0x1e7: {  	v25 =	vadd.f32 v12, v25;
	v48 =	vld [tilespmem:s21+$0x14160];
	[tilespmem:s26+$0xC550] =	vst v21;
	v12 =	vadd.f32 v23, v19;
	v19 =	vmul.f32 v23, v23  }
0x1e8: {  	v29 =	vadd.f32 v14, v29;
	v26 =	vadd.f32 v15, v26;
	v34 =	vld [tilespmem:s21+$0x14170];
	[tilespmem:s26+$0xC560] =	vst v13  }
0x1e9: {  	v27 =	vadd.f32 v16, v27;
	v28 =	vadd.f32 v17, v28;
	v33 =	vld [tilespmem:s21+$0x14500];
	[tilespmem:s26+$0xC570] =	vst v12;
	s26 =	smov.u32 s21  }
0x1ea: {  	v30 =	vadd.f32 v18, v30;
	v10 =	vadd.f32 v42, v10;
	v32 =	vld [tilespmem:s26+$0x14510]  }
0x1eb: {  	v11 =	vadd.f32 v40, v11;
	v9 =	vadd.f32 v35, v9;
	v31 =	vld [tilespmem:s26+$0x14520]  }
0x1ec: {  	v8 =	vadd.f32 v36, v8;
	v6 =	vadd.f32 v45, v6;
	v23 =	vld [tilespmem:s26+$0x14530]  }
0x1ed: {  	v7 =	vadd.f32 v46, v7;
	v5 =	vadd.f32 v47, v5;
	v22 =	vld [tilespmem:s26+$0x14540]  }
0x1ee: {  	v4 =	vadd.f32 v20, v4;
	v3 =	vadd.f32 v19, v3;
	v21 =	vld [tilespmem:s26+$0x14550]  }
0x1ef: {  	v20 =	vld [tilespmem:s26+$0x14560]  }
0x1f0: {  	v19 =	vld [tilespmem:s26+$0x14570]  }
0x1f1: {  	v12 =	vld [tilespmem:s26+$0xC100]  }
0x1f2: {  	v13 =	vld [tilespmem:s26+$0xC110]  }
0x1f3: {  	v14 =	vld [tilespmem:s26+$0xC120]  }
0x1f4: {  	v15 =	vld [tilespmem:s26+$0xC130]  }
0x1f5: {  	v16 =	vld [tilespmem:s26+$0xC140]  }
0x1f6: {  	v12 =	vsub.f32 v12, v44;
	v17 =	vld [tilespmem:s26+$0xC150]  }
0x1f7: {  	v18 =	vsub.f32 v13, v37;
	v40 =	vld [tilespmem:s26+$0xC160]  }
0x1f8: {  	v35 =	vadd.f32 v12, v44;
	v13 =	vmul.f32 v12, v12;
	v14 =	vsub.f32 v14, v38;
	v44 =	vld [tilespmem:s26+$0xC170]  }
0x1f9: {  	v36 =	vadd.f32 v18, v37;
	v12 =	vmul.f32 v18, v18;
	v15 =	vsub.f32 v15, v39;
	v45 =	vld [tilespmem:s26+$0xC500]  }
.Ltmp3:
0x1fa: {  	[tilespmem:s26+$0xC100] =	vst v35;
	v18 =	vadd.f32 v14, v38;
	v14 =	vmul.f32 v14, v14;
	v16 =	vsub.f32 v16, v43;
	v35 =	vld [tilespmem:s26+$0xC510];
	(pc) =	sbr.rel @p0 .LBB2_8-.Ltmp3, $4  }
0x1fb: {  	[tilespmem:s26+$0xC110] =	vst v36;
	v38 =	vadd.f32 v15, v39;
	v15 =	vmul.f32 v15, v15;
	v17 =	vsub.f32 v17, v41;
	v36 =	vld [tilespmem:s26+$0xC520]  }
0x1fc: {  	[tilespmem:s26+$0xC120] =	vst v18;
	v18 =	vadd.f32 v16, v43;
	v16 =	vmul.f32 v16, v16;
	v39 =	vsub.f32 v40, v48;
	v37 =	vld [tilespmem:s26+$0xC530]  }
0x1fd: {  	[tilespmem:s26+$0xC130] =	vst v38;
	v42 =	vadd.f32 v17, v41;
	v17 =	vmul.f32 v17, v17;
	v43 =	vsub.f32 v44, v34;
	v38 =	vld [tilespmem:s26+$0xC540]  }
0x1fe: {  	s28 =	sadd.s32 $0x80, s28;
	s29 =	sadd.s32 $0x100, s29;
	[tilespmem:s26+$0xC140] =	vst v18;
	v40 =	vadd.f32 v39, v48;
	v18 =	vmul.f32 v39, v39;
	v41 =	vsub.f32 v45, v33;
	v39 =	vld [tilespmem:s26+$0xC550]  }
0x1ff: {  	v13 =	vadd.f32 v13, v24;
	v12 =	vadd.f32 v12, v25;
	_ =	sdelay $0x1  }
0x200: {  	v14 =	vadd.f32 v14, v29;
	v12 =	vadd.f32 v12, v13;
	_ =	sdelay $0x1  }
0x201: {  	v24 =	vadd.f32 v15, v26;
	v12 =	vadd.f32 v14, v12;
	_ =	sdelay $0x1  }
0x202: {  	v25 =	vadd.f32 v16, v27;
	v12 =	vadd.f32 v24, v12;
	_ =	sdelay $0x1  }
0x203: {  	v26 =	vadd.f32 v17, v28;
	v12 =	vadd.f32 v25, v12;
	_ =	sdelay $0x1  }
0x204: {  	v27 =	vmul.f32 v43, v43;
	v28 =	vadd.f32 v18, v30;
	v12 =	vadd.f32 v26, v12  }
0x205: {  	v29 =	vsub.f32 v35, v32  }
0x206: {  	v30 =	vmul.f32 v41, v41;
	v10 =	vadd.f32 v27, v10;
	v12 =	vadd.f32 v28, v12  }
0x207: {  	v35 =	vsub.f32 v36, v31  }
0x208: {  	v36 =	vmul.f32 v29, v29;
	v11 =	vadd.f32 v30, v11;
	v10 =	vadd.f32 v10, v12  }
0x209: {  	[tilespmem:s26+$0xC150] =	vst v42;
	v42 =	vadd.f32 v43, v34;
	v43 =	vsub.f32 v37, v23  }
0x20a: {  	v44 =	vld [tilespmem:s26+$0xC560];
	v45 =	vmul.f32 v35, v35;
	v9 =	vadd.f32 v36, v9;
	v10 =	vadd.f32 v11, v10  }
0x20b: {  	v46 =	vadd.f32 v41, v33;
	v47 =	vsub.f32 v38, v22  }
0x20c: {  	v48 =	vld [tilespmem:s26+$0xC570];
	v49 =	vmul.f32 v43, v43;
	v8 =	vadd.f32 v45, v8;
	v9 =	vadd.f32 v9, v10  }
0x20d: {  	v50 =	vadd.f32 v29, v32;
	v51 =	vsub.f32 v39, v21  }
0x20e: {  	v52 =	vmul.f32 v47, v47;
	v6 =	vadd.f32 v49, v6;
	v8 =	vadd.f32 v8, v9  }
0x20f: {  	[tilespmem:s26+$0xC160] =	vst v40;
	v53 =	vadd.f32 v35, v31;
	v54 =	vsub.f32 v44, v20  }
0x210: {  	[tilespmem:s26+$0xC170] =	vst v42;
	v55 =	vmul.f32 v51, v51;
	v7 =	vadd.f32 v52, v7;
	v6 =	vadd.f32 v6, v8  }
0x211: {  	[tilespmem:s26+$0xC500] =	vst v46;
	v56 =	vadd.f32 v43, v23;
	v57 =	vsub.f32 v48, v19  }
0x212: {  	[tilespmem:s26+$0xC510] =	vst v50;
	v58 =	vmul.f32 v54, v54;
	v5 =	vadd.f32 v55, v5;
	v6 =	vadd.f32 v7, v6  }
0x213: {  	[tilespmem:s26+$0xC520] =	vst v53;
	v59 =	vadd.f32 v47, v22;
	v60 =	vadd.f32 v51, v21  }
0x214: {  	[tilespmem:s26+$0xC530] =	vst v56;
	v61 =	vmul.f32 v57, v57;
	v4 =	vadd.f32 v58, v4;
	v5 =	vadd.f32 v5, v6  }
0x215: {  	[tilespmem:s26+$0xC540] =	vst v59;
	v62 =	vadd.f32 v54, v20;
	v63 =	vadd.f32 v57, v19  }
0x216: {  	[tilespmem:s26+$0xC550] =	vst v60;
	v3 =	vadd.f32 v61, v3;
	v4 =	vadd.f32 v4, v5  }
0x217: {  	[tilespmem:s26+$0xC560] =	vst v62  }
0x218: {  	[tilespmem:s26+$0xC570] =	vst v63;
	v3 =	vadd.f32 v3, v4  }
0x219: {  	[hbm4b:s12+s2] =	stream.linear.scatter [tilespmem:s1], [sflag:$0x5], $0x4000, $0x38;
	[tilespmem:$0x18180] =	vst v63  }
0x21a: {  	s21 =	simm.s32 $0x18100;
	[tilespmem:$0x18100] =	vst v3  }
0x21b: {  	[hbm4b:s13+s2] =	stream.linear.scatter [tilespmem:s21], [sflag:$0x6], $0x80, $0x38;
	[tilespmem:$0x18180] =	vst v63  }
0x21c: {  	_ =	swait.ge [sflag:s15], $0x80  }
0x21d: {  	[sflag:s15] =	ssyncset.done $0x0  }
0x21e: {  	[sflag:s15] =	ssyncadd.s32 $0xFFFFFF80  }
0x21f: {  	_ =	swait.ge [sflag:s22], $0x4000  }
0x220: {  	[sflag:s22] =	ssyncset.done $0x0  }
0x221: {  	[sflag:s22] =	ssyncadd.s32 $0xFFFFC000  }
0x222: {  	_ =	swait.ge [sflag:s22], $0x4000  }
0x223: {  	[sflag:s22] =	ssyncset.done $0x0  }
0x224: {  	s23 =	sadd.s32 $0x1, s23;
	[sflag:s22] =	ssyncadd.s32 $0xFFFFC000  }
0x225: {  	p0 =	sne.s32 s23, s14;
	_ =	swait.ge [sflag:s22], $0x4000  }
.Ltmp4:
0x226: {  	[sflag:s22] =	ssyncset.done $0x0;
	(pc) =	sbr.rel @p0 .LBB2_1-.Ltmp4, $4  }
0x227: {  	[sflag:s22] =	ssyncadd.s32 $0xFFFFC000  }
0x228: {  	_ =	swait.ge [sflag:s22], $0x4000  }
0x229: {  	[sflag:s22] =	ssyncset.done $0x0  }
0x22a: {  	[sflag:s22] =	ssyncadd.s32 $0xFFFFC000  }
0x22b: {  	_ =	sfence.sel $0x180000  }
0x22c: {  	[bflag:$0x0] =	sbarrier.arrive $0xFFFF  }
0x22d: {  	_ =	strace $0x90000047  }
0x22e: {  	s0 =	stileid.u32;
	[bflag:$0x2] =	sbarrier.arrive $0xFFFF  }
0x22f: {  	p0 =	sne.s32 s0, $0x0;
	s0 =	rddreg [dreg:$0x3]  }
0x230: {  	s0 =	sadd.s32 @!p0 $0x100000, s0  }
0x231: {  	[sflag:s0] =	ssyncadd.tile.s32 @!p0 $0x1;
	_ =	shalt  }
.Lfunc_end2:
_tile_overlayer_lowered:
.L_overlay_start_2:
0x232: {  	(tag) =	ssettag $0x2  }
0x233: {  	s0 =	rddreg [dreg:$0x0];
	s2 =	stileid.u32  }
0x234: {  	s1 =	rddreg [dreg:$0x1];
	p0 =	sne.s32 s2, $0x0  }
0x235: {  	s3 =	rddreg [dreg:$0x2];
	[bflag:$0x3] =	sbarrier.arrive $0xFFFF;
	s2 =	simm.s32 @!p0 $0x1C06  }
0x236: {  	[timem:s3], [sflag:s2] =	dma.local @!p0 [hbm:s0], s1  }
0x237: {  	s0 =	simm.s32 @!p0 $0x6  }
0x238: {  	_ =	swait.ge @!p0 [sflag:s0], s1  }
0x239: {  	s1 =	ssub.s32 @!p0 $0x0, s1;
	[sflag:s0] =	ssyncset.done @!p0 $0x0  }
0x23a: {  	[sflag:s0] =	ssyncadd.s32 @!p0 s1  }
0x23b: {  	[bflag:$0x3] =	sbarrier.arrive $0xFFFF  }
0x23c: {  	_ =	shalt  }

</sc_bundles>
